<compile_context>
chip_gen: v7x
topology: tpu7x:2x2x1
jax: 0.10.2.dev20260603
libtpu: 0.0.44.dev20260713+nightly
codegen_flags: <defaults>
</compile_context>

<pallas_src>
import functools
import math

import jax
import jax.numpy as jnp
from jax import lax
from jax.experimental import pallas as pl
from jax.experimental.pallas import tpu as pltpu
from jax.experimental.pallas import tpu_sc as plsc

B = 4096
L = 200
EMB = 128
NGRAM = 3
DOUT = EMB * NGRAM
HALF = L // 2

NC = 2
NS = 16
NL = 16
NB = 32
NW = NC * NS
RPW = B // NW
HALFROWS = RPW // 2
IDXR = RPW * 2

S2 = math.sqrt(float(EMB)) / 2.0
S3 = float(EMB) / 3.0
K = 8
GPP = 2
NPASS = EMB // (NB * GPP)



def _disc_body(tok_hbm, table_hbm, out_hbm, idx_v, emb0, emb1, out_v, sem0, sem1):
  wid = lax.axis_index("s") * NC + lax.axis_index("c")

  pltpu.sync_copy(tok_hbm.at[pl.ds(wid * IDXR, IDXR)], idx_v)

  def start_gather(r, emb, sem):
    j0 = 2 * r
    pltpu.async_copy(table_hbm.at[idx_v.at[j0]], emb.at[pl.ds(0, HALF)], sem)
    pltpu.async_copy(table_hbm.at[idx_v.at[j0 + 1]], emb.at[pl.ds(HALF, HALF)], sem)

  def wait_gather(emb, sem):
    pltpu.make_async_copy(table_hbm.at[pl.ds(0, L)], emb, sem).wait()

  def unpack_even_odd(x):
    w = plsc.bitcast(x, jnp.uint32)
    even = plsc.bitcast(jnp.left_shift(w, 16), jnp.float32)
    odd = plsc.bitcast(w & jnp.full((NL,), 0xFFFF0000, jnp.uint32), jnp.float32)
    return even, odd

  def compute_row(r, emb):
    slot = lax.rem(r, HALFROWS)
    zf = jnp.zeros((NL,), jnp.float32)
    zb = jnp.zeros((NB,), jnp.bfloat16)
    for base in range(0, EMB // NB, GPP):

      @plsc.parallel_loop(0, L // K, carry=(zf,) * (6 * GPP) + (zb,) * (2 * GPP))
      def _loop(blk, carry):
        i0 = blk * K
        accs = list(carry[:6 * GPP])
        prevs = list(carry[6 * GPP:])
        for g in range(GPP):
          p1, q1 = prevs[2 * g], prevs[2 * g + 1]
          b1 = b2 = b3 = zb
          for j in range(K):
            lo = emb[i0 + j, pl.ds((base + g) * NB, NL)]
            hi = emb[i0 + j, pl.ds((base + g) * NB + NL, NL)]
            v = plsc.pack(lo, hi, format=plsc.PackFormat.INTERLEAVED)
            p = v * p1
            b1 = b1 + v
            b2 = b2 + p
            b3 = b3 + v * q1
            p1, q1 = v, p
          for a, blkacc in enumerate((b1, b2, b3)):
            e, o = unpack_even_odd(blkacc)
            accs[6 * g + 2 * a] = accs[6 * g + 2 * a] + e
            accs[6 * g + 2 * a + 1] = accs[6 * g + 2 * a + 1] + o
          prevs[2 * g], prevs[2 * g + 1] = p1, q1
        return tuple(accs) + tuple(prevs)

      for g in range(GPP):
        c0 = (base + g) * NB
        a1e, a1o, a2e, a2o, a3e, a3o = _loop[6 * g:6 * g + 6]
        out_v[slot, pl.ds(c0, NL)] = a1e
        out_v[slot, pl.ds(c0 + NL, NL)] = a1o
        out_v[slot, pl.ds(EMB + c0, NL)] = a2e * S2
        out_v[slot, pl.ds(EMB + c0 + NL, NL)] = a2o * S2
        out_v[slot, pl.ds(2 * EMB + c0, NL)] = a3e * S3
        out_v[slot, pl.ds(2 * EMB + c0 + NL, NL)] = a3o * S3

  start_gather(0, emb0, sem0)
  start_gather(1, emb1, sem1)

  def outer(g, carry):
    for b, (emb, sem) in enumerate(((emb0, sem0), (emb1, sem1))):
      r = 2 * g + b
      wait_gather(emb, sem)
      compute_row(r, emb)

      @pl.when(r + 2 < RPW)
      def _():
        start_gather(r + 2, emb, sem)

    @pl.when(g == HALFROWS // 2 - 1)
    def _():
      pltpu.sync_copy(out_v, out_hbm.at[pl.ds(wid * RPW, HALFROWS)])

    return carry

  lax.fori_loop(0, RPW // 2, outer, 0)

  pltpu.sync_copy(out_v, out_hbm.at[pl.ds(wid * RPW + HALFROWS, HALFROWS)])


@functools.partial(
    pl.kernel,
    out_type=jax.ShapeDtypeStruct((B, DOUT), jnp.float32),
    mesh=plsc.VectorSubcoreMesh(core_axis_name="c", subcore_axis_name="s"),
    scratch_types=[
        pltpu.VMEM((IDXR, HALF), jnp.int32),
        pltpu.VMEM((L, EMB), jnp.float32),
        pltpu.VMEM((L, EMB), jnp.float32),
        pltpu.VMEM((RPW // 2, DOUT), jnp.float32),
        pltpu.SemaphoreType.DMA,
        pltpu.SemaphoreType.DMA,
    ],
    compiler_params=pltpu.CompilerParams(use_tc_tiling_on_sc=False, needs_layout_passes=False),
)
def _disc_embed(tok_hbm, table_hbm, out_hbm, idx_v, emb0, emb1, out_v, sem0, sem1):
  _disc_body(tok_hbm, table_hbm, out_hbm, idx_v, emb0, emb1, out_v, sem0, sem1)


def kernel(tokens, table):
  tokens2d = tokens.reshape(NW * IDXR, HALF)
  return _disc_embed(tokens2d, table)

# --- scband reference (transcript-rebuilt; emitter-appended) ---
"""Pipeline reference for scband-disc-embedding-75986561401144 (READ-ONLY COPY).

The authoritative reference and input builder live on the scoring server;
editing this copy changes nothing except your own understanding.
"""

import jax, jax.numpy as jnp
import numpy as np

B = 4096
L = 200
VOCAB = 100000
EMB_DIM = 128
NGRAM = 3


def setup_inputs(seed: int = 0) -> dict:
    key = jax.random.key(seed)
    k1, k2 = jax.random.split(key)
    tokens = jax.random.randint(k1, (B, L), 0, VOCAB, dtype=jnp.int32)
    table = jax.random.normal(k2, (VOCAB, EMB_DIM), dtype=jnp.float32) * 0.02
    return {"tokens": tokens, "table": table}


def reference(tokens, table):
    # Faithful tensorized translation of DiscEmbedding.forward/_embed:
    # texts are pre-tokenized into int ids (word2idx lookup done offline).
    # For each n in 1..ngram: ngram embedding = prod of its token embeddings
    # scaled by sqrt(emb_dim)**(n-1); sum over all ngrams, divided by n;
    # results for each n concatenated along the feature axis.
    scaling = jnp.sqrt(jnp.asarray(EMB_DIM, dtype=jnp.float32))
    emb = jnp.take(table, tokens, axis=0)  # [B, L, d] gather (embedding lookup)
    Lcur = emb.shape[1]
    outs = []
    for n in range(1, NGRAM + 1):
        W = Lcur - n + 1  # number of n-grams (sliding windows)
        prod = emb[:, 0:W, :]
        for j in range(1, n):
            prod = prod * emb[:, j:j + W, :]
        ng = prod * (scaling ** (n - 1))
        outs.append(jnp.sum(ng, axis=1) / n)  # [B, d]
    return jnp.concatenate(outs, axis=-1)  # [B, d * ngram]

if __name__ == "__main__":
    import jax
    _d = setup_inputs()
    print(jax.jit(kernel)(*tuple(_d.values())))

</pallas_src>

<mosaic_0001>
#map = affine_map<(d0, d1) -> (0, 0)>
module attributes {stable_mosaic.version = 14 : i64} {
  func.func @_disc_embed(%arg0: i32, %arg1: i32, %arg2: memref<8192x100xi32, #tpu.memory_space<hbm>>, %arg3: memref<100000x128xf32, #tpu.memory_space<hbm>>, %arg4: memref<4096x384xf32, #tpu.memory_space<hbm>>, %arg5: memref<256x100xi32, #tpu.memory_space<vmem>>, %arg6: memref<200x128xf32, #tpu.memory_space<vmem>>, %arg7: memref<200x128xf32, #tpu.memory_space<vmem>>, %arg8: memref<64x384xf32, #tpu.memory_space<vmem>>, %arg9: memref<!tpu.dma_semaphore, #tpu.memory_space<semaphore_mem>>, %arg10: memref<!tpu.dma_semaphore, #tpu.memory_space<semaphore_mem>>) attributes {dimension_semantics = [#tpu.dimension_semantics<core_parallel>, #tpu.dimension_semantics<subcore_parallel>], iteration_bounds = array<i64: 2, 16>, scalar_prefetch = 0 : i64, scratch_operands = 6 : i64, tpu.core_type = #tpu.core_type<sc_vector_subcore>, window_params = [{transform_indices = #map}, {transform_indices = #map}, {transform_indices = #map}]} {
    %mul3A = arith.constant 2 : i32
    %mul3A_0 = arith.muli %arg1, %mul3A : i32
    %add3A = arith.addi %mul3A_0, %arg0 : i32
    %mul3A_1 = arith.constant 256 : i32
    %mul3A_2 = arith.muli %add3A, %mul3A_1 : i32
    "tpu.region"() ({
      %run_scoped3A = tpu.sem_alloc : memref<!tpu.dma_semaphore, #tpu.memory_space<semaphore_mem>>
      %dma_start3A_51 = arith.constant 0 : i32
      %dma_start3A_52 = tpu.memref_slice %arg2[%mul3A_2, %dma_start3A_51] : memref<8192x100xi32, #tpu.memory_space<hbm>> -> memref<256x100xi32, #tpu.memory_space<hbm>>
      %dma_start3A_53 = arith.constant 0 : i32
      %dma_start3A_54 = tpu.memref_slice %arg2[%mul3A_2, %dma_start3A_53] : memref<8192x100xi32, #tpu.memory_space<hbm>> -> memref<256x100xi32, #tpu.memory_space<hbm>>
      tpu.enqueue_dma source(%dma_start3A_54 : memref<256x100xi32, #tpu.memory_space<hbm>>) target(%arg5 : memref<256x100xi32, #tpu.memory_space<vmem>>) target_semaphore(%run_scoped3A : memref<!tpu.dma_semaphore, #tpu.memory_space<semaphore_mem>>)
      %dma_wait3A = arith.constant 0 : i32
      %dma_wait3A_55 = tpu.memref_slice %arg2[%mul3A_2, %dma_wait3A] : memref<8192x100xi32, #tpu.memory_space<hbm>> -> memref<256x100xi32, #tpu.memory_space<hbm>>
      %dma_wait3A_56 = arith.constant 0 : i32
      %dma_wait3A_57 = tpu.memref_slice %arg2[%mul3A_2, %dma_wait3A_56] : memref<8192x100xi32, #tpu.memory_space<hbm>> -> memref<256x100xi32, #tpu.memory_space<hbm>>
      tpu.wait_dma2 semaphore(%run_scoped3A : memref<!tpu.dma_semaphore, #tpu.memory_space<semaphore_mem>>) src(%dma_wait3A_57 : memref<256x100xi32, #tpu.memory_space<hbm>>) dst(%arg5 : memref<256x100xi32, #tpu.memory_space<vmem>>)
      tpu.yield
    }) : () -> ()
    %dma_start3A = arith.constant 0 : i32
    %dma_start3A_3 = arith.constant 0 : i32
    %dma_start3A_4 = arith.constant 0 : i32
    %dma_start3A_5 = tpu.memref_slice %arg6[%dma_start3A_3, %dma_start3A_4] : memref<200x128xf32, #tpu.memory_space<vmem>> -> memref<100x128xf32, #tpu.memory_space<vmem>>
    %dma_start3A_6 = arith.constant 0 : i32
    %dma_start3A_7 = tpu.memref_slice %arg5[%dma_start3A, %dma_start3A_6] : memref<256x100xi32, #tpu.memory_space<vmem>> -> memref<1x100xi32, #tpu.memory_space<vmem>>
    %dma_start3A_8 = tpu.memref_squeeze %dma_start3A_7 : memref<1x100xi32, #tpu.memory_space<vmem>> -> memref<100xi32, #tpu.memory_space<vmem>>
    %dma_start3A_9 = arith.constant 0 : i32
    %dma_start3A_10 = arith.constant 0 : i32
    %dma_start3A_11 = tpu.memref_slice %arg3[%dma_start3A_9, %dma_start3A_10] : memref<100000x128xf32, #tpu.memory_space<hbm>> -> memref<100000x128xf32, #tpu.memory_space<hbm>>
    tpu.enqueue_indirect_dma source(%dma_start3A_11 : memref<100000x128xf32, #tpu.memory_space<hbm>>) target(%dma_start3A_5 : memref<100x128xf32, #tpu.memory_space<vmem>>) offsets(%dma_start3A_8 : memref<100xi32, #tpu.memory_space<vmem>>) semaphore(%arg9 : memref<!tpu.dma_semaphore, #tpu.memory_space<semaphore_mem>>)
    %dma_start3A_12 = arith.constant 1 : i32
    %dma_start3A_13 = arith.constant 100 : i32
    %dma_start3A_14 = arith.constant 0 : i32
    %dma_start3A_15 = tpu.memref_slice %arg6[%dma_start3A_13, %dma_start3A_14] : memref<200x128xf32, #tpu.memory_space<vmem>> -> memref<100x128xf32, #tpu.memory_space<vmem>>
    %dma_start3A_16 = arith.constant 0 : i32
    %dma_start3A_17 = tpu.memref_slice %arg5[%dma_start3A_12, %dma_start3A_16] : memref<256x100xi32, #tpu.memory_space<vmem>> -> memref<1x100xi32, #tpu.memory_space<vmem>>
    %dma_start3A_18 = tpu.memref_squeeze %dma_start3A_17 : memref<1x100xi32, #tpu.memory_space<vmem>> -> memref<100xi32, #tpu.memory_space<vmem>>
    %dma_start3A_19 = arith.constant 0 : i32
    %dma_start3A_20 = arith.constant 0 : i32
    %dma_start3A_21 = tpu.memref_slice %arg3[%dma_start3A_19, %dma_start3A_20] : memref<100000x128xf32, #tpu.memory_space<hbm>> -> memref<100000x128xf32, #tpu.memory_space<hbm>>
    tpu.enqueue_indirect_dma source(%dma_start3A_21 : memref<100000x128xf32, #tpu.memory_space<hbm>>) target(%dma_start3A_15 : memref<100x128xf32, #tpu.memory_space<vmem>>) offsets(%dma_start3A_18 : memref<100xi32, #tpu.memory_space<vmem>>) semaphore(%arg9 : memref<!tpu.dma_semaphore, #tpu.memory_space<semaphore_mem>>)
    %dma_start3A_22 = arith.constant 2 : i32
    %dma_start3A_23 = arith.constant 0 : i32
    %dma_start3A_24 = arith.constant 0 : i32
    %dma_start3A_25 = tpu.memref_slice %arg7[%dma_start3A_23, %dma_start3A_24] : memref<200x128xf32, #tpu.memory_space<vmem>> -> memref<100x128xf32, #tpu.memory_space<vmem>>
    %dma_start3A_26 = arith.constant 0 : i32
    %dma_start3A_27 = tpu.memref_slice %arg5[%dma_start3A_22, %dma_start3A_26] : memref<256x100xi32, #tpu.memory_space<vmem>> -> memref<1x100xi32, #tpu.memory_space<vmem>>
    %dma_start3A_28 = tpu.memref_squeeze %dma_start3A_27 : memref<1x100xi32, #tpu.memory_space<vmem>> -> memref<100xi32, #tpu.memory_space<vmem>>
    %dma_start3A_29 = arith.constant 0 : i32
    %dma_start3A_30 = arith.constant 0 : i32
    %dma_start3A_31 = tpu.memref_slice %arg3[%dma_start3A_29, %dma_start3A_30] : memref<100000x128xf32, #tpu.memory_space<hbm>> -> memref<100000x128xf32, #tpu.memory_space<hbm>>
    tpu.enqueue_indirect_dma source(%dma_start3A_31 : memref<100000x128xf32, #tpu.memory_space<hbm>>) target(%dma_start3A_25 : memref<100x128xf32, #tpu.memory_space<vmem>>) offsets(%dma_start3A_28 : memref<100xi32, #tpu.memory_space<vmem>>) semaphore(%arg10 : memref<!tpu.dma_semaphore, #tpu.memory_space<semaphore_mem>>)
    %dma_start3A_32 = arith.constant 3 : i32
    %dma_start3A_33 = arith.constant 100 : i32
    %dma_start3A_34 = arith.constant 0 : i32
    %dma_start3A_35 = tpu.memref_slice %arg7[%dma_start3A_33, %dma_start3A_34] : memref<200x128xf32, #tpu.memory_space<vmem>> -> memref<100x128xf32, #tpu.memory_space<vmem>>
    %dma_start3A_36 = arith.constant 0 : i32
    %dma_start3A_37 = tpu.memref_slice %arg5[%dma_start3A_32, %dma_start3A_36] : memref<256x100xi32, #tpu.memory_space<vmem>> -> memref<1x100xi32, #tpu.memory_space<vmem>>
    %dma_start3A_38 = tpu.memref_squeeze %dma_start3A_37 : memref<1x100xi32, #tpu.memory_space<vmem>> -> memref<100xi32, #tpu.memory_space<vmem>>
    %dma_start3A_39 = arith.constant 0 : i32
    %dma_start3A_40 = arith.constant 0 : i32
    %dma_start3A_41 = tpu.memref_slice %arg3[%dma_start3A_39, %dma_start3A_40] : memref<100000x128xf32, #tpu.memory_space<hbm>> -> memref<100000x128xf32, #tpu.memory_space<hbm>>
    tpu.enqueue_indirect_dma source(%dma_start3A_41 : memref<100000x128xf32, #tpu.memory_space<hbm>>) target(%dma_start3A_35 : memref<100x128xf32, #tpu.memory_space<vmem>>) offsets(%dma_start3A_38 : memref<100xi32, #tpu.memory_space<vmem>>) semaphore(%arg10 : memref<!tpu.dma_semaphore, #tpu.memory_space<semaphore_mem>>)
    %scan3A = arith.constant 0 : i32
    %scan3A_42 = arith.constant 0 : i32
    %scan3A_43 = arith.constant 64 : i32
    %scan3A_44 = arith.addi %scan3A_42, %scan3A_43 : i32
    %scan3A_45 = arith.constant 1 : i32
    scf.for %scan3A_51 = %scan3A_42 to %scan3A_44 step %scan3A_45  : i32 {
      %mul3A_52 = arith.constant 2 : i32
      %mul3A_53 = arith.muli %mul3A_52, %scan3A_51 : i32
      %add3A_54 = arith.constant 0 : i32
      %add3A_55 = arith.addi %mul3A_53, %add3A_54 : i32
      %dma_wait3A = arith.constant 0 : i32
      %dma_wait3A_56 = arith.constant 0 : i32
      %dma_wait3A_57 = tpu.memref_slice %arg3[%dma_wait3A, %dma_wait3A_56] : memref<100000x128xf32, #tpu.memory_space<hbm>> -> memref<200x128xf32, #tpu.memory_space<hbm>>
      %dma_wait3A_58 = arith.constant 0 : i32
      %dma_wait3A_59 = arith.constant 0 : i32
      %dma_wait3A_60 = tpu.memref_slice %arg3[%dma_wait3A_58, %dma_wait3A_59] : memref<100000x128xf32, #tpu.memory_space<hbm>> -> memref<200x128xf32, #tpu.memory_space<hbm>>
      tpu.wait_dma2 semaphore(%arg9 : memref<!tpu.dma_semaphore, #tpu.memory_space<semaphore_mem>>) src(%dma_wait3A_60 : memref<200x128xf32, #tpu.memory_space<hbm>>) dst(%arg6 : memref<200x128xf32, #tpu.memory_space<vmem>>)
      %rem3A = arith.constant 64 : i32
      %rem3A_61 = arith.remsi %add3A_55, %rem3A : i32
      %broadcast_in_dim3A = arith.constant 0.000000e+00 : f32
      %broadcast_in_dim3A_62 = vector.broadcast %broadcast_in_dim3A : f32 to vector<16xf32>
      %broadcast_in_dim3A_63 = arith.constant 0.000000e+00 : bf16
      %broadcast_in_dim3A_64 = vector.broadcast %broadcast_in_dim3A_63 : bf16 to vector<32xbf16>
      %parallel_loop3A = arith.constant 0 : i32
      %parallel_loop3A_65 = arith.constant 25 : i32
      %parallel_loop3A_66 = arith.constant 1 : i32
      %parallel_loop3A_67:16 = scf.for %parallel_loop3A_350 = %parallel_loop3A to %parallel_loop3A_65 step %parallel_loop3A_66 iter_args(%parallel_loop3A_351 = %broadcast_in_dim3A_62, %parallel_loop3A_352 = %broadcast_in_dim3A_62, %parallel_loop3A_353 = %broadcast_in_dim3A_62, %parallel_loop3A_354 = %broadcast_in_dim3A_62, %parallel_loop3A_355 = %broadcast_in_dim3A_62, %parallel_loop3A_356 = %broadcast_in_dim3A_62, %parallel_loop3A_357 = %broadcast_in_dim3A_62, %parallel_loop3A_358 = %broadcast_in_dim3A_62, %parallel_loop3A_359 = %broadcast_in_dim3A_62, %parallel_loop3A_360 = %broadcast_in_dim3A_62, %parallel_loop3A_361 = %broadcast_in_dim3A_62, %parallel_loop3A_362 = %broadcast_in_dim3A_62, %parallel_loop3A_363 = %broadcast_in_dim3A_64, %parallel_loop3A_364 = %broadcast_in_dim3A_64, %parallel_loop3A_365 = %broadcast_in_dim3A_64, %parallel_loop3A_366 = %broadcast_in_dim3A_64) -> (vector<16xf32>, vector<16xf32>, vector<16xf32>, vector<16xf32>, vector<16xf32>, vector<16xf32>, vector<16xf32>, vector<16xf32>, vector<16xf32>, vector<16xf32>, vector<16xf32>, vector<16xf32>, vector<32xbf16>, vector<32xbf16>, vector<32xbf16>, vector<32xbf16>)  : i32 {
        %parallel_loop3A_367 = arith.constant 8 : i32
        %parallel_loop3A_368 = arith.muli %parallel_loop3A_350, %parallel_loop3A_367 : i32
        %parallel_loop3A_369 = arith.constant 0 : i32
        %parallel_loop3A_370 = arith.addi %parallel_loop3A_368, %parallel_loop3A_369 : i32
        %parallel_loop3A_371 = arith.index_cast %parallel_loop3A_370 : i32 to index
        %parallel_loop3A_372 = arith.constant 0 : index
        %parallel_loop3A_373 = tpu.vector_load %arg6[%parallel_loop3A_371, %parallel_loop3A_372] {strides = array<i32>} : memref<200x128xf32, #tpu.memory_space<vmem>>, vector<16xf32>,
        %parallel_loop3A_374 = arith.constant 0 : i32
        %parallel_loop3A_375 = arith.addi %parallel_loop3A_368, %parallel_loop3A_374 : i32
        %parallel_loop3A_376 = arith.index_cast %parallel_loop3A_375 : i32 to index
        %parallel_loop3A_377 = arith.constant 16 : index
        %parallel_loop3A_378 = tpu.vector_load %arg6[%parallel_loop3A_376, %parallel_loop3A_377] {strides = array<i32>} : memref<200x128xf32, #tpu.memory_space<vmem>>, vector<16xf32>,
        %parallel_loop3A_379 = tpu.pack_subelements %parallel_loop3A_373, %parallel_loop3A_378 {pack_format = #tpu.pack_format<interleaved>, positions = array<i32: 0, 1>} : vector<16xf32>, vector<16xf32> -> vector<32xbf16>
        %parallel_loop3A_380 = arith.mulf %parallel_loop3A_379, %parallel_loop3A_363 : vector<32xbf16>
        %parallel_loop3A_381 = arith.addf %broadcast_in_dim3A_64, %parallel_loop3A_379 : vector<32xbf16>
        %parallel_loop3A_382 = arith.addf %broadcast_in_dim3A_64, %parallel_loop3A_380 : vector<32xbf16>
        %parallel_loop3A_383 = arith.mulf %parallel_loop3A_379, %parallel_loop3A_364 : vector<32xbf16>
        %parallel_loop3A_384 = arith.addf %broadcast_in_dim3A_64, %parallel_loop3A_383 : vector<32xbf16>
        %parallel_loop3A_385 = arith.constant 1 : i32
        %parallel_loop3A_386 = arith.addi %parallel_loop3A_368, %parallel_loop3A_385 : i32
        %parallel_loop3A_387 = arith.index_cast %parallel_loop3A_386 : i32 to index
        %parallel_loop3A_388 = arith.constant 0 : index
        %parallel_loop3A_389 = tpu.vector_load %arg6[%parallel_loop3A_387, %parallel_loop3A_388] {strides = array<i32>} : memref<200x128xf32, #tpu.memory_space<vmem>>, vector<16xf32>,
        %parallel_loop3A_390 = arith.constant 1 : i32
        %parallel_loop3A_391 = arith.addi %parallel_loop3A_368, %parallel_loop3A_390 : i32
        %parallel_loop3A_392 = arith.index_cast %parallel_loop3A_391 : i32 to index
        %parallel_loop3A_393 = arith.constant 16 : index
        %parallel_loop3A_394 = tpu.vector_load %arg6[%parallel_loop3A_392, %parallel_loop3A_393] {strides = array<i32>} : memref<200x128xf32, #tpu.memory_space<vmem>>, vector<16xf32>,
        %parallel_loop3A_395 = tpu.pack_subelements %parallel_loop3A_389, %parallel_loop3A_394 {pack_format = #tpu.pack_format<interleaved>, positions = array<i32: 0, 1>} : vector<16xf32>, vector<16xf32> -> vector<32xbf16>
        %parallel_loop3A_396 = arith.mulf %parallel_loop3A_395, %parallel_loop3A_379 : vector<32xbf16>
        %parallel_loop3A_397 = arith.addf %parallel_loop3A_381, %parallel_loop3A_395 : vector<32xbf16>
        %parallel_loop3A_398 = arith.addf %parallel_loop3A_382, %parallel_loop3A_396 : vector<32xbf16>
        %parallel_loop3A_399 = arith.mulf %parallel_loop3A_395, %parallel_loop3A_380 : vector<32xbf16>
        %parallel_loop3A_400 = arith.addf %parallel_loop3A_384, %parallel_loop3A_399 : vector<32xbf16>
        %parallel_loop3A_401 = arith.constant 2 : i32
        %parallel_loop3A_402 = arith.addi %parallel_loop3A_368, %parallel_loop3A_401 : i32
        %parallel_loop3A_403 = arith.index_cast %parallel_loop3A_402 : i32 to index
        %parallel_loop3A_404 = arith.constant 0 : index
        %parallel_loop3A_405 = tpu.vector_load %arg6[%parallel_loop3A_403, %parallel_loop3A_404] {strides = array<i32>} : memref<200x128xf32, #tpu.memory_space<vmem>>, vector<16xf32>,
        %parallel_loop3A_406 = arith.constant 2 : i32
        %parallel_loop3A_407 = arith.addi %parallel_loop3A_368, %parallel_loop3A_406 : i32
        %parallel_loop3A_408 = arith.index_cast %parallel_loop3A_407 : i32 to index
        %parallel_loop3A_409 = arith.constant 16 : index
        %parallel_loop3A_410 = tpu.vector_load %arg6[%parallel_loop3A_408, %parallel_loop3A_409] {strides = array<i32>} : memref<200x128xf32, #tpu.memory_space<vmem>>, vector<16xf32>,
        %parallel_loop3A_411 = tpu.pack_subelements %parallel_loop3A_405, %parallel_loop3A_410 {pack_format = #tpu.pack_format<interleaved>, positions = array<i32: 0, 1>} : vector<16xf32>, vector<16xf32> -> vector<32xbf16>
        %parallel_loop3A_412 = arith.mulf %parallel_loop3A_411, %parallel_loop3A_395 : vector<32xbf16>
        %parallel_loop3A_413 = arith.addf %parallel_loop3A_397, %parallel_loop3A_411 : vector<32xbf16>
        %parallel_loop3A_414 = arith.addf %parallel_loop3A_398, %parallel_loop3A_412 : vector<32xbf16>
        %parallel_loop3A_415 = arith.mulf %parallel_loop3A_411, %parallel_loop3A_396 : vector<32xbf16>
        %parallel_loop3A_416 = arith.addf %parallel_loop3A_400, %parallel_loop3A_415 : vector<32xbf16>
        %parallel_loop3A_417 = arith.constant 3 : i32
        %parallel_loop3A_418 = arith.addi %parallel_loop3A_368, %parallel_loop3A_417 : i32
        %parallel_loop3A_419 = arith.index_cast %parallel_loop3A_418 : i32 to index
        %parallel_loop3A_420 = arith.constant 0 : index
        %parallel_loop3A_421 = tpu.vector_load %arg6[%parallel_loop3A_419, %parallel_loop3A_420] {strides = array<i32>} : memref<200x128xf32, #tpu.memory_space<vmem>>, vector<16xf32>,
        %parallel_loop3A_422 = arith.constant 3 : i32
        %parallel_loop3A_423 = arith.addi %parallel_loop3A_368, %parallel_loop3A_422 : i32
        %parallel_loop3A_424 = arith.index_cast %parallel_loop3A_423 : i32 to index
        %parallel_loop3A_425 = arith.constant 16 : index
        %parallel_loop3A_426 = tpu.vector_load %arg6[%parallel_loop3A_424, %parallel_loop3A_425] {strides = array<i32>} : memref<200x128xf32, #tpu.memory_space<vmem>>, vector<16xf32>,
        %parallel_loop3A_427 = tpu.pack_subelements %parallel_loop3A_421, %parallel_loop3A_426 {pack_format = #tpu.pack_format<interleaved>, positions = array<i32: 0, 1>} : vector<16xf32>, vector<16xf32> -> vector<32xbf16>
        %parallel_loop3A_428 = arith.mulf %parallel_loop3A_427, %parallel_loop3A_411 : vector<32xbf16>
        %parallel_loop3A_429 = arith.addf %parallel_loop3A_413, %parallel_loop3A_427 : vector<32xbf16>
        %parallel_loop3A_430 = arith.addf %parallel_loop3A_414, %parallel_loop3A_428 : vector<32xbf16>
        %parallel_loop3A_431 = arith.mulf %parallel_loop3A_427, %parallel_loop3A_412 : vector<32xbf16>
        %parallel_loop3A_432 = arith.addf %parallel_loop3A_416, %parallel_loop3A_431 : vector<32xbf16>
        %parallel_loop3A_433 = arith.constant 4 : i32
        %parallel_loop3A_434 = arith.addi %parallel_loop3A_368, %parallel_loop3A_433 : i32
        %parallel_loop3A_435 = arith.index_cast %parallel_loop3A_434 : i32 to index
        %parallel_loop3A_436 = arith.constant 0 : index
        %parallel_loop3A_437 = tpu.vector_load %arg6[%parallel_loop3A_435, %parallel_loop3A_436] {strides = array<i32>} : memref<200x128xf32, #tpu.memory_space<vmem>>, vector<16xf32>,
        %parallel_loop3A_438 = arith.constant 4 : i32
        %parallel_loop3A_439 = arith.addi %parallel_loop3A_368, %parallel_loop3A_438 : i32
        %parallel_loop3A_440 = arith.index_cast %parallel_loop3A_439 : i32 to index
        %parallel_loop3A_441 = arith.constant 16 : index
        %parallel_loop3A_442 = tpu.vector_load %arg6[%parallel_loop3A_440, %parallel_loop3A_441] {strides = array<i32>} : memref<200x128xf32, #tpu.memory_space<vmem>>, vector<16xf32>,
        %parallel_loop3A_443 = tpu.pack_subelements %parallel_loop3A_437, %parallel_loop3A_442 {pack_format = #tpu.pack_format<interleaved>, positions = array<i32: 0, 1>} : vector<16xf32>, vector<16xf32> -> vector<32xbf16>
        %parallel_loop3A_444 = arith.mulf %parallel_loop3A_443, %parallel_loop3A_427 : vector<32xbf16>
        %parallel_loop3A_445 = arith.addf %parallel_loop3A_429, %parallel_loop3A_443 : vector<32xbf16>
        %parallel_loop3A_446 = arith.addf %parallel_loop3A_430, %parallel_loop3A_444 : vector<32xbf16>
        %parallel_loop3A_447 = arith.mulf %parallel_loop3A_443, %parallel_loop3A_428 : vector<32xbf16>
        %parallel_loop3A_448 = arith.addf %parallel_loop3A_432, %parallel_loop3A_447 : vector<32xbf16>
        %parallel_loop3A_449 = arith.constant 5 : i32
        %parallel_loop3A_450 = arith.addi %parallel_loop3A_368, %parallel_loop3A_449 : i32
        %parallel_loop3A_451 = arith.index_cast %parallel_loop3A_450 : i32 to index
        %parallel_loop3A_452 = arith.constant 0 : index
        %parallel_loop3A_453 = tpu.vector_load %arg6[%parallel_loop3A_451, %parallel_loop3A_452] {strides = array<i32>} : memref<200x128xf32, #tpu.memory_space<vmem>>, vector<16xf32>,
        %parallel_loop3A_454 = arith.constant 5 : i32
        %parallel_loop3A_455 = arith.addi %parallel_loop3A_368, %parallel_loop3A_454 : i32
        %parallel_loop3A_456 = arith.index_cast %parallel_loop3A_455 : i32 to index
        %parallel_loop3A_457 = arith.constant 16 : index
        %parallel_loop3A_458 = tpu.vector_load %arg6[%parallel_loop3A_456, %parallel_loop3A_457] {strides = array<i32>} : memref<200x128xf32, #tpu.memory_space<vmem>>, vector<16xf32>,
        %parallel_loop3A_459 = tpu.pack_subelements %parallel_loop3A_453, %parallel_loop3A_458 {pack_format = #tpu.pack_format<interleaved>, positions = array<i32: 0, 1>} : vector<16xf32>, vector<16xf32> -> vector<32xbf16>
        %parallel_loop3A_460 = arith.mulf %parallel_loop3A_459, %parallel_loop3A_443 : vector<32xbf16>
        %parallel_loop3A_461 = arith.addf %parallel_loop3A_445, %parallel_loop3A_459 : vector<32xbf16>
        %parallel_loop3A_462 = arith.addf %parallel_loop3A_446, %parallel_loop3A_460 : vector<32xbf16>
        %parallel_loop3A_463 = arith.mulf %parallel_loop3A_459, %parallel_loop3A_444 : vector<32xbf16>
        %parallel_loop3A_464 = arith.addf %parallel_loop3A_448, %parallel_loop3A_463 : vector<32xbf16>
        %parallel_loop3A_465 = arith.constant 6 : i32
        %parallel_loop3A_466 = arith.addi %parallel_loop3A_368, %parallel_loop3A_465 : i32
        %parallel_loop3A_467 = arith.index_cast %parallel_loop3A_466 : i32 to index
        %parallel_loop3A_468 = arith.constant 0 : index
        %parallel_loop3A_469 = tpu.vector_load %arg6[%parallel_loop3A_467, %parallel_loop3A_468] {strides = array<i32>} : memref<200x128xf32, #tpu.memory_space<vmem>>, vector<16xf32>,
        %parallel_loop3A_470 = arith.constant 6 : i32
        %parallel_loop3A_471 = arith.addi %parallel_loop3A_368, %parallel_loop3A_470 : i32
        %parallel_loop3A_472 = arith.index_cast %parallel_loop3A_471 : i32 to index
        %parallel_loop3A_473 = arith.constant 16 : index
        %parallel_loop3A_474 = tpu.vector_load %arg6[%parallel_loop3A_472, %parallel_loop3A_473] {strides = array<i32>} : memref<200x128xf32, #tpu.memory_space<vmem>>, vector<16xf32>,
        %parallel_loop3A_475 = tpu.pack_subelements %parallel_loop3A_469, %parallel_loop3A_474 {pack_format = #tpu.pack_format<interleaved>, positions = array<i32: 0, 1>} : vector<16xf32>, vector<16xf32> -> vector<32xbf16>
        %parallel_loop3A_476 = arith.mulf %parallel_loop3A_475, %parallel_loop3A_459 : vector<32xbf16>
        %parallel_loop3A_477 = arith.addf %parallel_loop3A_461, %parallel_loop3A_475 : vector<32xbf16>
        %parallel_loop3A_478 = arith.addf %parallel_loop3A_462, %parallel_loop3A_476 : vector<32xbf16>
        %parallel_loop3A_479 = arith.mulf %parallel_loop3A_475, %parallel_loop3A_460 : vector<32xbf16>
        %parallel_loop3A_480 = arith.addf %parallel_loop3A_464, %parallel_loop3A_479 : vector<32xbf16>
        %parallel_loop3A_481 = arith.constant 7 : i32
        %parallel_loop3A_482 = arith.addi %parallel_loop3A_368, %parallel_loop3A_481 : i32
        %parallel_loop3A_483 = arith.index_cast %parallel_loop3A_482 : i32 to index
        %parallel_loop3A_484 = arith.constant 0 : index
        %parallel_loop3A_485 = tpu.vector_load %arg6[%parallel_loop3A_483, %parallel_loop3A_484] {strides = array<i32>} : memref<200x128xf32, #tpu.memory_space<vmem>>, vector<16xf32>,
        %parallel_loop3A_486 = arith.constant 7 : i32
        %parallel_loop3A_487 = arith.addi %parallel_loop3A_368, %parallel_loop3A_486 : i32
        %parallel_loop3A_488 = arith.index_cast %parallel_loop3A_487 : i32 to index
        %parallel_loop3A_489 = arith.constant 16 : index
        %parallel_loop3A_490 = tpu.vector_load %arg6[%parallel_loop3A_488, %parallel_loop3A_489] {strides = array<i32>} : memref<200x128xf32, #tpu.memory_space<vmem>>, vector<16xf32>,
        %parallel_loop3A_491 = tpu.pack_subelements %parallel_loop3A_485, %parallel_loop3A_490 {pack_format = #tpu.pack_format<interleaved>, positions = array<i32: 0, 1>} : vector<16xf32>, vector<16xf32> -> vector<32xbf16>
        %parallel_loop3A_492 = arith.mulf %parallel_loop3A_491, %parallel_loop3A_475 : vector<32xbf16>
        %parallel_loop3A_493 = arith.addf %parallel_loop3A_477, %parallel_loop3A_491 : vector<32xbf16>
        %parallel_loop3A_494 = arith.addf %parallel_loop3A_478, %parallel_loop3A_492 : vector<32xbf16>
        %parallel_loop3A_495 = arith.mulf %parallel_loop3A_491, %parallel_loop3A_476 : vector<32xbf16>
        %parallel_loop3A_496 = arith.addf %parallel_loop3A_480, %parallel_loop3A_495 : vector<32xbf16>
        %parallel_loop3A_497 = vector.bitcast %parallel_loop3A_493 : vector<32xbf16> to vector<16xi32>
        %parallel_loop3A_498 = arith.constant 16 : i32
        %parallel_loop3A_499 = vector.broadcast %parallel_loop3A_498 : i32 to vector<16xi32>
        %parallel_loop3A_500 = arith.shli %parallel_loop3A_497, %parallel_loop3A_499 : vector<16xi32>
        %parallel_loop3A_501 = vector.bitcast %parallel_loop3A_500 : vector<16xi32> to vector<16xf32>
        %parallel_loop3A_502 = arith.constant -65536 : i32
        %parallel_loop3A_503 = vector.broadcast %parallel_loop3A_502 : i32 to vector<16xi32>
        %parallel_loop3A_504 = arith.andi %parallel_loop3A_497, %parallel_loop3A_503 : vector<16xi32>
        %parallel_loop3A_505 = vector.bitcast %parallel_loop3A_504 : vector<16xi32> to vector<16xf32>
        %parallel_loop3A_506 = arith.addf %parallel_loop3A_351, %parallel_loop3A_501 : vector<16xf32>
        %parallel_loop3A_507 = arith.addf %parallel_loop3A_352, %parallel_loop3A_505 : vector<16xf32>
        %parallel_loop3A_508 = vector.bitcast %parallel_loop3A_494 : vector<32xbf16> to vector<16xi32>
        %parallel_loop3A_509 = arith.constant 16 : i32
        %parallel_loop3A_510 = vector.broadcast %parallel_loop3A_509 : i32 to vector<16xi32>
        %parallel_loop3A_511 = arith.shli %parallel_loop3A_508, %parallel_loop3A_510 : vector<16xi32>
        %parallel_loop3A_512 = vector.bitcast %parallel_loop3A_511 : vector<16xi32> to vector<16xf32>
        %parallel_loop3A_513 = arith.constant -65536 : i32
        %parallel_loop3A_514 = vector.broadcast %parallel_loop3A_513 : i32 to vector<16xi32>
        %parallel_loop3A_515 = arith.andi %parallel_loop3A_508, %parallel_loop3A_514 : vector<16xi32>
        %parallel_loop3A_516 = vector.bitcast %parallel_loop3A_515 : vector<16xi32> to vector<16xf32>
        %parallel_loop3A_517 = arith.addf %parallel_loop3A_353, %parallel_loop3A_512 : vector<16xf32>
        %parallel_loop3A_518 = arith.addf %parallel_loop3A_354, %parallel_loop3A_516 : vector<16xf32>
        %parallel_loop3A_519 = vector.bitcast %parallel_loop3A_496 : vector<32xbf16> to vector<16xi32>
        %parallel_loop3A_520 = arith.constant 16 : i32
        %parallel_loop3A_521 = vector.broadcast %parallel_loop3A_520 : i32 to vector<16xi32>
        %parallel_loop3A_522 = arith.shli %parallel_loop3A_519, %parallel_loop3A_521 : vector<16xi32>
        %parallel_loop3A_523 = vector.bitcast %parallel_loop3A_522 : vector<16xi32> to vector<16xf32>
        %parallel_loop3A_524 = arith.constant -65536 : i32
        %parallel_loop3A_525 = vector.broadcast %parallel_loop3A_524 : i32 to vector<16xi32>
        %parallel_loop3A_526 = arith.andi %parallel_loop3A_519, %parallel_loop3A_525 : vector<16xi32>
        %parallel_loop3A_527 = vector.bitcast %parallel_loop3A_526 : vector<16xi32> to vector<16xf32>
        %parallel_loop3A_528 = arith.addf %parallel_loop3A_355, %parallel_loop3A_523 : vector<16xf32>
        %parallel_loop3A_529 = arith.addf %parallel_loop3A_356, %parallel_loop3A_527 : vector<16xf32>
        %parallel_loop3A_530 = arith.constant 0 : i32
        %parallel_loop3A_531 = arith.addi %parallel_loop3A_368, %parallel_loop3A_530 : i32
        %parallel_loop3A_532 = arith.index_cast %parallel_loop3A_531 : i32 to index
        %parallel_loop3A_533 = arith.constant 32 : index
        %parallel_loop3A_534 = tpu.vector_load %arg6[%parallel_loop3A_532, %parallel_loop3A_533] {strides = array<i32>} : memref<200x128xf32, #tpu.memory_space<vmem>>, vector<16xf32>,
        %parallel_loop3A_535 = arith.constant 0 : i32
        %parallel_loop3A_536 = arith.addi %parallel_loop3A_368, %parallel_loop3A_535 : i32
        %parallel_loop3A_537 = arith.index_cast %parallel_loop3A_536 : i32 to index
        %parallel_loop3A_538 = arith.constant 48 : index
        %parallel_loop3A_539 = tpu.vector_load %arg6[%parallel_loop3A_537, %parallel_loop3A_538] {strides = array<i32>} : memref<200x128xf32, #tpu.memory_space<vmem>>, vector<16xf32>,
        %parallel_loop3A_540 = tpu.pack_subelements %parallel_loop3A_534, %parallel_loop3A_539 {pack_format = #tpu.pack_format<interleaved>, positions = array<i32: 0, 1>} : vector<16xf32>, vector<16xf32> -> vector<32xbf16>
        %parallel_loop3A_541 = arith.mulf %parallel_loop3A_540, %parallel_loop3A_365 : vector<32xbf16>
        %parallel_loop3A_542 = arith.addf %broadcast_in_dim3A_64, %parallel_loop3A_540 : vector<32xbf16>
        %parallel_loop3A_543 = arith.addf %broadcast_in_dim3A_64, %parallel_loop3A_541 : vector<32xbf16>
        %parallel_loop3A_544 = arith.mulf %parallel_loop3A_540, %parallel_loop3A_366 : vector<32xbf16>
        %parallel_loop3A_545 = arith.addf %broadcast_in_dim3A_64, %parallel_loop3A_544 : vector<32xbf16>
        %parallel_loop3A_546 = arith.constant 1 : i32
        %parallel_loop3A_547 = arith.addi %parallel_loop3A_368, %parallel_loop3A_546 : i32
        %parallel_loop3A_548 = arith.index_cast %parallel_loop3A_547 : i32 to index
        %parallel_loop3A_549 = arith.constant 32 : index
        %parallel_loop3A_550 = tpu.vector_load %arg6[%parallel_loop3A_548, %parallel_loop3A_549] {strides = array<i32>} : memref<200x128xf32, #tpu.memory_space<vmem>>, vector<16xf32>,
        %parallel_loop3A_551 = arith.constant 1 : i32
        %parallel_loop3A_552 = arith.addi %parallel_loop3A_368, %parallel_loop3A_551 : i32
        %parallel_loop3A_553 = arith.index_cast %parallel_loop3A_552 : i32 to index
        %parallel_loop3A_554 = arith.constant 48 : index
        %parallel_loop3A_555 = tpu.vector_load %arg6[%parallel_loop3A_553, %parallel_loop3A_554] {strides = array<i32>} : memref<200x128xf32, #tpu.memory_space<vmem>>, vector<16xf32>,
        %parallel_loop3A_556 = tpu.pack_subelements %parallel_loop3A_550, %parallel_loop3A_555 {pack_format = #tpu.pack_format<interleaved>, positions = array<i32: 0, 1>} : vector<16xf32>, vector<16xf32> -> vector<32xbf16>
        %parallel_loop3A_557 = arith.mulf %parallel_loop3A_556, %parallel_loop3A_540 : vector<32xbf16>
        %parallel_loop3A_558 = arith.addf %parallel_loop3A_542, %parallel_loop3A_556 : vector<32xbf16>
        %parallel_loop3A_559 = arith.addf %parallel_loop3A_543, %parallel_loop3A_557 : vector<32xbf16>
        %parallel_loop3A_560 = arith.mulf %parallel_loop3A_556, %parallel_loop3A_541 : vector<32xbf16>
        %parallel_loop3A_561 = arith.addf %parallel_loop3A_545, %parallel_loop3A_560 : vector<32xbf16>
        %parallel_loop3A_562 = arith.constant 2 : i32
        %parallel_loop3A_563 = arith.addi %parallel_loop3A_368, %parallel_loop3A_562 : i32
        %parallel_loop3A_564 = arith.index_cast %parallel_loop3A_563 : i32 to index
        %parallel_loop3A_565 = arith.constant 32 : index
        %parallel_loop3A_566 = tpu.vector_load %arg6[%parallel_loop3A_564, %parallel_loop3A_565] {strides = array<i32>} : memref<200x128xf32, #tpu.memory_space<vmem>>, vector<16xf32>,
        %parallel_loop3A_567 = arith.constant 2 : i32
        %parallel_loop3A_568 = arith.addi %parallel_loop3A_368, %parallel_loop3A_567 : i32
        %parallel_loop3A_569 = arith.index_cast %parallel_loop3A_568 : i32 to index
        %parallel_loop3A_570 = arith.constant 48 : index
        %parallel_loop3A_571 = tpu.vector_load %arg6[%parallel_loop3A_569, %parallel_loop3A_570] {strides = array<i32>} : memref<200x128xf32, #tpu.memory_space<vmem>>, vector<16xf32>,
        %parallel_loop3A_572 = tpu.pack_subelements %parallel_loop3A_566, %parallel_loop3A_571 {pack_format = #tpu.pack_format<interleaved>, positions = array<i32: 0, 1>} : vector<16xf32>, vector<16xf32> -> vector<32xbf16>
        %parallel_loop3A_573 = arith.mulf %parallel_loop3A_572, %parallel_loop3A_556 : vector<32xbf16>
        %parallel_loop3A_574 = arith.addf %parallel_loop3A_558, %parallel_loop3A_572 : vector<32xbf16>
        %parallel_loop3A_575 = arith.addf %parallel_loop3A_559, %parallel_loop3A_573 : vector<32xbf16>
        %parallel_loop3A_576 = arith.mulf %parallel_loop3A_572, %parallel_loop3A_557 : vector<32xbf16>
        %parallel_loop3A_577 = arith.addf %parallel_loop3A_561, %parallel_loop3A_576 : vector<32xbf16>
        %parallel_loop3A_578 = arith.constant 3 : i32
        %parallel_loop3A_579 = arith.addi %parallel_loop3A_368, %parallel_loop3A_578 : i32
        %parallel_loop3A_580 = arith.index_cast %parallel_loop3A_579 : i32 to index
        %parallel_loop3A_581 = arith.constant 32 : index
        %parallel_loop3A_582 = tpu.vector_load %arg6[%parallel_loop3A_580, %parallel_loop3A_581] {strides = array<i32>} : memref<200x128xf32, #tpu.memory_space<vmem>>, vector<16xf32>,
        %parallel_loop3A_583 = arith.constant 3 : i32
        %parallel_loop3A_584 = arith.addi %parallel_loop3A_368, %parallel_loop3A_583 : i32
        %parallel_loop3A_585 = arith.index_cast %parallel_loop3A_584 : i32 to index
        %parallel_loop3A_586 = arith.constant 48 : index
        %parallel_loop3A_587 = tpu.vector_load %arg6[%parallel_loop3A_585, %parallel_loop3A_586] {strides = array<i32>} : memref<200x128xf32, #tpu.memory_space<vmem>>, vector<16xf32>,
        %parallel_loop3A_588 = tpu.pack_subelements %parallel_loop3A_582, %parallel_loop3A_587 {pack_format = #tpu.pack_format<interleaved>, positions = array<i32: 0, 1>} : vector<16xf32>, vector<16xf32> -> vector<32xbf16>
        %parallel_loop3A_589 = arith.mulf %parallel_loop3A_588, %parallel_loop3A_572 : vector<32xbf16>
        %parallel_loop3A_590 = arith.addf %parallel_loop3A_574, %parallel_loop3A_588 : vector<32xbf16>
        %parallel_loop3A_591 = arith.addf %parallel_loop3A_575, %parallel_loop3A_589 : vector<32xbf16>
        %parallel_loop3A_592 = arith.mulf %parallel_loop3A_588, %parallel_loop3A_573 : vector<32xbf16>
        %parallel_loop3A_593 = arith.addf %parallel_loop3A_577, %parallel_loop3A_592 : vector<32xbf16>
        %parallel_loop3A_594 = arith.constant 4 : i32
        %parallel_loop3A_595 = arith.addi %parallel_loop3A_368, %parallel_loop3A_594 : i32
        %parallel_loop3A_596 = arith.index_cast %parallel_loop3A_595 : i32 to index
        %parallel_loop3A_597 = arith.constant 32 : index
        %parallel_loop3A_598 = tpu.vector_load %arg6[%parallel_loop3A_596, %parallel_loop3A_597] {strides = array<i32>} : memref<200x128xf32, #tpu.memory_space<vmem>>, vector<16xf32>,
        %parallel_loop3A_599 = arith.constant 4 : i32
        %parallel_loop3A_600 = arith.addi %parallel_loop3A_368, %parallel_loop3A_599 : i32
        %parallel_loop3A_601 = arith.index_cast %parallel_loop3A_600 : i32 to index
        %parallel_loop3A_602 = arith.constant 48 : index
        %parallel_loop3A_603 = tpu.vector_load %arg6[%parallel_loop3A_601, %parallel_loop3A_602] {strides = array<i32>} : memref<200x128xf32, #tpu.memory_space<vmem>>, vector<16xf32>,
        %parallel_loop3A_604 = tpu.pack_subelements %parallel_loop3A_598, %parallel_loop3A_603 {pack_format = #tpu.pack_format<interleaved>, positions = array<i32: 0, 1>} : vector<16xf32>, vector<16xf32> -> vector<32xbf16>
        %parallel_loop3A_605 = arith.mulf %parallel_loop3A_604, %parallel_loop3A_588 : vector<32xbf16>
        %parallel_loop3A_606 = arith.addf %parallel_loop3A_590, %parallel_loop3A_604 : vector<32xbf16>
        %parallel_loop3A_607 = arith.addf %parallel_loop3A_591, %parallel_loop3A_605 : vector<32xbf16>
        %parallel_loop3A_608 = arith.mulf %parallel_loop3A_604, %parallel_loop3A_589 : vector<32xbf16>
        %parallel_loop3A_609 = arith.addf %parallel_loop3A_593, %parallel_loop3A_608 : vector<32xbf16>
        %parallel_loop3A_610 = arith.constant 5 : i32
        %parallel_loop3A_611 = arith.addi %parallel_loop3A_368, %parallel_loop3A_610 : i32
        %parallel_loop3A_612 = arith.index_cast %parallel_loop3A_611 : i32 to index
        %parallel_loop3A_613 = arith.constant 32 : index
        %parallel_loop3A_614 = tpu.vector_load %arg6[%parallel_loop3A_612, %parallel_loop3A_613] {strides = array<i32>} : memref<200x128xf32, #tpu.memory_space<vmem>>, vector<16xf32>,
        %parallel_loop3A_615 = arith.constant 5 : i32
        %parallel_loop3A_616 = arith.addi %parallel_loop3A_368, %parallel_loop3A_615 : i32
        %parallel_loop3A_617 = arith.index_cast %parallel_loop3A_616 : i32 to index
        %parallel_loop3A_618 = arith.constant 48 : index
        %parallel_loop3A_619 = tpu.vector_load %arg6[%parallel_loop3A_617, %parallel_loop3A_618] {strides = array<i32>} : memref<200x128xf32, #tpu.memory_space<vmem>>, vector<16xf32>,
        %parallel_loop3A_620 = tpu.pack_subelements %parallel_loop3A_614, %parallel_loop3A_619 {pack_format = #tpu.pack_format<interleaved>, positions = array<i32: 0, 1>} : vector<16xf32>, vector<16xf32> -> vector<32xbf16>
        %parallel_loop3A_621 = arith.mulf %parallel_loop3A_620, %parallel_loop3A_604 : vector<32xbf16>
        %parallel_loop3A_622 = arith.addf %parallel_loop3A_606, %parallel_loop3A_620 : vector<32xbf16>
        %parallel_loop3A_623 = arith.addf %parallel_loop3A_607, %parallel_loop3A_621 : vector<32xbf16>
        %parallel_loop3A_624 = arith.mulf %parallel_loop3A_620, %parallel_loop3A_605 : vector<32xbf16>
        %parallel_loop3A_625 = arith.addf %parallel_loop3A_609, %parallel_loop3A_624 : vector<32xbf16>
        %parallel_loop3A_626 = arith.constant 6 : i32
        %parallel_loop3A_627 = arith.addi %parallel_loop3A_368, %parallel_loop3A_626 : i32
        %parallel_loop3A_628 = arith.index_cast %parallel_loop3A_627 : i32 to index
        %parallel_loop3A_629 = arith.constant 32 : index
        %parallel_loop3A_630 = tpu.vector_load %arg6[%parallel_loop3A_628, %parallel_loop3A_629] {strides = array<i32>} : memref<200x128xf32, #tpu.memory_space<vmem>>, vector<16xf32>,
        %parallel_loop3A_631 = arith.constant 6 : i32
        %parallel_loop3A_632 = arith.addi %parallel_loop3A_368, %parallel_loop3A_631 : i32
        %parallel_loop3A_633 = arith.index_cast %parallel_loop3A_632 : i32 to index
        %parallel_loop3A_634 = arith.constant 48 : index
        %parallel_loop3A_635 = tpu.vector_load %arg6[%parallel_loop3A_633, %parallel_loop3A_634] {strides = array<i32>} : memref<200x128xf32, #tpu.memory_space<vmem>>, vector<16xf32>,
        %parallel_loop3A_636 = tpu.pack_subelements %parallel_loop3A_630, %parallel_loop3A_635 {pack_format = #tpu.pack_format<interleaved>, positions = array<i32: 0, 1>} : vector<16xf32>, vector<16xf32> -> vector<32xbf16>
        %parallel_loop3A_637 = arith.mulf %parallel_loop3A_636, %parallel_loop3A_620 : vector<32xbf16>
        %parallel_loop3A_638 = arith.addf %parallel_loop3A_622, %parallel_loop3A_636 : vector<32xbf16>
        %parallel_loop3A_639 = arith.addf %parallel_loop3A_623, %parallel_loop3A_637 : vector<32xbf16>
        %parallel_loop3A_640 = arith.mulf %parallel_loop3A_636, %parallel_loop3A_621 : vector<32xbf16>
        %parallel_loop3A_641 = arith.addf %parallel_loop3A_625, %parallel_loop3A_640 : vector<32xbf16>
        %parallel_loop3A_642 = arith.constant 7 : i32
        %parallel_loop3A_643 = arith.addi %parallel_loop3A_368, %parallel_loop3A_642 : i32
        %parallel_loop3A_644 = arith.index_cast %parallel_loop3A_643 : i32 to index
        %parallel_loop3A_645 = arith.constant 32 : index
        %parallel_loop3A_646 = tpu.vector_load %arg6[%parallel_loop3A_644, %parallel_loop3A_645] {strides = array<i32>} : memref<200x128xf32, #tpu.memory_space<vmem>>, vector<16xf32>,
        %parallel_loop3A_647 = arith.constant 7 : i32
        %parallel_loop3A_648 = arith.addi %parallel_loop3A_368, %parallel_loop3A_647 : i32
        %parallel_loop3A_649 = arith.index_cast %parallel_loop3A_648 : i32 to index
        %parallel_loop3A_650 = arith.constant 48 : index
        %parallel_loop3A_651 = tpu.vector_load %arg6[%parallel_loop3A_649, %parallel_loop3A_650] {strides = array<i32>} : memref<200x128xf32, #tpu.memory_space<vmem>>, vector<16xf32>,
        %parallel_loop3A_652 = tpu.pack_subelements %parallel_loop3A_646, %parallel_loop3A_651 {pack_format = #tpu.pack_format<interleaved>, positions = array<i32: 0, 1>} : vector<16xf32>, vector<16xf32> -> vector<32xbf16>
        %parallel_loop3A_653 = arith.mulf %parallel_loop3A_652, %parallel_loop3A_636 : vector<32xbf16>
        %parallel_loop3A_654 = arith.addf %parallel_loop3A_638, %parallel_loop3A_652 : vector<32xbf16>
        %parallel_loop3A_655 = arith.addf %parallel_loop3A_639, %parallel_loop3A_653 : vector<32xbf16>
        %parallel_loop3A_656 = arith.mulf %parallel_loop3A_652, %parallel_loop3A_637 : vector<32xbf16>
        %parallel_loop3A_657 = arith.addf %parallel_loop3A_641, %parallel_loop3A_656 : vector<32xbf16>
        %parallel_loop3A_658 = vector.bitcast %parallel_loop3A_654 : vector<32xbf16> to vector<16xi32>
        %parallel_loop3A_659 = arith.constant 16 : i32
        %parallel_loop3A_660 = vector.broadcast %parallel_loop3A_659 : i32 to vector<16xi32>
        %parallel_loop3A_661 = arith.shli %parallel_loop3A_658, %parallel_loop3A_660 : vector<16xi32>
        %parallel_loop3A_662 = vector.bitcast %parallel_loop3A_661 : vector<16xi32> to vector<16xf32>
        %parallel_loop3A_663 = arith.constant -65536 : i32
        %parallel_loop3A_664 = vector.broadcast %parallel_loop3A_663 : i32 to vector<16xi32>
        %parallel_loop3A_665 = arith.andi %parallel_loop3A_658, %parallel_loop3A_664 : vector<16xi32>
        %parallel_loop3A_666 = vector.bitcast %parallel_loop3A_665 : vector<16xi32> to vector<16xf32>
        %parallel_loop3A_667 = arith.addf %parallel_loop3A_357, %parallel_loop3A_662 : vector<16xf32>
        %parallel_loop3A_668 = arith.addf %parallel_loop3A_358, %parallel_loop3A_666 : vector<16xf32>
        %parallel_loop3A_669 = vector.bitcast %parallel_loop3A_655 : vector<32xbf16> to vector<16xi32>
        %parallel_loop3A_670 = arith.constant 16 : i32
        %parallel_loop3A_671 = vector.broadcast %parallel_loop3A_670 : i32 to vector<16xi32>
        %parallel_loop3A_672 = arith.shli %parallel_loop3A_669, %parallel_loop3A_671 : vector<16xi32>
        %parallel_loop3A_673 = vector.bitcast %parallel_loop3A_672 : vector<16xi32> to vector<16xf32>
        %parallel_loop3A_674 = arith.constant -65536 : i32
        %parallel_loop3A_675 = vector.broadcast %parallel_loop3A_674 : i32 to vector<16xi32>
        %parallel_loop3A_676 = arith.andi %parallel_loop3A_669, %parallel_loop3A_675 : vector<16xi32>
        %parallel_loop3A_677 = vector.bitcast %parallel_loop3A_676 : vector<16xi32> to vector<16xf32>
        %parallel_loop3A_678 = arith.addf %parallel_loop3A_359, %parallel_loop3A_673 : vector<16xf32>
        %parallel_loop3A_679 = arith.addf %parallel_loop3A_360, %parallel_loop3A_677 : vector<16xf32>
        %parallel_loop3A_680 = vector.bitcast %parallel_loop3A_657 : vector<32xbf16> to vector<16xi32>
        %parallel_loop3A_681 = arith.constant 16 : i32
        %parallel_loop3A_682 = vector.broadcast %parallel_loop3A_681 : i32 to vector<16xi32>
        %parallel_loop3A_683 = arith.shli %parallel_loop3A_680, %parallel_loop3A_682 : vector<16xi32>
        %parallel_loop3A_684 = vector.bitcast %parallel_loop3A_683 : vector<16xi32> to vector<16xf32>
        %parallel_loop3A_685 = arith.constant -65536 : i32
        %parallel_loop3A_686 = vector.broadcast %parallel_loop3A_685 : i32 to vector<16xi32>
        %parallel_loop3A_687 = arith.andi %parallel_loop3A_680, %parallel_loop3A_686 : vector<16xi32>
        %parallel_loop3A_688 = vector.bitcast %parallel_loop3A_687 : vector<16xi32> to vector<16xf32>
        %parallel_loop3A_689 = arith.addf %parallel_loop3A_361, %parallel_loop3A_684 : vector<16xf32>
        %parallel_loop3A_690 = arith.addf %parallel_loop3A_362, %parallel_loop3A_688 : vector<16xf32>
        scf.yield %parallel_loop3A_506, %parallel_loop3A_507, %parallel_loop3A_517, %parallel_loop3A_518, %parallel_loop3A_528, %parallel_loop3A_529, %parallel_loop3A_667, %parallel_loop3A_668, %parallel_loop3A_678, %parallel_loop3A_679, %parallel_loop3A_689, %parallel_loop3A_690, %parallel_loop3A_491, %parallel_loop3A_492, %parallel_loop3A_652, %parallel_loop3A_653 : vector<16xf32>, vector<16xf32>, vector<16xf32>, vector<16xf32>, vector<16xf32>, vector<16xf32>, vector<16xf32>, vector<16xf32>, vector<16xf32>, vector<16xf32>, vector<16xf32>, vector<16xf32>, vector<32xbf16>, vector<32xbf16>, vector<32xbf16>, vector<32xbf16>
      } {sc.loop_unroll_factor = 1 : i64, sc.parallel_access}
      %swap3A = arith.index_cast %rem3A_61 : i32 to index
      %swap3A_68 = arith.constant 0 : index
      %swap3A_69 = tpu.vector_load %arg8[%swap3A, %swap3A_68] {strides = array<i32>} : memref<64x384xf32, #tpu.memory_space<vmem>>, vector<16xf32>,
      tpu.vector_store %arg8[%swap3A, %swap3A_68], %parallel_loop3A_67#0 {strides = array<i32>} : memref<64x384xf32, #tpu.memory_space<vmem>>, vector<16xf32>,
      %swap3A_70 = arith.index_cast %rem3A_61 : i32 to index
      %swap3A_71 = arith.constant 16 : index
      %swap3A_72 = tpu.vector_load %arg8[%swap3A_70, %swap3A_71] {strides = array<i32>} : memref<64x384xf32, #tpu.memory_space<vmem>>, vector<16xf32>,
      tpu.vector_store %arg8[%swap3A_70, %swap3A_71], %parallel_loop3A_67#1 {strides = array<i32>} : memref<64x384xf32, #tpu.memory_space<vmem>>, vector<16xf32>,
      %mul3A_73 = arith.constant 5.65685415 : f32
      %mul3A_74 = vector.broadcast %mul3A_73 : f32 to vector<16xf32>
      %mul3A_75 = arith.mulf %parallel_loop3A_67#2, %mul3A_74 : vector<16xf32>
      %swap3A_76 = arith.index_cast %rem3A_61 : i32 to index
      %swap3A_77 = arith.constant 128 : index
      %swap3A_78 = tpu.vector_load %arg8[%swap3A_76, %swap3A_77] {strides = array<i32>} : memref<64x384xf32, #tpu.memory_space<vmem>>, vector<16xf32>,
      tpu.vector_store %arg8[%swap3A_76, %swap3A_77], %mul3A_75 {strides = array<i32>} : memref<64x384xf32, #tpu.memory_space<vmem>>, vector<16xf32>,
      %mul3A_79 = arith.constant 5.65685415 : f32
      %mul3A_80 = vector.broadcast %mul3A_79 : f32 to vector<16xf32>
      %mul3A_81 = arith.mulf %parallel_loop3A_67#3, %mul3A_80 : vector<16xf32>
      %swap3A_82 = arith.index_cast %rem3A_61 : i32 to index
      %swap3A_83 = arith.constant 144 : index
      %swap3A_84 = tpu.vector_load %arg8[%swap3A_82, %swap3A_83] {strides = array<i32>} : memref<64x384xf32, #tpu.memory_space<vmem>>, vector<16xf32>,
      tpu.vector_store %arg8[%swap3A_82, %swap3A_83], %mul3A_81 {strides = array<i32>} : memref<64x384xf32, #tpu.memory_space<vmem>>, vector<16xf32>,
      %mul3A_85 = arith.constant 42.6666679 : f32
      %mul3A_86 = vector.broadcast %mul3A_85 : f32 to vector<16xf32>
      %mul3A_87 = arith.mulf %parallel_loop3A_67#4, %mul3A_86 : vector<16xf32>
      %swap3A_88 = arith.index_cast %rem3A_61 : i32 to index
      %swap3A_89 = arith.constant 256 : index
      %swap3A_90 = tpu.vector_load %arg8[%swap3A_88, %swap3A_89] {strides = array<i32>} : memref<64x384xf32, #tpu.memory_space<vmem>>, vector<16xf32>,
      tpu.vector_store %arg8[%swap3A_88, %swap3A_89], %mul3A_87 {strides = array<i32>} : memref<64x384xf32, #tpu.memory_space<vmem>>, vector<16xf32>,
      %mul3A_91 = arith.constant 42.6666679 : f32
      %mul3A_92 = vector.broadcast %mul3A_91 : f32 to vector<16xf32>
      %mul3A_93 = arith.mulf %parallel_loop3A_67#5, %mul3A_92 : vector<16xf32>
      %swap3A_94 = arith.index_cast %rem3A_61 : i32 to index
      %swap3A_95 = arith.constant 272 : index
      %swap3A_96 = tpu.vector_load %arg8[%swap3A_94, %swap3A_95] {strides = array<i32>} : memref<64x384xf32, #tpu.memory_space<vmem>>, vector<16xf32>,
      tpu.vector_store %arg8[%swap3A_94, %swap3A_95], %mul3A_93 {strides = array<i32>} : memref<64x384xf32, #tpu.memory_space<vmem>>, vector<16xf32>,
      %swap3A_97 = arith.index_cast %rem3A_61 : i32 to index
      %swap3A_98 = arith.constant 32 : index
      %swap3A_99 = tpu.vector_load %arg8[%swap3A_97, %swap3A_98] {strides = array<i32>} : memref<64x384xf32, #tpu.memory_space<vmem>>, vector<16xf32>,
      tpu.vector_store %arg8[%swap3A_97, %swap3A_98], %parallel_loop3A_67#6 {strides = array<i32>} : memref<64x384xf32, #tpu.memory_space<vmem>>, vector<16xf32>,
      %swap3A_100 = arith.index_cast %rem3A_61 : i32 to index
      %swap3A_101 = arith.constant 48 : index
      %swap3A_102 = tpu.vector_load %arg8[%swap3A_100, %swap3A_101] {strides = array<i32>} : memref<64x384xf32, #tpu.memory_space<vmem>>, vector<16xf32>,
      tpu.vector_store %arg8[%swap3A_100, %swap3A_101], %parallel_loop3A_67#7 {strides = array<i32>} : memref<64x384xf32, #tpu.memory_space<vmem>>, vector<16xf32>,
      %mul3A_103 = arith.constant 5.65685415 : f32
      %mul3A_104 = vector.broadcast %mul3A_103 : f32 to vector<16xf32>
      %mul3A_105 = arith.mulf %parallel_loop3A_67#8, %mul3A_104 : vector<16xf32>
      %swap3A_106 = arith.index_cast %rem3A_61 : i32 to index
      %swap3A_107 = arith.constant 160 : index
      %swap3A_108 = tpu.vector_load %arg8[%swap3A_106, %swap3A_107] {strides = array<i32>} : memref<64x384xf32, #tpu.memory_space<vmem>>, vector<16xf32>,
      tpu.vector_store %arg8[%swap3A_106, %swap3A_107], %mul3A_105 {strides = array<i32>} : memref<64x384xf32, #tpu.memory_space<vmem>>, vector<16xf32>,
      %mul3A_109 = arith.constant 5.65685415 : f32
      %mul3A_110 = vector.broadcast %mul3A_109 : f32 to vector<16xf32>
      %mul3A_111 = arith.mulf %parallel_loop3A_67#9, %mul3A_110 : vector<16xf32>
      %swap3A_112 = arith.index_cast %rem3A_61 : i32 to index
      %swap3A_113 = arith.constant 176 : index
      %swap3A_114 = tpu.vector_load %arg8[%swap3A_112, %swap3A_113] {strides = array<i32>} : memref<64x384xf32, #tpu.memory_space<vmem>>, vector<16xf32>,
      tpu.vector_store %arg8[%swap3A_112, %swap3A_113], %mul3A_111 {strides = array<i32>} : memref<64x384xf32, #tpu.memory_space<vmem>>, vector<16xf32>,
      %mul3A_115 = arith.constant 42.6666679 : f32
      %mul3A_116 = vector.broadcast %mul3A_115 : f32 to vector<16xf32>
      %mul3A_117 = arith.mulf %parallel_loop3A_67#10, %mul3A_116 : vector<16xf32>
      %swap3A_118 = arith.index_cast %rem3A_61 : i32 to index
      %swap3A_119 = arith.constant 288 : index
      %swap3A_120 = tpu.vector_load %arg8[%swap3A_118, %swap3A_119] {strides = array<i32>} : memref<64x384xf32, #tpu.memory_space<vmem>>, vector<16xf32>,
      tpu.vector_store %arg8[%swap3A_118, %swap3A_119], %mul3A_117 {strides = array<i32>} : memref<64x384xf32, #tpu.memory_space<vmem>>, vector<16xf32>,
      %mul3A_121 = arith.constant 42.6666679 : f32
      %mul3A_122 = vector.broadcast %mul3A_121 : f32 to vector<16xf32>
      %mul3A_123 = arith.mulf %parallel_loop3A_67#11, %mul3A_122 : vector<16xf32>
      %swap3A_124 = arith.index_cast %rem3A_61 : i32 to index
      %swap3A_125 = arith.constant 304 : index
      %swap3A_126 = tpu.vector_load %arg8[%swap3A_124, %swap3A_125] {strides = array<i32>} : memref<64x384xf32, #tpu.memory_space<vmem>>, vector<16xf32>,
      tpu.vector_store %arg8[%swap3A_124, %swap3A_125], %mul3A_123 {strides = array<i32>} : memref<64x384xf32, #tpu.memory_space<vmem>>, vector<16xf32>,
      %parallel_loop3A_127 = arith.constant 0 : i32
      %parallel_loop3A_128 = arith.constant 25 : i32
      %parallel_loop3A_129 = arith.constant 1 : i32
      %parallel_loop3A_130:16 = scf.for %parallel_loop3A_350 = %parallel_loop3A_127 to %parallel_loop3A_128 step %parallel_loop3A_129 iter_args(%parallel_loop3A_351 = %broadcast_in_dim3A_62, %parallel_loop3A_352 = %broadcast_in_dim3A_62, %parallel_loop3A_353 = %broadcast_in_dim3A_62, %parallel_loop3A_354 = %broadcast_in_dim3A_62, %parallel_loop3A_355 = %broadcast_in_dim3A_62, %parallel_loop3A_356 = %broadcast_in_dim3A_62, %parallel_loop3A_357 = %broadcast_in_dim3A_62, %parallel_loop3A_358 = %broadcast_in_dim3A_62, %parallel_loop3A_359 = %broadcast_in_dim3A_62, %parallel_loop3A_360 = %broadcast_in_dim3A_62, %parallel_loop3A_361 = %broadcast_in_dim3A_62, %parallel_loop3A_362 = %broadcast_in_dim3A_62, %parallel_loop3A_363 = %broadcast_in_dim3A_64, %parallel_loop3A_364 = %broadcast_in_dim3A_64, %parallel_loop3A_365 = %broadcast_in_dim3A_64, %parallel_loop3A_366 = %broadcast_in_dim3A_64) -> (vector<16xf32>, vector<16xf32>, vector<16xf32>, vector<16xf32>, vector<16xf32>, vector<16xf32>, vector<16xf32>, vector<16xf32>, vector<16xf32>, vector<16xf32>, vector<16xf32>, vector<16xf32>, vector<32xbf16>, vector<32xbf16>, vector<32xbf16>, vector<32xbf16>)  : i32 {
        %parallel_loop3A_367 = arith.constant 8 : i32
        %parallel_loop3A_368 = arith.muli %parallel_loop3A_350, %parallel_loop3A_367 : i32
        %parallel_loop3A_369 = arith.constant 0 : i32
        %parallel_loop3A_370 = arith.addi %parallel_loop3A_368, %parallel_loop3A_369 : i32
        %parallel_loop3A_371 = arith.index_cast %parallel_loop3A_370 : i32 to index
        %parallel_loop3A_372 = arith.constant 64 : index
        %parallel_loop3A_373 = tpu.vector_load %arg6[%parallel_loop3A_371, %parallel_loop3A_372] {strides = array<i32>} : memref<200x128xf32, #tpu.memory_space<vmem>>, vector<16xf32>,
        %parallel_loop3A_374 = arith.constant 0 : i32
        %parallel_loop3A_375 = arith.addi %parallel_loop3A_368, %parallel_loop3A_374 : i32
        %parallel_loop3A_376 = arith.index_cast %parallel_loop3A_375 : i32 to index
        %parallel_loop3A_377 = arith.constant 80 : index
        %parallel_loop3A_378 = tpu.vector_load %arg6[%parallel_loop3A_376, %parallel_loop3A_377] {strides = array<i32>} : memref<200x128xf32, #tpu.memory_space<vmem>>, vector<16xf32>,
        %parallel_loop3A_379 = tpu.pack_subelements %parallel_loop3A_373, %parallel_loop3A_378 {pack_format = #tpu.pack_format<interleaved>, positions = array<i32: 0, 1>} : vector<16xf32>, vector<16xf32> -> vector<32xbf16>
        %parallel_loop3A_380 = arith.mulf %parallel_loop3A_379, %parallel_loop3A_363 : vector<32xbf16>
        %parallel_loop3A_381 = arith.addf %broadcast_in_dim3A_64, %parallel_loop3A_379 : vector<32xbf16>
        %parallel_loop3A_382 = arith.addf %broadcast_in_dim3A_64, %parallel_loop3A_380 : vector<32xbf16>
        %parallel_loop3A_383 = arith.mulf %parallel_loop3A_379, %parallel_loop3A_364 : vector<32xbf16>
        %parallel_loop3A_384 = arith.addf %broadcast_in_dim3A_64, %parallel_loop3A_383 : vector<32xbf16>
        %parallel_loop3A_385 = arith.constant 1 : i32
        %parallel_loop3A_386 = arith.addi %parallel_loop3A_368, %parallel_loop3A_385 : i32
        %parallel_loop3A_387 = arith.index_cast %parallel_loop3A_386 : i32 to index
        %parallel_loop3A_388 = arith.constant 64 : index
        %parallel_loop3A_389 = tpu.vector_load %arg6[%parallel_loop3A_387, %parallel_loop3A_388] {strides = array<i32>} : memref<200x128xf32, #tpu.memory_space<vmem>>, vector<16xf32>,
        %parallel_loop3A_390 = arith.constant 1 : i32
        %parallel_loop3A_391 = arith.addi %parallel_loop3A_368, %parallel_loop3A_390 : i32
        %parallel_loop3A_392 = arith.index_cast %parallel_loop3A_391 : i32 to index
        %parallel_loop3A_393 = arith.constant 80 : index
        %parallel_loop3A_394 = tpu.vector_load %arg6[%parallel_loop3A_392, %parallel_loop3A_393] {strides = array<i32>} : memref<200x128xf32, #tpu.memory_space<vmem>>, vector<16xf32>,
        %parallel_loop3A_395 = tpu.pack_subelements %parallel_loop3A_389, %parallel_loop3A_394 {pack_format = #tpu.pack_format<interleaved>, positions = array<i32: 0, 1>} : vector<16xf32>, vector<16xf32> -> vector<32xbf16>
        %parallel_loop3A_396 = arith.mulf %parallel_loop3A_395, %parallel_loop3A_379 : vector<32xbf16>
        %parallel_loop3A_397 = arith.addf %parallel_loop3A_381, %parallel_loop3A_395 : vector<32xbf16>
        %parallel_loop3A_398 = arith.addf %parallel_loop3A_382, %parallel_loop3A_396 : vector<32xbf16>
        %parallel_loop3A_399 = arith.mulf %parallel_loop3A_395, %parallel_loop3A_380 : vector<32xbf16>
        %parallel_loop3A_400 = arith.addf %parallel_loop3A_384, %parallel_loop3A_399 : vector<32xbf16>
        %parallel_loop3A_401 = arith.constant 2 : i32
        %parallel_loop3A_402 = arith.addi %parallel_loop3A_368, %parallel_loop3A_401 : i32
        %parallel_loop3A_403 = arith.index_cast %parallel_loop3A_402 : i32 to index
        %parallel_loop3A_404 = arith.constant 64 : index
        %parallel_loop3A_405 = tpu.vector_load %arg6[%parallel_loop3A_403, %parallel_loop3A_404] {strides = array<i32>} : memref<200x128xf32, #tpu.memory_space<vmem>>, vector<16xf32>,
        %parallel_loop3A_406 = arith.constant 2 : i32
        %parallel_loop3A_407 = arith.addi %parallel_loop3A_368, %parallel_loop3A_406 : i32
        %parallel_loop3A_408 = arith.index_cast %parallel_loop3A_407 : i32 to index
        %parallel_loop3A_409 = arith.constant 80 : index
        %parallel_loop3A_410 = tpu.vector_load %arg6[%parallel_loop3A_408, %parallel_loop3A_409] {strides = array<i32>} : memref<200x128xf32, #tpu.memory_space<vmem>>, vector<16xf32>,
        %parallel_loop3A_411 = tpu.pack_subelements %parallel_loop3A_405, %parallel_loop3A_410 {pack_format = #tpu.pack_format<interleaved>, positions = array<i32: 0, 1>} : vector<16xf32>, vector<16xf32> -> vector<32xbf16>
        %parallel_loop3A_412 = arith.mulf %parallel_loop3A_411, %parallel_loop3A_395 : vector<32xbf16>
        %parallel_loop3A_413 = arith.addf %parallel_loop3A_397, %parallel_loop3A_411 : vector<32xbf16>
        %parallel_loop3A_414 = arith.addf %parallel_loop3A_398, %parallel_loop3A_412 : vector<32xbf16>
        %parallel_loop3A_415 = arith.mulf %parallel_loop3A_411, %parallel_loop3A_396 : vector<32xbf16>
        %parallel_loop3A_416 = arith.addf %parallel_loop3A_400, %parallel_loop3A_415 : vector<32xbf16>
        %parallel_loop3A_417 = arith.constant 3 : i32
        %parallel_loop3A_418 = arith.addi %parallel_loop3A_368, %parallel_loop3A_417 : i32
        %parallel_loop3A_419 = arith.index_cast %parallel_loop3A_418 : i32 to index
        %parallel_loop3A_420 = arith.constant 64 : index
        %parallel_loop3A_421 = tpu.vector_load %arg6[%parallel_loop3A_419, %parallel_loop3A_420] {strides = array<i32>} : memref<200x128xf32, #tpu.memory_space<vmem>>, vector<16xf32>,
        %parallel_loop3A_422 = arith.constant 3 : i32
        %parallel_loop3A_423 = arith.addi %parallel_loop3A_368, %parallel_loop3A_422 : i32
        %parallel_loop3A_424 = arith.index_cast %parallel_loop3A_423 : i32 to index
        %parallel_loop3A_425 = arith.constant 80 : index
        %parallel_loop3A_426 = tpu.vector_load %arg6[%parallel_loop3A_424, %parallel_loop3A_425] {strides = array<i32>} : memref<200x128xf32, #tpu.memory_space<vmem>>, vector<16xf32>,
        %parallel_loop3A_427 = tpu.pack_subelements %parallel_loop3A_421, %parallel_loop3A_426 {pack_format = #tpu.pack_format<interleaved>, positions = array<i32: 0, 1>} : vector<16xf32>, vector<16xf32> -> vector<32xbf16>
        %parallel_loop3A_428 = arith.mulf %parallel_loop3A_427, %parallel_loop3A_411 : vector<32xbf16>
        %parallel_loop3A_429 = arith.addf %parallel_loop3A_413, %parallel_loop3A_427 : vector<32xbf16>
        %parallel_loop3A_430 = arith.addf %parallel_loop3A_414, %parallel_loop3A_428 : vector<32xbf16>
        %parallel_loop3A_431 = arith.mulf %parallel_loop3A_427, %parallel_loop3A_412 : vector<32xbf16>
        %parallel_loop3A_432 = arith.addf %parallel_loop3A_416, %parallel_loop3A_431 : vector<32xbf16>
        %parallel_loop3A_433 = arith.constant 4 : i32
        %parallel_loop3A_434 = arith.addi %parallel_loop3A_368, %parallel_loop3A_433 : i32
        %parallel_loop3A_435 = arith.index_cast %parallel_loop3A_434 : i32 to index
        %parallel_loop3A_436 = arith.constant 64 : index
        %parallel_loop3A_437 = tpu.vector_load %arg6[%parallel_loop3A_435, %parallel_loop3A_436] {strides = array<i32>} : memref<200x128xf32, #tpu.memory_space<vmem>>, vector<16xf32>,
        %parallel_loop3A_438 = arith.constant 4 : i32
        %parallel_loop3A_439 = arith.addi %parallel_loop3A_368, %parallel_loop3A_438 : i32
        %parallel_loop3A_440 = arith.index_cast %parallel_loop3A_439 : i32 to index
        %parallel_loop3A_441 = arith.constant 80 : index
        %parallel_loop3A_442 = tpu.vector_load %arg6[%parallel_loop3A_440, %parallel_loop3A_441] {strides = array<i32>} : memref<200x128xf32, #tpu.memory_space<vmem>>, vector<16xf32>,
        %parallel_loop3A_443 = tpu.pack_subelements %parallel_loop3A_437, %parallel_loop3A_442 {pack_format = #tpu.pack_format<interleaved>, positions = array<i32: 0, 1>} : vector<16xf32>, vector<16xf32> -> vector<32xbf16>
        %parallel_loop3A_444 = arith.mulf %parallel_loop3A_443, %parallel_loop3A_427 : vector<32xbf16>
        %parallel_loop3A_445 = arith.addf %parallel_loop3A_429, %parallel_loop3A_443 : vector<32xbf16>
        %parallel_loop3A_446 = arith.addf %parallel_loop3A_430, %parallel_loop3A_444 : vector<32xbf16>
        %parallel_loop3A_447 = arith.mulf %parallel_loop3A_443, %parallel_loop3A_428 : vector<32xbf16>
        %parallel_loop3A_448 = arith.addf %parallel_loop3A_432, %parallel_loop3A_447 : vector<32xbf16>
        %parallel_loop3A_449 = arith.constant 5 : i32
        %parallel_loop3A_450 = arith.addi %parallel_loop3A_368, %parallel_loop3A_449 : i32
        %parallel_loop3A_451 = arith.index_cast %parallel_loop3A_450 : i32 to index
        %parallel_loop3A_452 = arith.constant 64 : index
        %parallel_loop3A_453 = tpu.vector_load %arg6[%parallel_loop3A_451, %parallel_loop3A_452] {strides = array<i32>} : memref<200x128xf32, #tpu.memory_space<vmem>>, vector<16xf32>,
        %parallel_loop3A_454 = arith.constant 5 : i32
        %parallel_loop3A_455 = arith.addi %parallel_loop3A_368, %parallel_loop3A_454 : i32
        %parallel_loop3A_456 = arith.index_cast %parallel_loop3A_455 : i32 to index
        %parallel_loop3A_457 = arith.constant 80 : index
        %parallel_loop3A_458 = tpu.vector_load %arg6[%parallel_loop3A_456, %parallel_loop3A_457] {strides = array<i32>} : memref<200x128xf32, #tpu.memory_space<vmem>>, vector<16xf32>,
        %parallel_loop3A_459 = tpu.pack_subelements %parallel_loop3A_453, %parallel_loop3A_458 {pack_format = #tpu.pack_format<interleaved>, positions = array<i32: 0, 1>} : vector<16xf32>, vector<16xf32> -> vector<32xbf16>
        %parallel_loop3A_460 = arith.mulf %parallel_loop3A_459, %parallel_loop3A_443 : vector<32xbf16>
        %parallel_loop3A_461 = arith.addf %parallel_loop3A_445, %parallel_loop3A_459 : vector<32xbf16>
        %parallel_loop3A_462 = arith.addf %parallel_loop3A_446, %parallel_loop3A_460 : vector<32xbf16>
        %parallel_loop3A_463 = arith.mulf %parallel_loop3A_459, %parallel_loop3A_444 : vector<32xbf16>
        %parallel_loop3A_464 = arith.addf %parallel_loop3A_448, %parallel_loop3A_463 : vector<32xbf16>
        %parallel_loop3A_465 = arith.constant 6 : i32
        %parallel_loop3A_466 = arith.addi %parallel_loop3A_368, %parallel_loop3A_465 : i32
        %parallel_loop3A_467 = arith.index_cast %parallel_loop3A_466 : i32 to index
        %parallel_loop3A_468 = arith.constant 64 : index
        %parallel_loop3A_469 = tpu.vector_load %arg6[%parallel_loop3A_467, %parallel_loop3A_468] {strides = array<i32>} : memref<200x128xf32, #tpu.memory_space<vmem>>, vector<16xf32>,
        %parallel_loop3A_470 = arith.constant 6 : i32
        %parallel_loop3A_471 = arith.addi %parallel_loop3A_368, %parallel_loop3A_470 : i32
        %parallel_loop3A_472 = arith.index_cast %parallel_loop3A_471 : i32 to index
        %parallel_loop3A_473 = arith.constant 80 : index
        %parallel_loop3A_474 = tpu.vector_load %arg6[%parallel_loop3A_472, %parallel_loop3A_473] {strides = array<i32>} : memref<200x128xf32, #tpu.memory_space<vmem>>, vector<16xf32>,
        %parallel_loop3A_475 = tpu.pack_subelements %parallel_loop3A_469, %parallel_loop3A_474 {pack_format = #tpu.pack_format<interleaved>, positions = array<i32: 0, 1>} : vector<16xf32>, vector<16xf32> -> vector<32xbf16>
        %parallel_loop3A_476 = arith.mulf %parallel_loop3A_475, %parallel_loop3A_459 : vector<32xbf16>
        %parallel_loop3A_477 = arith.addf %parallel_loop3A_461, %parallel_loop3A_475 : vector<32xbf16>
        %parallel_loop3A_478 = arith.addf %parallel_loop3A_462, %parallel_loop3A_476 : vector<32xbf16>
        %parallel_loop3A_479 = arith.mulf %parallel_loop3A_475, %parallel_loop3A_460 : vector<32xbf16>
        %parallel_loop3A_480 = arith.addf %parallel_loop3A_464, %parallel_loop3A_479 : vector<32xbf16>
        %parallel_loop3A_481 = arith.constant 7 : i32
        %parallel_loop3A_482 = arith.addi %parallel_loop3A_368, %parallel_loop3A_481 : i32
        %parallel_loop3A_483 = arith.index_cast %parallel_loop3A_482 : i32 to index
        %parallel_loop3A_484 = arith.constant 64 : index
        %parallel_loop3A_485 = tpu.vector_load %arg6[%parallel_loop3A_483, %parallel_loop3A_484] {strides = array<i32>} : memref<200x128xf32, #tpu.memory_space<vmem>>, vector<16xf32>,
        %parallel_loop3A_486 = arith.constant 7 : i32
        %parallel_loop3A_487 = arith.addi %parallel_loop3A_368, %parallel_loop3A_486 : i32
        %parallel_loop3A_488 = arith.index_cast %parallel_loop3A_487 : i32 to index
        %parallel_loop3A_489 = arith.constant 80 : index
        %parallel_loop3A_490 = tpu.vector_load %arg6[%parallel_loop3A_488, %parallel_loop3A_489] {strides = array<i32>} : memref<200x128xf32, #tpu.memory_space<vmem>>, vector<16xf32>,
        %parallel_loop3A_491 = tpu.pack_subelements %parallel_loop3A_485, %parallel_loop3A_490 {pack_format = #tpu.pack_format<interleaved>, positions = array<i32: 0, 1>} : vector<16xf32>, vector<16xf32> -> vector<32xbf16>
        %parallel_loop3A_492 = arith.mulf %parallel_loop3A_491, %parallel_loop3A_475 : vector<32xbf16>
        %parallel_loop3A_493 = arith.addf %parallel_loop3A_477, %parallel_loop3A_491 : vector<32xbf16>
        %parallel_loop3A_494 = arith.addf %parallel_loop3A_478, %parallel_loop3A_492 : vector<32xbf16>
        %parallel_loop3A_495 = arith.mulf %parallel_loop3A_491, %parallel_loop3A_476 : vector<32xbf16>
        %parallel_loop3A_496 = arith.addf %parallel_loop3A_480, %parallel_loop3A_495 : vector<32xbf16>
        %parallel_loop3A_497 = vector.bitcast %parallel_loop3A_493 : vector<32xbf16> to vector<16xi32>
        %parallel_loop3A_498 = arith.constant 16 : i32
        %parallel_loop3A_499 = vector.broadcast %parallel_loop3A_498 : i32 to vector<16xi32>
        %parallel_loop3A_500 = arith.shli %parallel_loop3A_497, %parallel_loop3A_499 : vector<16xi32>
        %parallel_loop3A_501 = vector.bitcast %parallel_loop3A_500 : vector<16xi32> to vector<16xf32>
        %parallel_loop3A_502 = arith.constant -65536 : i32
        %parallel_loop3A_503 = vector.broadcast %parallel_loop3A_502 : i32 to vector<16xi32>
        %parallel_loop3A_504 = arith.andi %parallel_loop3A_497, %parallel_loop3A_503 : vector<16xi32>
        %parallel_loop3A_505 = vector.bitcast %parallel_loop3A_504 : vector<16xi32> to vector<16xf32>
        %parallel_loop3A_506 = arith.addf %parallel_loop3A_351, %parallel_loop3A_501 : vector<16xf32>
        %parallel_loop3A_507 = arith.addf %parallel_loop3A_352, %parallel_loop3A_505 : vector<16xf32>
        %parallel_loop3A_508 = vector.bitcast %parallel_loop3A_494 : vector<32xbf16> to vector<16xi32>
        %parallel_loop3A_509 = arith.constant 16 : i32
        %parallel_loop3A_510 = vector.broadcast %parallel_loop3A_509 : i32 to vector<16xi32>
        %parallel_loop3A_511 = arith.shli %parallel_loop3A_508, %parallel_loop3A_510 : vector<16xi32>
        %parallel_loop3A_512 = vector.bitcast %parallel_loop3A_511 : vector<16xi32> to vector<16xf32>
        %parallel_loop3A_513 = arith.constant -65536 : i32
        %parallel_loop3A_514 = vector.broadcast %parallel_loop3A_513 : i32 to vector<16xi32>
        %parallel_loop3A_515 = arith.andi %parallel_loop3A_508, %parallel_loop3A_514 : vector<16xi32>
        %parallel_loop3A_516 = vector.bitcast %parallel_loop3A_515 : vector<16xi32> to vector<16xf32>
        %parallel_loop3A_517 = arith.addf %parallel_loop3A_353, %parallel_loop3A_512 : vector<16xf32>
        %parallel_loop3A_518 = arith.addf %parallel_loop3A_354, %parallel_loop3A_516 : vector<16xf32>
        %parallel_loop3A_519 = vector.bitcast %parallel_loop3A_496 : vector<32xbf16> to vector<16xi32>
        %parallel_loop3A_520 = arith.constant 16 : i32
        %parallel_loop3A_521 = vector.broadcast %parallel_loop3A_520 : i32 to vector<16xi32>
        %parallel_loop3A_522 = arith.shli %parallel_loop3A_519, %parallel_loop3A_521 : vector<16xi32>
        %parallel_loop3A_523 = vector.bitcast %parallel_loop3A_522 : vector<16xi32> to vector<16xf32>
        %parallel_loop3A_524 = arith.constant -65536 : i32
        %parallel_loop3A_525 = vector.broadcast %parallel_loop3A_524 : i32 to vector<16xi32>
        %parallel_loop3A_526 = arith.andi %parallel_loop3A_519, %parallel_loop3A_525 : vector<16xi32>
        %parallel_loop3A_527 = vector.bitcast %parallel_loop3A_526 : vector<16xi32> to vector<16xf32>
        %parallel_loop3A_528 = arith.addf %parallel_loop3A_355, %parallel_loop3A_523 : vector<16xf32>
        %parallel_loop3A_529 = arith.addf %parallel_loop3A_356, %parallel_loop3A_527 : vector<16xf32>
        %parallel_loop3A_530 = arith.constant 0 : i32
        %parallel_loop3A_531 = arith.addi %parallel_loop3A_368, %parallel_loop3A_530 : i32
        %parallel_loop3A_532 = arith.index_cast %parallel_loop3A_531 : i32 to index
        %parallel_loop3A_533 = arith.constant 96 : index
        %parallel_loop3A_534 = tpu.vector_load %arg6[%parallel_loop3A_532, %parallel_loop3A_533] {strides = array<i32>} : memref<200x128xf32, #tpu.memory_space<vmem>>, vector<16xf32>,
        %parallel_loop3A_535 = arith.constant 0 : i32
        %parallel_loop3A_536 = arith.addi %parallel_loop3A_368, %parallel_loop3A_535 : i32
        %parallel_loop3A_537 = arith.index_cast %parallel_loop3A_536 : i32 to index
        %parallel_loop3A_538 = arith.constant 112 : index
        %parallel_loop3A_539 = tpu.vector_load %arg6[%parallel_loop3A_537, %parallel_loop3A_538] {strides = array<i32>} : memref<200x128xf32, #tpu.memory_space<vmem>>, vector<16xf32>,
        %parallel_loop3A_540 = tpu.pack_subelements %parallel_loop3A_534, %parallel_loop3A_539 {pack_format = #tpu.pack_format<interleaved>, positions = array<i32: 0, 1>} : vector<16xf32>, vector<16xf32> -> vector<32xbf16>
        %parallel_loop3A_541 = arith.mulf %parallel_loop3A_540, %parallel_loop3A_365 : vector<32xbf16>
        %parallel_loop3A_542 = arith.addf %broadcast_in_dim3A_64, %parallel_loop3A_540 : vector<32xbf16>
        %parallel_loop3A_543 = arith.addf %broadcast_in_dim3A_64, %parallel_loop3A_541 : vector<32xbf16>
        %parallel_loop3A_544 = arith.mulf %parallel_loop3A_540, %parallel_loop3A_366 : vector<32xbf16>
        %parallel_loop3A_545 = arith.addf %broadcast_in_dim3A_64, %parallel_loop3A_544 : vector<32xbf16>
        %parallel_loop3A_546 = arith.constant 1 : i32
        %parallel_loop3A_547 = arith.addi %parallel_loop3A_368, %parallel_loop3A_546 : i32
        %parallel_loop3A_548 = arith.index_cast %parallel_loop3A_547 : i32 to index
        %parallel_loop3A_549 = arith.constant 96 : index
        %parallel_loop3A_550 = tpu.vector_load %arg6[%parallel_loop3A_548, %parallel_loop3A_549] {strides = array<i32>} : memref<200x128xf32, #tpu.memory_space<vmem>>, vector<16xf32>,
        %parallel_loop3A_551 = arith.constant 1 : i32
        %parallel_loop3A_552 = arith.addi %parallel_loop3A_368, %parallel_loop3A_551 : i32
        %parallel_loop3A_553 = arith.index_cast %parallel_loop3A_552 : i32 to index
        %parallel_loop3A_554 = arith.constant 112 : index
        %parallel_loop3A_555 = tpu.vector_load %arg6[%parallel_loop3A_553, %parallel_loop3A_554] {strides = array<i32>} : memref<200x128xf32, #tpu.memory_space<vmem>>, vector<16xf32>,
        %parallel_loop3A_556 = tpu.pack_subelements %parallel_loop3A_550, %parallel_loop3A_555 {pack_format = #tpu.pack_format<interleaved>, positions = array<i32: 0, 1>} : vector<16xf32>, vector<16xf32> -> vector<32xbf16>
        %parallel_loop3A_557 = arith.mulf %parallel_loop3A_556, %parallel_loop3A_540 : vector<32xbf16>
        %parallel_loop3A_558 = arith.addf %parallel_loop3A_542, %parallel_loop3A_556 : vector<32xbf16>
        %parallel_loop3A_559 = arith.addf %parallel_loop3A_543, %parallel_loop3A_557 : vector<32xbf16>
        %parallel_loop3A_560 = arith.mulf %parallel_loop3A_556, %parallel_loop3A_541 : vector<32xbf16>
        %parallel_loop3A_561 = arith.addf %parallel_loop3A_545, %parallel_loop3A_560 : vector<32xbf16>
        %parallel_loop3A_562 = arith.constant 2 : i32
        %parallel_loop3A_563 = arith.addi %parallel_loop3A_368, %parallel_loop3A_562 : i32
        %parallel_loop3A_564 = arith.index_cast %parallel_loop3A_563 : i32 to index
        %parallel_loop3A_565 = arith.constant 96 : index
        %parallel_loop3A_566 = tpu.vector_load %arg6[%parallel_loop3A_564, %parallel_loop3A_565] {strides = array<i32>} : memref<200x128xf32, #tpu.memory_space<vmem>>, vector<16xf32>,
        %parallel_loop3A_567 = arith.constant 2 : i32
        %parallel_loop3A_568 = arith.addi %parallel_loop3A_368, %parallel_loop3A_567 : i32
        %parallel_loop3A_569 = arith.index_cast %parallel_loop3A_568 : i32 to index
        %parallel_loop3A_570 = arith.constant 112 : index
        %parallel_loop3A_571 = tpu.vector_load %arg6[%parallel_loop3A_569, %parallel_loop3A_570] {strides = array<i32>} : memref<200x128xf32, #tpu.memory_space<vmem>>, vector<16xf32>,
        %parallel_loop3A_572 = tpu.pack_subelements %parallel_loop3A_566, %parallel_loop3A_571 {pack_format = #tpu.pack_format<interleaved>, positions = array<i32: 0, 1>} : vector<16xf32>, vector<16xf32> -> vector<32xbf16>
        %parallel_loop3A_573 = arith.mulf %parallel_loop3A_572, %parallel_loop3A_556 : vector<32xbf16>
        %parallel_loop3A_574 = arith.addf %parallel_loop3A_558, %parallel_loop3A_572 : vector<32xbf16>
        %parallel_loop3A_575 = arith.addf %parallel_loop3A_559, %parallel_loop3A_573 : vector<32xbf16>
        %parallel_loop3A_576 = arith.mulf %parallel_loop3A_572, %parallel_loop3A_557 : vector<32xbf16>
        %parallel_loop3A_577 = arith.addf %parallel_loop3A_561, %parallel_loop3A_576 : vector<32xbf16>
        %parallel_loop3A_578 = arith.constant 3 : i32
        %parallel_loop3A_579 = arith.addi %parallel_loop3A_368, %parallel_loop3A_578 : i32
        %parallel_loop3A_580 = arith.index_cast %parallel_loop3A_579 : i32 to index
        %parallel_loop3A_581 = arith.constant 96 : index
        %parallel_loop3A_582 = tpu.vector_load %arg6[%parallel_loop3A_580, %parallel_loop3A_581] {strides = array<i32>} : memref<200x128xf32, #tpu.memory_space<vmem>>, vector<16xf32>,
        %parallel_loop3A_583 = arith.constant 3 : i32
        %parallel_loop3A_584 = arith.addi %parallel_loop3A_368, %parallel_loop3A_583 : i32
        %parallel_loop3A_585 = arith.index_cast %parallel_loop3A_584 : i32 to index
        %parallel_loop3A_586 = arith.constant 112 : index
        %parallel_loop3A_587 = tpu.vector_load %arg6[%parallel_loop3A_585, %parallel_loop3A_586] {strides = array<i32>} : memref<200x128xf32, #tpu.memory_space<vmem>>, vector<16xf32>,
        %parallel_loop3A_588 = tpu.pack_subelements %parallel_loop3A_582, %parallel_loop3A_587 {pack_format = #tpu.pack_format<interleaved>, positions = array<i32: 0, 1>} : vector<16xf32>, vector<16xf32> -> vector<32xbf16>
        %parallel_loop3A_589 = arith.mulf %parallel_loop3A_588, %parallel_loop3A_572 : vector<32xbf16>
        %parallel_loop3A_590 = arith.addf %parallel_loop3A_574, %parallel_loop3A_588 : vector<32xbf16>
        %parallel_loop3A_591 = arith.addf %parallel_loop3A_575, %parallel_loop3A_589 : vector<32xbf16>
        %parallel_loop3A_592 = arith.mulf %parallel_loop3A_588, %parallel_loop3A_573 : vector<32xbf16>
        %parallel_loop3A_593 = arith.addf %parallel_loop3A_577, %parallel_loop3A_592 : vector<32xbf16>
        %parallel_loop3A_594 = arith.constant 4 : i32
        %parallel_loop3A_595 = arith.addi %parallel_loop3A_368, %parallel_loop3A_594 : i32
        %parallel_loop3A_596 = arith.index_cast %parallel_loop3A_595 : i32 to index
        %parallel_loop3A_597 = arith.constant 96 : index
        %parallel_loop3A_598 = tpu.vector_load %arg6[%parallel_loop3A_596, %parallel_loop3A_597] {strides = array<i32>} : memref<200x128xf32, #tpu.memory_space<vmem>>, vector<16xf32>,
        %parallel_loop3A_599 = arith.constant 4 : i32
        %parallel_loop3A_600 = arith.addi %parallel_loop3A_368, %parallel_loop3A_599 : i32
        %parallel_loop3A_601 = arith.index_cast %parallel_loop3A_600 : i32 to index
        %parallel_loop3A_602 = arith.constant 112 : index
        %parallel_loop3A_603 = tpu.vector_load %arg6[%parallel_loop3A_601, %parallel_loop3A_602] {strides = array<i32>} : memref<200x128xf32, #tpu.memory_space<vmem>>, vector<16xf32>,
        %parallel_loop3A_604 = tpu.pack_subelements %parallel_loop3A_598, %parallel_loop3A_603 {pack_format = #tpu.pack_format<interleaved>, positions = array<i32: 0, 1>} : vector<16xf32>, vector<16xf32> -> vector<32xbf16>
        %parallel_loop3A_605 = arith.mulf %parallel_loop3A_604, %parallel_loop3A_588 : vector<32xbf16>
        %parallel_loop3A_606 = arith.addf %parallel_loop3A_590, %parallel_loop3A_604 : vector<32xbf16>
        %parallel_loop3A_607 = arith.addf %parallel_loop3A_591, %parallel_loop3A_605 : vector<32xbf16>
        %parallel_loop3A_608 = arith.mulf %parallel_loop3A_604, %parallel_loop3A_589 : vector<32xbf16>
        %parallel_loop3A_609 = arith.addf %parallel_loop3A_593, %parallel_loop3A_608 : vector<32xbf16>
        %parallel_loop3A_610 = arith.constant 5 : i32
        %parallel_loop3A_611 = arith.addi %parallel_loop3A_368, %parallel_loop3A_610 : i32
        %parallel_loop3A_612 = arith.index_cast %parallel_loop3A_611 : i32 to index
        %parallel_loop3A_613 = arith.constant 96 : index
        %parallel_loop3A_614 = tpu.vector_load %arg6[%parallel_loop3A_612, %parallel_loop3A_613] {strides = array<i32>} : memref<200x128xf32, #tpu.memory_space<vmem>>, vector<16xf32>,
        %parallel_loop3A_615 = arith.constant 5 : i32
        %parallel_loop3A_616 = arith.addi %parallel_loop3A_368, %parallel_loop3A_615 : i32
        %parallel_loop3A_617 = arith.index_cast %parallel_loop3A_616 : i32 to index
        %parallel_loop3A_618 = arith.constant 112 : index
        %parallel_loop3A_619 = tpu.vector_load %arg6[%parallel_loop3A_617, %parallel_loop3A_618] {strides = array<i32>} : memref<200x128xf32, #tpu.memory_space<vmem>>, vector<16xf32>,
        %parallel_loop3A_620 = tpu.pack_subelements %parallel_loop3A_614, %parallel_loop3A_619 {pack_format = #tpu.pack_format<interleaved>, positions = array<i32: 0, 1>} : vector<16xf32>, vector<16xf32> -> vector<32xbf16>
        %parallel_loop3A_621 = arith.mulf %parallel_loop3A_620, %parallel_loop3A_604 : vector<32xbf16>
        %parallel_loop3A_622 = arith.addf %parallel_loop3A_606, %parallel_loop3A_620 : vector<32xbf16>
        %parallel_loop3A_623 = arith.addf %parallel_loop3A_607, %parallel_loop3A_621 : vector<32xbf16>
        %parallel_loop3A_624 = arith.mulf %parallel_loop3A_620, %parallel_loop3A_605 : vector<32xbf16>
        %parallel_loop3A_625 = arith.addf %parallel_loop3A_609, %parallel_loop3A_624 : vector<32xbf16>
        %parallel_loop3A_626 = arith.constant 6 : i32
        %parallel_loop3A_627 = arith.addi %parallel_loop3A_368, %parallel_loop3A_626 : i32
        %parallel_loop3A_628 = arith.index_cast %parallel_loop3A_627 : i32 to index
        %parallel_loop3A_629 = arith.constant 96 : index
        %parallel_loop3A_630 = tpu.vector_load %arg6[%parallel_loop3A_628, %parallel_loop3A_629] {strides = array<i32>} : memref<200x128xf32, #tpu.memory_space<vmem>>, vector<16xf32>,
        %parallel_loop3A_631 = arith.constant 6 : i32
        %parallel_loop3A_632 = arith.addi %parallel_loop3A_368, %parallel_loop3A_631 : i32
        %parallel_loop3A_633 = arith.index_cast %parallel_loop3A_632 : i32 to index
        %parallel_loop3A_634 = arith.constant 112 : index
        %parallel_loop3A_635 = tpu.vector_load %arg6[%parallel_loop3A_633, %parallel_loop3A_634] {strides = array<i32>} : memref<200x128xf32, #tpu.memory_space<vmem>>, vector<16xf32>,
        %parallel_loop3A_636 = tpu.pack_subelements %parallel_loop3A_630, %parallel_loop3A_635 {pack_format = #tpu.pack_format<interleaved>, positions = array<i32: 0, 1>} : vector<16xf32>, vector<16xf32> -> vector<32xbf16>
        %parallel_loop3A_637 = arith.mulf %parallel_loop3A_636, %parallel_loop3A_620 : vector<32xbf16>
        %parallel_loop3A_638 = arith.addf %parallel_loop3A_622, %parallel_loop3A_636 : vector<32xbf16>
        %parallel_loop3A_639 = arith.addf %parallel_loop3A_623, %parallel_loop3A_637 : vector<32xbf16>
        %parallel_loop3A_640 = arith.mulf %parallel_loop3A_636, %parallel_loop3A_621 : vector<32xbf16>
        %parallel_loop3A_641 = arith.addf %parallel_loop3A_625, %parallel_loop3A_640 : vector<32xbf16>
        %parallel_loop3A_642 = arith.constant 7 : i32
        %parallel_loop3A_643 = arith.addi %parallel_loop3A_368, %parallel_loop3A_642 : i32
        %parallel_loop3A_644 = arith.index_cast %parallel_loop3A_643 : i32 to index
        %parallel_loop3A_645 = arith.constant 96 : index
        %parallel_loop3A_646 = tpu.vector_load %arg6[%parallel_loop3A_644, %parallel_loop3A_645] {strides = array<i32>} : memref<200x128xf32, #tpu.memory_space<vmem>>, vector<16xf32>,
        %parallel_loop3A_647 = arith.constant 7 : i32
        %parallel_loop3A_648 = arith.addi %parallel_loop3A_368, %parallel_loop3A_647 : i32
        %parallel_loop3A_649 = arith.index_cast %parallel_loop3A_648 : i32 to index
        %parallel_loop3A_650 = arith.constant 112 : index
        %parallel_loop3A_651 = tpu.vector_load %arg6[%parallel_loop3A_649, %parallel_loop3A_650] {strides = array<i32>} : memref<200x128xf32, #tpu.memory_space<vmem>>, vector<16xf32>,
        %parallel_loop3A_652 = tpu.pack_subelements %parallel_loop3A_646, %parallel_loop3A_651 {pack_format = #tpu.pack_format<interleaved>, positions = array<i32: 0, 1>} : vector<16xf32>, vector<16xf32> -> vector<32xbf16>
        %parallel_loop3A_653 = arith.mulf %parallel_loop3A_652, %parallel_loop3A_636 : vector<32xbf16>
        %parallel_loop3A_654 = arith.addf %parallel_loop3A_638, %parallel_loop3A_652 : vector<32xbf16>
        %parallel_loop3A_655 = arith.addf %parallel_loop3A_639, %parallel_loop3A_653 : vector<32xbf16>
        %parallel_loop3A_656 = arith.mulf %parallel_loop3A_652, %parallel_loop3A_637 : vector<32xbf16>
        %parallel_loop3A_657 = arith.addf %parallel_loop3A_641, %parallel_loop3A_656 : vector<32xbf16>
        %parallel_loop3A_658 = vector.bitcast %parallel_loop3A_654 : vector<32xbf16> to vector<16xi32>
        %parallel_loop3A_659 = arith.constant 16 : i32
        %parallel_loop3A_660 = vector.broadcast %parallel_loop3A_659 : i32 to vector<16xi32>
        %parallel_loop3A_661 = arith.shli %parallel_loop3A_658, %parallel_loop3A_660 : vector<16xi32>
        %parallel_loop3A_662 = vector.bitcast %parallel_loop3A_661 : vector<16xi32> to vector<16xf32>
        %parallel_loop3A_663 = arith.constant -65536 : i32
        %parallel_loop3A_664 = vector.broadcast %parallel_loop3A_663 : i32 to vector<16xi32>
        %parallel_loop3A_665 = arith.andi %parallel_loop3A_658, %parallel_loop3A_664 : vector<16xi32>
        %parallel_loop3A_666 = vector.bitcast %parallel_loop3A_665 : vector<16xi32> to vector<16xf32>
        %parallel_loop3A_667 = arith.addf %parallel_loop3A_357, %parallel_loop3A_662 : vector<16xf32>
        %parallel_loop3A_668 = arith.addf %parallel_loop3A_358, %parallel_loop3A_666 : vector<16xf32>
        %parallel_loop3A_669 = vector.bitcast %parallel_loop3A_655 : vector<32xbf16> to vector<16xi32>
        %parallel_loop3A_670 = arith.constant 16 : i32
        %parallel_loop3A_671 = vector.broadcast %parallel_loop3A_670 : i32 to vector<16xi32>
        %parallel_loop3A_672 = arith.shli %parallel_loop3A_669, %parallel_loop3A_671 : vector<16xi32>
        %parallel_loop3A_673 = vector.bitcast %parallel_loop3A_672 : vector<16xi32> to vector<16xf32>
        %parallel_loop3A_674 = arith.constant -65536 : i32
        %parallel_loop3A_675 = vector.broadcast %parallel_loop3A_674 : i32 to vector<16xi32>
        %parallel_loop3A_676 = arith.andi %parallel_loop3A_669, %parallel_loop3A_675 : vector<16xi32>
        %parallel_loop3A_677 = vector.bitcast %parallel_loop3A_676 : vector<16xi32> to vector<16xf32>
        %parallel_loop3A_678 = arith.addf %parallel_loop3A_359, %parallel_loop3A_673 : vector<16xf32>
        %parallel_loop3A_679 = arith.addf %parallel_loop3A_360, %parallel_loop3A_677 : vector<16xf32>
        %parallel_loop3A_680 = vector.bitcast %parallel_loop3A_657 : vector<32xbf16> to vector<16xi32>
        %parallel_loop3A_681 = arith.constant 16 : i32
        %parallel_loop3A_682 = vector.broadcast %parallel_loop3A_681 : i32 to vector<16xi32>
        %parallel_loop3A_683 = arith.shli %parallel_loop3A_680, %parallel_loop3A_682 : vector<16xi32>
        %parallel_loop3A_684 = vector.bitcast %parallel_loop3A_683 : vector<16xi32> to vector<16xf32>
        %parallel_loop3A_685 = arith.constant -65536 : i32
        %parallel_loop3A_686 = vector.broadcast %parallel_loop3A_685 : i32 to vector<16xi32>
        %parallel_loop3A_687 = arith.andi %parallel_loop3A_680, %parallel_loop3A_686 : vector<16xi32>
        %parallel_loop3A_688 = vector.bitcast %parallel_loop3A_687 : vector<16xi32> to vector<16xf32>
        %parallel_loop3A_689 = arith.addf %parallel_loop3A_361, %parallel_loop3A_684 : vector<16xf32>
        %parallel_loop3A_690 = arith.addf %parallel_loop3A_362, %parallel_loop3A_688 : vector<16xf32>
        scf.yield %parallel_loop3A_506, %parallel_loop3A_507, %parallel_loop3A_517, %parallel_loop3A_518, %parallel_loop3A_528, %parallel_loop3A_529, %parallel_loop3A_667, %parallel_loop3A_668, %parallel_loop3A_678, %parallel_loop3A_679, %parallel_loop3A_689, %parallel_loop3A_690, %parallel_loop3A_491, %parallel_loop3A_492, %parallel_loop3A_652, %parallel_loop3A_653 : vector<16xf32>, vector<16xf32>, vector<16xf32>, vector<16xf32>, vector<16xf32>, vector<16xf32>, vector<16xf32>, vector<16xf32>, vector<16xf32>, vector<16xf32>, vector<16xf32>, vector<16xf32>, vector<32xbf16>, vector<32xbf16>, vector<32xbf16>, vector<32xbf16>
      } {sc.loop_unroll_factor = 1 : i64, sc.parallel_access}
      %swap3A_131 = arith.index_cast %rem3A_61 : i32 to index
      %swap3A_132 = arith.constant 64 : index
      %swap3A_133 = tpu.vector_load %arg8[%swap3A_131, %swap3A_132] {strides = array<i32>} : memref<64x384xf32, #tpu.memory_space<vmem>>, vector<16xf32>,
      tpu.vector_store %arg8[%swap3A_131, %swap3A_132], %parallel_loop3A_130#0 {strides = array<i32>} : memref<64x384xf32, #tpu.memory_space<vmem>>, vector<16xf32>,
      %swap3A_134 = arith.index_cast %rem3A_61 : i32 to index
      %swap3A_135 = arith.constant 80 : index
      %swap3A_136 = tpu.vector_load %arg8[%swap3A_134, %swap3A_135] {strides = array<i32>} : memref<64x384xf32, #tpu.memory_space<vmem>>, vector<16xf32>,
      tpu.vector_store %arg8[%swap3A_134, %swap3A_135], %parallel_loop3A_130#1 {strides = array<i32>} : memref<64x384xf32, #tpu.memory_space<vmem>>, vector<16xf32>,
      %mul3A_137 = arith.constant 5.65685415 : f32
      %mul3A_138 = vector.broadcast %mul3A_137 : f32 to vector<16xf32>
      %mul3A_139 = arith.mulf %parallel_loop3A_130#2, %mul3A_138 : vector<16xf32>
      %swap3A_140 = arith.index_cast %rem3A_61 : i32 to index
      %swap3A_141 = arith.constant 192 : index
      %swap3A_142 = tpu.vector_load %arg8[%swap3A_140, %swap3A_141] {strides = array<i32>} : memref<64x384xf32, #tpu.memory_space<vmem>>, vector<16xf32>,
      tpu.vector_store %arg8[%swap3A_140, %swap3A_141], %mul3A_139 {strides = array<i32>} : memref<64x384xf32, #tpu.memory_space<vmem>>, vector<16xf32>,
      %mul3A_143 = arith.constant 5.65685415 : f32
      %mul3A_144 = vector.broadcast %mul3A_143 : f32 to vector<16xf32>
      %mul3A_145 = arith.mulf %parallel_loop3A_130#3, %mul3A_144 : vector<16xf32>
      %swap3A_146 = arith.index_cast %rem3A_61 : i32 to index
      %swap3A_147 = arith.constant 208 : index
      %swap3A_148 = tpu.vector_load %arg8[%swap3A_146, %swap3A_147] {strides = array<i32>} : memref<64x384xf32, #tpu.memory_space<vmem>>, vector<16xf32>,
      tpu.vector_store %arg8[%swap3A_146, %swap3A_147], %mul3A_145 {strides = array<i32>} : memref<64x384xf32, #tpu.memory_space<vmem>>, vector<16xf32>,
      %mul3A_149 = arith.constant 42.6666679 : f32
      %mul3A_150 = vector.broadcast %mul3A_149 : f32 to vector<16xf32>
      %mul3A_151 = arith.mulf %parallel_loop3A_130#4, %mul3A_150 : vector<16xf32>
      %swap3A_152 = arith.index_cast %rem3A_61 : i32 to index
      %swap3A_153 = arith.constant 320 : index
      %swap3A_154 = tpu.vector_load %arg8[%swap3A_152, %swap3A_153] {strides = array<i32>} : memref<64x384xf32, #tpu.memory_space<vmem>>, vector<16xf32>,
      tpu.vector_store %arg8[%swap3A_152, %swap3A_153], %mul3A_151 {strides = array<i32>} : memref<64x384xf32, #tpu.memory_space<vmem>>, vector<16xf32>,
      %mul3A_155 = arith.constant 42.6666679 : f32
      %mul3A_156 = vector.broadcast %mul3A_155 : f32 to vector<16xf32>
      %mul3A_157 = arith.mulf %parallel_loop3A_130#5, %mul3A_156 : vector<16xf32>
      %swap3A_158 = arith.index_cast %rem3A_61 : i32 to index
      %swap3A_159 = arith.constant 336 : index
      %swap3A_160 = tpu.vector_load %arg8[%swap3A_158, %swap3A_159] {strides = array<i32>} : memref<64x384xf32, #tpu.memory_space<vmem>>, vector<16xf32>,
      tpu.vector_store %arg8[%swap3A_158, %swap3A_159], %mul3A_157 {strides = array<i32>} : memref<64x384xf32, #tpu.memory_space<vmem>>, vector<16xf32>,
      %swap3A_161 = arith.index_cast %rem3A_61 : i32 to index
      %swap3A_162 = arith.constant 96 : index
      %swap3A_163 = tpu.vector_load %arg8[%swap3A_161, %swap3A_162] {strides = array<i32>} : memref<64x384xf32, #tpu.memory_space<vmem>>, vector<16xf32>,
      tpu.vector_store %arg8[%swap3A_161, %swap3A_162], %parallel_loop3A_130#6 {strides = array<i32>} : memref<64x384xf32, #tpu.memory_space<vmem>>, vector<16xf32>,
      %swap3A_164 = arith.index_cast %rem3A_61 : i32 to index
      %swap3A_165 = arith.constant 112 : index
      %swap3A_166 = tpu.vector_load %arg8[%swap3A_164, %swap3A_165] {strides = array<i32>} : memref<64x384xf32, #tpu.memory_space<vmem>>, vector<16xf32>,
      tpu.vector_store %arg8[%swap3A_164, %swap3A_165], %parallel_loop3A_130#7 {strides = array<i32>} : memref<64x384xf32, #tpu.memory_space<vmem>>, vector<16xf32>,
      %mul3A_167 = arith.constant 5.65685415 : f32
      %mul3A_168 = vector.broadcast %mul3A_167 : f32 to vector<16xf32>
      %mul3A_169 = arith.mulf %parallel_loop3A_130#8, %mul3A_168 : vector<16xf32>
      %swap3A_170 = arith.index_cast %rem3A_61 : i32 to index
      %swap3A_171 = arith.constant 224 : index
      %swap3A_172 = tpu.vector_load %arg8[%swap3A_170, %swap3A_171] {strides = array<i32>} : memref<64x384xf32, #tpu.memory_space<vmem>>, vector<16xf32>,
      tpu.vector_store %arg8[%swap3A_170, %swap3A_171], %mul3A_169 {strides = array<i32>} : memref<64x384xf32, #tpu.memory_space<vmem>>, vector<16xf32>,
      %mul3A_173 = arith.constant 5.65685415 : f32
      %mul3A_174 = vector.broadcast %mul3A_173 : f32 to vector<16xf32>
      %mul3A_175 = arith.mulf %parallel_loop3A_130#9, %mul3A_174 : vector<16xf32>
      %swap3A_176 = arith.index_cast %rem3A_61 : i32 to index
      %swap3A_177 = arith.constant 240 : index
      %swap3A_178 = tpu.vector_load %arg8[%swap3A_176, %swap3A_177] {strides = array<i32>} : memref<64x384xf32, #tpu.memory_space<vmem>>, vector<16xf32>,
      tpu.vector_store %arg8[%swap3A_176, %swap3A_177], %mul3A_175 {strides = array<i32>} : memref<64x384xf32, #tpu.memory_space<vmem>>, vector<16xf32>,
      %mul3A_179 = arith.constant 42.6666679 : f32
      %mul3A_180 = vector.broadcast %mul3A_179 : f32 to vector<16xf32>
      %mul3A_181 = arith.mulf %parallel_loop3A_130#10, %mul3A_180 : vector<16xf32>
      %swap3A_182 = arith.index_cast %rem3A_61 : i32 to index
      %swap3A_183 = arith.constant 352 : index
      %swap3A_184 = tpu.vector_load %arg8[%swap3A_182, %swap3A_183] {strides = array<i32>} : memref<64x384xf32, #tpu.memory_space<vmem>>, vector<16xf32>,
      tpu.vector_store %arg8[%swap3A_182, %swap3A_183], %mul3A_181 {strides = array<i32>} : memref<64x384xf32, #tpu.memory_space<vmem>>, vector<16xf32>,
      %mul3A_185 = arith.constant 42.6666679 : f32
      %mul3A_186 = vector.broadcast %mul3A_185 : f32 to vector<16xf32>
      %mul3A_187 = arith.mulf %parallel_loop3A_130#11, %mul3A_186 : vector<16xf32>
      %swap3A_188 = arith.index_cast %rem3A_61 : i32 to index
      %swap3A_189 = arith.constant 368 : index
      %swap3A_190 = tpu.vector_load %arg8[%swap3A_188, %swap3A_189] {strides = array<i32>} : memref<64x384xf32, #tpu.memory_space<vmem>>, vector<16xf32>,
      tpu.vector_store %arg8[%swap3A_188, %swap3A_189], %mul3A_187 {strides = array<i32>} : memref<64x384xf32, #tpu.memory_space<vmem>>, vector<16xf32>,
      %add3A_191 = arith.constant 2 : i32
      %add3A_192 = arith.addi %add3A_55, %add3A_191 : i32
      %lt3A = arith.constant 128 : i32
      %lt3A_193 = arith.cmpi slt, %add3A_192, %lt3A : i32
      %convert_element_type3A = arith.extui %lt3A_193 : i1 to i32
      %cond3A = arith.constant 0 : i32
      %cond3A_194 = arith.cmpi ne, %convert_element_type3A, %cond3A : i32
      scf.if %cond3A_194 {
        %add3A_350 = arith.constant 2 : i32
        %add3A_351 = arith.addi %add3A_55, %add3A_350 : i32
        %mul3A_352 = arith.constant 2 : i32
        %mul3A_353 = arith.muli %mul3A_352, %add3A_351 : i32
        %dma_start3A_354 = arith.constant 0 : i32
        %dma_start3A_355 = arith.constant 0 : i32
        %dma_start3A_356 = tpu.memref_slice %arg6[%dma_start3A_354, %dma_start3A_355] : memref<200x128xf32, #tpu.memory_space<vmem>> -> memref<100x128xf32, #tpu.memory_space<vmem>>
        %dma_start3A_357 = arith.constant 0 : i32
        %dma_start3A_358 = tpu.memref_slice %arg5[%mul3A_353, %dma_start3A_357] : memref<256x100xi32, #tpu.memory_space<vmem>> -> memref<1x100xi32, #tpu.memory_space<vmem>>
        %dma_start3A_359 = tpu.memref_squeeze %dma_start3A_358 : memref<1x100xi32, #tpu.memory_space<vmem>> -> memref<100xi32, #tpu.memory_space<vmem>>
        %dma_start3A_360 = arith.constant 0 : i32
        %dma_start3A_361 = arith.constant 0 : i32
        %dma_start3A_362 = tpu.memref_slice %arg3[%dma_start3A_360, %dma_start3A_361] : memref<100000x128xf32, #tpu.memory_space<hbm>> -> memref<100000x128xf32, #tpu.memory_space<hbm>>
        tpu.enqueue_indirect_dma source(%dma_start3A_362 : memref<100000x128xf32, #tpu.memory_space<hbm>>) target(%dma_start3A_356 : memref<100x128xf32, #tpu.memory_space<vmem>>) offsets(%dma_start3A_359 : memref<100xi32, #tpu.memory_space<vmem>>) semaphore(%arg9 : memref<!tpu.dma_semaphore, #tpu.memory_space<semaphore_mem>>)
        %add3A_363 = arith.constant 1 : i32
        %add3A_364 = arith.addi %mul3A_353, %add3A_363 : i32
        %dma_start3A_365 = arith.constant 100 : i32
        %dma_start3A_366 = arith.constant 0 : i32
        %dma_start3A_367 = tpu.memref_slice %arg6[%dma_start3A_365, %dma_start3A_366] : memref<200x128xf32, #tpu.memory_space<vmem>> -> memref<100x128xf32, #tpu.memory_space<vmem>>
        %dma_start3A_368 = arith.constant 0 : i32
        %dma_start3A_369 = tpu.memref_slice %arg5[%add3A_364, %dma_start3A_368] : memref<256x100xi32, #tpu.memory_space<vmem>> -> memref<1x100xi32, #tpu.memory_space<vmem>>
        %dma_start3A_370 = tpu.memref_squeeze %dma_start3A_369 : memref<1x100xi32, #tpu.memory_space<vmem>> -> memref<100xi32, #tpu.memory_space<vmem>>
        %dma_start3A_371 = arith.constant 0 : i32
        %dma_start3A_372 = arith.constant 0 : i32
        %dma_start3A_373 = tpu.memref_slice %arg3[%dma_start3A_371, %dma_start3A_372] : memref<100000x128xf32, #tpu.memory_space<hbm>> -> memref<100000x128xf32, #tpu.memory_space<hbm>>
        tpu.enqueue_indirect_dma source(%dma_start3A_373 : memref<100000x128xf32, #tpu.memory_space<hbm>>) target(%dma_start3A_367 : memref<100x128xf32, #tpu.memory_space<vmem>>) offsets(%dma_start3A_370 : memref<100xi32, #tpu.memory_space<vmem>>) semaphore(%arg9 : memref<!tpu.dma_semaphore, #tpu.memory_space<semaphore_mem>>)
      } else {
      }
      %mul3A_195 = arith.constant 2 : i32
      %mul3A_196 = arith.muli %mul3A_195, %scan3A_51 : i32
      %add3A_197 = arith.constant 1 : i32
      %add3A_198 = arith.addi %mul3A_196, %add3A_197 : i32
      %dma_wait3A_199 = arith.constant 0 : i32
      %dma_wait3A_200 = arith.constant 0 : i32
      %dma_wait3A_201 = tpu.memref_slice %arg3[%dma_wait3A_199, %dma_wait3A_200] : memref<100000x128xf32, #tpu.memory_space<hbm>> -> memref<200x128xf32, #tpu.memory_space<hbm>>
      %dma_wait3A_202 = arith.constant 0 : i32
      %dma_wait3A_203 = arith.constant 0 : i32
      %dma_wait3A_204 = tpu.memref_slice %arg3[%dma_wait3A_202, %dma_wait3A_203] : memref<100000x128xf32, #tpu.memory_space<hbm>> -> memref<200x128xf32, #tpu.memory_space<hbm>>
      tpu.wait_dma2 semaphore(%arg10 : memref<!tpu.dma_semaphore, #tpu.memory_space<semaphore_mem>>) src(%dma_wait3A_204 : memref<200x128xf32, #tpu.memory_space<hbm>>) dst(%arg7 : memref<200x128xf32, #tpu.memory_space<vmem>>)
      %rem3A_205 = arith.constant 64 : i32
      %rem3A_206 = arith.remsi %add3A_198, %rem3A_205 : i32
      %broadcast_in_dim3A_207 = arith.constant 0.000000e+00 : f32
      %broadcast_in_dim3A_208 = vector.broadcast %broadcast_in_dim3A_207 : f32 to vector<16xf32>
      %broadcast_in_dim3A_209 = arith.constant 0.000000e+00 : bf16
      %broadcast_in_dim3A_210 = vector.broadcast %broadcast_in_dim3A_209 : bf16 to vector<32xbf16>
      %parallel_loop3A_211 = arith.constant 0 : i32
      %parallel_loop3A_212 = arith.constant 25 : i32
      %parallel_loop3A_213 = arith.constant 1 : i32
      %parallel_loop3A_214:16 = scf.for %parallel_loop3A_350 = %parallel_loop3A_211 to %parallel_loop3A_212 step %parallel_loop3A_213 iter_args(%parallel_loop3A_351 = %broadcast_in_dim3A_208, %parallel_loop3A_352 = %broadcast_in_dim3A_208, %parallel_loop3A_353 = %broadcast_in_dim3A_208, %parallel_loop3A_354 = %broadcast_in_dim3A_208, %parallel_loop3A_355 = %broadcast_in_dim3A_208, %parallel_loop3A_356 = %broadcast_in_dim3A_208, %parallel_loop3A_357 = %broadcast_in_dim3A_208, %parallel_loop3A_358 = %broadcast_in_dim3A_208, %parallel_loop3A_359 = %broadcast_in_dim3A_208, %parallel_loop3A_360 = %broadcast_in_dim3A_208, %parallel_loop3A_361 = %broadcast_in_dim3A_208, %parallel_loop3A_362 = %broadcast_in_dim3A_208, %parallel_loop3A_363 = %broadcast_in_dim3A_210, %parallel_loop3A_364 = %broadcast_in_dim3A_210, %parallel_loop3A_365 = %broadcast_in_dim3A_210, %parallel_loop3A_366 = %broadcast_in_dim3A_210) -> (vector<16xf32>, vector<16xf32>, vector<16xf32>, vector<16xf32>, vector<16xf32>, vector<16xf32>, vector<16xf32>, vector<16xf32>, vector<16xf32>, vector<16xf32>, vector<16xf32>, vector<16xf32>, vector<32xbf16>, vector<32xbf16>, vector<32xbf16>, vector<32xbf16>)  : i32 {
        %parallel_loop3A_367 = arith.constant 8 : i32
        %parallel_loop3A_368 = arith.muli %parallel_loop3A_350, %parallel_loop3A_367 : i32
        %parallel_loop3A_369 = arith.constant 0 : i32
        %parallel_loop3A_370 = arith.addi %parallel_loop3A_368, %parallel_loop3A_369 : i32
        %parallel_loop3A_371 = arith.index_cast %parallel_loop3A_370 : i32 to index
        %parallel_loop3A_372 = arith.constant 0 : index
        %parallel_loop3A_373 = tpu.vector_load %arg7[%parallel_loop3A_371, %parallel_loop3A_372] {strides = array<i32>} : memref<200x128xf32, #tpu.memory_space<vmem>>, vector<16xf32>,
        %parallel_loop3A_374 = arith.constant 0 : i32
        %parallel_loop3A_375 = arith.addi %parallel_loop3A_368, %parallel_loop3A_374 : i32
        %parallel_loop3A_376 = arith.index_cast %parallel_loop3A_375 : i32 to index
        %parallel_loop3A_377 = arith.constant 16 : index
        %parallel_loop3A_378 = tpu.vector_load %arg7[%parallel_loop3A_376, %parallel_loop3A_377] {strides = array<i32>} : memref<200x128xf32, #tpu.memory_space<vmem>>, vector<16xf32>,
        %parallel_loop3A_379 = tpu.pack_subelements %parallel_loop3A_373, %parallel_loop3A_378 {pack_format = #tpu.pack_format<interleaved>, positions = array<i32: 0, 1>} : vector<16xf32>, vector<16xf32> -> vector<32xbf16>
        %parallel_loop3A_380 = arith.mulf %parallel_loop3A_379, %parallel_loop3A_363 : vector<32xbf16>
        %parallel_loop3A_381 = arith.addf %broadcast_in_dim3A_210, %parallel_loop3A_379 : vector<32xbf16>
        %parallel_loop3A_382 = arith.addf %broadcast_in_dim3A_210, %parallel_loop3A_380 : vector<32xbf16>
        %parallel_loop3A_383 = arith.mulf %parallel_loop3A_379, %parallel_loop3A_364 : vector<32xbf16>
        %parallel_loop3A_384 = arith.addf %broadcast_in_dim3A_210, %parallel_loop3A_383 : vector<32xbf16>
        %parallel_loop3A_385 = arith.constant 1 : i32
        %parallel_loop3A_386 = arith.addi %parallel_loop3A_368, %parallel_loop3A_385 : i32
        %parallel_loop3A_387 = arith.index_cast %parallel_loop3A_386 : i32 to index
        %parallel_loop3A_388 = arith.constant 0 : index
        %parallel_loop3A_389 = tpu.vector_load %arg7[%parallel_loop3A_387, %parallel_loop3A_388] {strides = array<i32>} : memref<200x128xf32, #tpu.memory_space<vmem>>, vector<16xf32>,
        %parallel_loop3A_390 = arith.constant 1 : i32
        %parallel_loop3A_391 = arith.addi %parallel_loop3A_368, %parallel_loop3A_390 : i32
        %parallel_loop3A_392 = arith.index_cast %parallel_loop3A_391 : i32 to index
        %parallel_loop3A_393 = arith.constant 16 : index
        %parallel_loop3A_394 = tpu.vector_load %arg7[%parallel_loop3A_392, %parallel_loop3A_393] {strides = array<i32>} : memref<200x128xf32, #tpu.memory_space<vmem>>, vector<16xf32>,
        %parallel_loop3A_395 = tpu.pack_subelements %parallel_loop3A_389, %parallel_loop3A_394 {pack_format = #tpu.pack_format<interleaved>, positions = array<i32: 0, 1>} : vector<16xf32>, vector<16xf32> -> vector<32xbf16>
        %parallel_loop3A_396 = arith.mulf %parallel_loop3A_395, %parallel_loop3A_379 : vector<32xbf16>
        %parallel_loop3A_397 = arith.addf %parallel_loop3A_381, %parallel_loop3A_395 : vector<32xbf16>
        %parallel_loop3A_398 = arith.addf %parallel_loop3A_382, %parallel_loop3A_396 : vector<32xbf16>
        %parallel_loop3A_399 = arith.mulf %parallel_loop3A_395, %parallel_loop3A_380 : vector<32xbf16>
        %parallel_loop3A_400 = arith.addf %parallel_loop3A_384, %parallel_loop3A_399 : vector<32xbf16>
        %parallel_loop3A_401 = arith.constant 2 : i32
        %parallel_loop3A_402 = arith.addi %parallel_loop3A_368, %parallel_loop3A_401 : i32
        %parallel_loop3A_403 = arith.index_cast %parallel_loop3A_402 : i32 to index
        %parallel_loop3A_404 = arith.constant 0 : index
        %parallel_loop3A_405 = tpu.vector_load %arg7[%parallel_loop3A_403, %parallel_loop3A_404] {strides = array<i32>} : memref<200x128xf32, #tpu.memory_space<vmem>>, vector<16xf32>,
        %parallel_loop3A_406 = arith.constant 2 : i32
        %parallel_loop3A_407 = arith.addi %parallel_loop3A_368, %parallel_loop3A_406 : i32
        %parallel_loop3A_408 = arith.index_cast %parallel_loop3A_407 : i32 to index
        %parallel_loop3A_409 = arith.constant 16 : index
        %parallel_loop3A_410 = tpu.vector_load %arg7[%parallel_loop3A_408, %parallel_loop3A_409] {strides = array<i32>} : memref<200x128xf32, #tpu.memory_space<vmem>>, vector<16xf32>,
        %parallel_loop3A_411 = tpu.pack_subelements %parallel_loop3A_405, %parallel_loop3A_410 {pack_format = #tpu.pack_format<interleaved>, positions = array<i32: 0, 1>} : vector<16xf32>, vector<16xf32> -> vector<32xbf16>
        %parallel_loop3A_412 = arith.mulf %parallel_loop3A_411, %parallel_loop3A_395 : vector<32xbf16>
        %parallel_loop3A_413 = arith.addf %parallel_loop3A_397, %parallel_loop3A_411 : vector<32xbf16>
        %parallel_loop3A_414 = arith.addf %parallel_loop3A_398, %parallel_loop3A_412 : vector<32xbf16>
        %parallel_loop3A_415 = arith.mulf %parallel_loop3A_411, %parallel_loop3A_396 : vector<32xbf16>
        %parallel_loop3A_416 = arith.addf %parallel_loop3A_400, %parallel_loop3A_415 : vector<32xbf16>
        %parallel_loop3A_417 = arith.constant 3 : i32
        %parallel_loop3A_418 = arith.addi %parallel_loop3A_368, %parallel_loop3A_417 : i32
        %parallel_loop3A_419 = arith.index_cast %parallel_loop3A_418 : i32 to index
        %parallel_loop3A_420 = arith.constant 0 : index
        %parallel_loop3A_421 = tpu.vector_load %arg7[%parallel_loop3A_419, %parallel_loop3A_420] {strides = array<i32>} : memref<200x128xf32, #tpu.memory_space<vmem>>, vector<16xf32>,
        %parallel_loop3A_422 = arith.constant 3 : i32
        %parallel_loop3A_423 = arith.addi %parallel_loop3A_368, %parallel_loop3A_422 : i32
        %parallel_loop3A_424 = arith.index_cast %parallel_loop3A_423 : i32 to index
        %parallel_loop3A_425 = arith.constant 16 : index
        %parallel_loop3A_426 = tpu.vector_load %arg7[%parallel_loop3A_424, %parallel_loop3A_425] {strides = array<i32>} : memref<200x128xf32, #tpu.memory_space<vmem>>, vector<16xf32>,
        %parallel_loop3A_427 = tpu.pack_subelements %parallel_loop3A_421, %parallel_loop3A_426 {pack_format = #tpu.pack_format<interleaved>, positions = array<i32: 0, 1>} : vector<16xf32>, vector<16xf32> -> vector<32xbf16>
        %parallel_loop3A_428 = arith.mulf %parallel_loop3A_427, %parallel_loop3A_411 : vector<32xbf16>
        %parallel_loop3A_429 = arith.addf %parallel_loop3A_413, %parallel_loop3A_427 : vector<32xbf16>
        %parallel_loop3A_430 = arith.addf %parallel_loop3A_414, %parallel_loop3A_428 : vector<32xbf16>
        %parallel_loop3A_431 = arith.mulf %parallel_loop3A_427, %parallel_loop3A_412 : vector<32xbf16>
        %parallel_loop3A_432 = arith.addf %parallel_loop3A_416, %parallel_loop3A_431 : vector<32xbf16>
        %parallel_loop3A_433 = arith.constant 4 : i32
        %parallel_loop3A_434 = arith.addi %parallel_loop3A_368, %parallel_loop3A_433 : i32
        %parallel_loop3A_435 = arith.index_cast %parallel_loop3A_434 : i32 to index
        %parallel_loop3A_436 = arith.constant 0 : index
        %parallel_loop3A_437 = tpu.vector_load %arg7[%parallel_loop3A_435, %parallel_loop3A_436] {strides = array<i32>} : memref<200x128xf32, #tpu.memory_space<vmem>>, vector<16xf32>,
        %parallel_loop3A_438 = arith.constant 4 : i32
        %parallel_loop3A_439 = arith.addi %parallel_loop3A_368, %parallel_loop3A_438 : i32
        %parallel_loop3A_440 = arith.index_cast %parallel_loop3A_439 : i32 to index
        %parallel_loop3A_441 = arith.constant 16 : index
        %parallel_loop3A_442 = tpu.vector_load %arg7[%parallel_loop3A_440, %parallel_loop3A_441] {strides = array<i32>} : memref<200x128xf32, #tpu.memory_space<vmem>>, vector<16xf32>,
        %parallel_loop3A_443 = tpu.pack_subelements %parallel_loop3A_437, %parallel_loop3A_442 {pack_format = #tpu.pack_format<interleaved>, positions = array<i32: 0, 1>} : vector<16xf32>, vector<16xf32> -> vector<32xbf16>
        %parallel_loop3A_444 = arith.mulf %parallel_loop3A_443, %parallel_loop3A_427 : vector<32xbf16>
        %parallel_loop3A_445 = arith.addf %parallel_loop3A_429, %parallel_loop3A_443 : vector<32xbf16>
        %parallel_loop3A_446 = arith.addf %parallel_loop3A_430, %parallel_loop3A_444 : vector<32xbf16>
        %parallel_loop3A_447 = arith.mulf %parallel_loop3A_443, %parallel_loop3A_428 : vector<32xbf16>
        %parallel_loop3A_448 = arith.addf %parallel_loop3A_432, %parallel_loop3A_447 : vector<32xbf16>
        %parallel_loop3A_449 = arith.constant 5 : i32
        %parallel_loop3A_450 = arith.addi %parallel_loop3A_368, %parallel_loop3A_449 : i32
        %parallel_loop3A_451 = arith.index_cast %parallel_loop3A_450 : i32 to index
        %parallel_loop3A_452 = arith.constant 0 : index
        %parallel_loop3A_453 = tpu.vector_load %arg7[%parallel_loop3A_451, %parallel_loop3A_452] {strides = array<i32>} : memref<200x128xf32, #tpu.memory_space<vmem>>, vector<16xf32>,
        %parallel_loop3A_454 = arith.constant 5 : i32
        %parallel_loop3A_455 = arith.addi %parallel_loop3A_368, %parallel_loop3A_454 : i32
        %parallel_loop3A_456 = arith.index_cast %parallel_loop3A_455 : i32 to index
        %parallel_loop3A_457 = arith.constant 16 : index
        %parallel_loop3A_458 = tpu.vector_load %arg7[%parallel_loop3A_456, %parallel_loop3A_457] {strides = array<i32>} : memref<200x128xf32, #tpu.memory_space<vmem>>, vector<16xf32>,
        %parallel_loop3A_459 = tpu.pack_subelements %parallel_loop3A_453, %parallel_loop3A_458 {pack_format = #tpu.pack_format<interleaved>, positions = array<i32: 0, 1>} : vector<16xf32>, vector<16xf32> -> vector<32xbf16>
        %parallel_loop3A_460 = arith.mulf %parallel_loop3A_459, %parallel_loop3A_443 : vector<32xbf16>
        %parallel_loop3A_461 = arith.addf %parallel_loop3A_445, %parallel_loop3A_459 : vector<32xbf16>
        %parallel_loop3A_462 = arith.addf %parallel_loop3A_446, %parallel_loop3A_460 : vector<32xbf16>
        %parallel_loop3A_463 = arith.mulf %parallel_loop3A_459, %parallel_loop3A_444 : vector<32xbf16>
        %parallel_loop3A_464 = arith.addf %parallel_loop3A_448, %parallel_loop3A_463 : vector<32xbf16>
        %parallel_loop3A_465 = arith.constant 6 : i32
        %parallel_loop3A_466 = arith.addi %parallel_loop3A_368, %parallel_loop3A_465 : i32
        %parallel_loop3A_467 = arith.index_cast %parallel_loop3A_466 : i32 to index
        %parallel_loop3A_468 = arith.constant 0 : index
        %parallel_loop3A_469 = tpu.vector_load %arg7[%parallel_loop3A_467, %parallel_loop3A_468] {strides = array<i32>} : memref<200x128xf32, #tpu.memory_space<vmem>>, vector<16xf32>,
        %parallel_loop3A_470 = arith.constant 6 : i32
        %parallel_loop3A_471 = arith.addi %parallel_loop3A_368, %parallel_loop3A_470 : i32
        %parallel_loop3A_472 = arith.index_cast %parallel_loop3A_471 : i32 to index
        %parallel_loop3A_473 = arith.constant 16 : index
        %parallel_loop3A_474 = tpu.vector_load %arg7[%parallel_loop3A_472, %parallel_loop3A_473] {strides = array<i32>} : memref<200x128xf32, #tpu.memory_space<vmem>>, vector<16xf32>,
        %parallel_loop3A_475 = tpu.pack_subelements %parallel_loop3A_469, %parallel_loop3A_474 {pack_format = #tpu.pack_format<interleaved>, positions = array<i32: 0, 1>} : vector<16xf32>, vector<16xf32> -> vector<32xbf16>
        %parallel_loop3A_476 = arith.mulf %parallel_loop3A_475, %parallel_loop3A_459 : vector<32xbf16>
        %parallel_loop3A_477 = arith.addf %parallel_loop3A_461, %parallel_loop3A_475 : vector<32xbf16>
        %parallel_loop3A_478 = arith.addf %parallel_loop3A_462, %parallel_loop3A_476 : vector<32xbf16>
        %parallel_loop3A_479 = arith.mulf %parallel_loop3A_475, %parallel_loop3A_460 : vector<32xbf16>
        %parallel_loop3A_480 = arith.addf %parallel_loop3A_464, %parallel_loop3A_479 : vector<32xbf16>
        %parallel_loop3A_481 = arith.constant 7 : i32
        %parallel_loop3A_482 = arith.addi %parallel_loop3A_368, %parallel_loop3A_481 : i32
        %parallel_loop3A_483 = arith.index_cast %parallel_loop3A_482 : i32 to index
        %parallel_loop3A_484 = arith.constant 0 : index
        %parallel_loop3A_485 = tpu.vector_load %arg7[%parallel_loop3A_483, %parallel_loop3A_484] {strides = array<i32>} : memref<200x128xf32, #tpu.memory_space<vmem>>, vector<16xf32>,
        %parallel_loop3A_486 = arith.constant 7 : i32
        %parallel_loop3A_487 = arith.addi %parallel_loop3A_368, %parallel_loop3A_486 : i32
        %parallel_loop3A_488 = arith.index_cast %parallel_loop3A_487 : i32 to index
        %parallel_loop3A_489 = arith.constant 16 : index
        %parallel_loop3A_490 = tpu.vector_load %arg7[%parallel_loop3A_488, %parallel_loop3A_489] {strides = array<i32>} : memref<200x128xf32, #tpu.memory_space<vmem>>, vector<16xf32>,
        %parallel_loop3A_491 = tpu.pack_subelements %parallel_loop3A_485, %parallel_loop3A_490 {pack_format = #tpu.pack_format<interleaved>, positions = array<i32: 0, 1>} : vector<16xf32>, vector<16xf32> -> vector<32xbf16>
        %parallel_loop3A_492 = arith.mulf %parallel_loop3A_491, %parallel_loop3A_475 : vector<32xbf16>
        %parallel_loop3A_493 = arith.addf %parallel_loop3A_477, %parallel_loop3A_491 : vector<32xbf16>
        %parallel_loop3A_494 = arith.addf %parallel_loop3A_478, %parallel_loop3A_492 : vector<32xbf16>
        %parallel_loop3A_495 = arith.mulf %parallel_loop3A_491, %parallel_loop3A_476 : vector<32xbf16>
        %parallel_loop3A_496 = arith.addf %parallel_loop3A_480, %parallel_loop3A_495 : vector<32xbf16>
        %parallel_loop3A_497 = vector.bitcast %parallel_loop3A_493 : vector<32xbf16> to vector<16xi32>
        %parallel_loop3A_498 = arith.constant 16 : i32
        %parallel_loop3A_499 = vector.broadcast %parallel_loop3A_498 : i32 to vector<16xi32>
        %parallel_loop3A_500 = arith.shli %parallel_loop3A_497, %parallel_loop3A_499 : vector<16xi32>
        %parallel_loop3A_501 = vector.bitcast %parallel_loop3A_500 : vector<16xi32> to vector<16xf32>
        %parallel_loop3A_502 = arith.constant -65536 : i32
        %parallel_loop3A_503 = vector.broadcast %parallel_loop3A_502 : i32 to vector<16xi32>
        %parallel_loop3A_504 = arith.andi %parallel_loop3A_497, %parallel_loop3A_503 : vector<16xi32>
        %parallel_loop3A_505 = vector.bitcast %parallel_loop3A_504 : vector<16xi32> to vector<16xf32>
        %parallel_loop3A_506 = arith.addf %parallel_loop3A_351, %parallel_loop3A_501 : vector<16xf32>
        %parallel_loop3A_507 = arith.addf %parallel_loop3A_352, %parallel_loop3A_505 : vector<16xf32>
        %parallel_loop3A_508 = vector.bitcast %parallel_loop3A_494 : vector<32xbf16> to vector<16xi32>
        %parallel_loop3A_509 = arith.constant 16 : i32
        %parallel_loop3A_510 = vector.broadcast %parallel_loop3A_509 : i32 to vector<16xi32>
        %parallel_loop3A_511 = arith.shli %parallel_loop3A_508, %parallel_loop3A_510 : vector<16xi32>
        %parallel_loop3A_512 = vector.bitcast %parallel_loop3A_511 : vector<16xi32> to vector<16xf32>
        %parallel_loop3A_513 = arith.constant -65536 : i32
        %parallel_loop3A_514 = vector.broadcast %parallel_loop3A_513 : i32 to vector<16xi32>
        %parallel_loop3A_515 = arith.andi %parallel_loop3A_508, %parallel_loop3A_514 : vector<16xi32>
        %parallel_loop3A_516 = vector.bitcast %parallel_loop3A_515 : vector<16xi32> to vector<16xf32>
        %parallel_loop3A_517 = arith.addf %parallel_loop3A_353, %parallel_loop3A_512 : vector<16xf32>
        %parallel_loop3A_518 = arith.addf %parallel_loop3A_354, %parallel_loop3A_516 : vector<16xf32>
        %parallel_loop3A_519 = vector.bitcast %parallel_loop3A_496 : vector<32xbf16> to vector<16xi32>
        %parallel_loop3A_520 = arith.constant 16 : i32
        %parallel_loop3A_521 = vector.broadcast %parallel_loop3A_520 : i32 to vector<16xi32>
        %parallel_loop3A_522 = arith.shli %parallel_loop3A_519, %parallel_loop3A_521 : vector<16xi32>
        %parallel_loop3A_523 = vector.bitcast %parallel_loop3A_522 : vector<16xi32> to vector<16xf32>
        %parallel_loop3A_524 = arith.constant -65536 : i32
        %parallel_loop3A_525 = vector.broadcast %parallel_loop3A_524 : i32 to vector<16xi32>
        %parallel_loop3A_526 = arith.andi %parallel_loop3A_519, %parallel_loop3A_525 : vector<16xi32>
        %parallel_loop3A_527 = vector.bitcast %parallel_loop3A_526 : vector<16xi32> to vector<16xf32>
        %parallel_loop3A_528 = arith.addf %parallel_loop3A_355, %parallel_loop3A_523 : vector<16xf32>
        %parallel_loop3A_529 = arith.addf %parallel_loop3A_356, %parallel_loop3A_527 : vector<16xf32>
        %parallel_loop3A_530 = arith.constant 0 : i32
        %parallel_loop3A_531 = arith.addi %parallel_loop3A_368, %parallel_loop3A_530 : i32
        %parallel_loop3A_532 = arith.index_cast %parallel_loop3A_531 : i32 to index
        %parallel_loop3A_533 = arith.constant 32 : index
        %parallel_loop3A_534 = tpu.vector_load %arg7[%parallel_loop3A_532, %parallel_loop3A_533] {strides = array<i32>} : memref<200x128xf32, #tpu.memory_space<vmem>>, vector<16xf32>,
        %parallel_loop3A_535 = arith.constant 0 : i32
        %parallel_loop3A_536 = arith.addi %parallel_loop3A_368, %parallel_loop3A_535 : i32
        %parallel_loop3A_537 = arith.index_cast %parallel_loop3A_536 : i32 to index
        %parallel_loop3A_538 = arith.constant 48 : index
        %parallel_loop3A_539 = tpu.vector_load %arg7[%parallel_loop3A_537, %parallel_loop3A_538] {strides = array<i32>} : memref<200x128xf32, #tpu.memory_space<vmem>>, vector<16xf32>,
        %parallel_loop3A_540 = tpu.pack_subelements %parallel_loop3A_534, %parallel_loop3A_539 {pack_format = #tpu.pack_format<interleaved>, positions = array<i32: 0, 1>} : vector<16xf32>, vector<16xf32> -> vector<32xbf16>
        %parallel_loop3A_541 = arith.mulf %parallel_loop3A_540, %parallel_loop3A_365 : vector<32xbf16>
        %parallel_loop3A_542 = arith.addf %broadcast_in_dim3A_210, %parallel_loop3A_540 : vector<32xbf16>
        %parallel_loop3A_543 = arith.addf %broadcast_in_dim3A_210, %parallel_loop3A_541 : vector<32xbf16>
        %parallel_loop3A_544 = arith.mulf %parallel_loop3A_540, %parallel_loop3A_366 : vector<32xbf16>
        %parallel_loop3A_545 = arith.addf %broadcast_in_dim3A_210, %parallel_loop3A_544 : vector<32xbf16>
        %parallel_loop3A_546 = arith.constant 1 : i32
        %parallel_loop3A_547 = arith.addi %parallel_loop3A_368, %parallel_loop3A_546 : i32
        %parallel_loop3A_548 = arith.index_cast %parallel_loop3A_547 : i32 to index
        %parallel_loop3A_549 = arith.constant 32 : index
        %parallel_loop3A_550 = tpu.vector_load %arg7[%parallel_loop3A_548, %parallel_loop3A_549] {strides = array<i32>} : memref<200x128xf32, #tpu.memory_space<vmem>>, vector<16xf32>,
        %parallel_loop3A_551 = arith.constant 1 : i32
        %parallel_loop3A_552 = arith.addi %parallel_loop3A_368, %parallel_loop3A_551 : i32
        %parallel_loop3A_553 = arith.index_cast %parallel_loop3A_552 : i32 to index
        %parallel_loop3A_554 = arith.constant 48 : index
        %parallel_loop3A_555 = tpu.vector_load %arg7[%parallel_loop3A_553, %parallel_loop3A_554] {strides = array<i32>} : memref<200x128xf32, #tpu.memory_space<vmem>>, vector<16xf32>,
        %parallel_loop3A_556 = tpu.pack_subelements %parallel_loop3A_550, %parallel_loop3A_555 {pack_format = #tpu.pack_format<interleaved>, positions = array<i32: 0, 1>} : vector<16xf32>, vector<16xf32> -> vector<32xbf16>
        %parallel_loop3A_557 = arith.mulf %parallel_loop3A_556, %parallel_loop3A_540 : vector<32xbf16>
        %parallel_loop3A_558 = arith.addf %parallel_loop3A_542, %parallel_loop3A_556 : vector<32xbf16>
        %parallel_loop3A_559 = arith.addf %parallel_loop3A_543, %parallel_loop3A_557 : vector<32xbf16>
        %parallel_loop3A_560 = arith.mulf %parallel_loop3A_556, %parallel_loop3A_541 : vector<32xbf16>
        %parallel_loop3A_561 = arith.addf %parallel_loop3A_545, %parallel_loop3A_560 : vector<32xbf16>
        %parallel_loop3A_562 = arith.constant 2 : i32
        %parallel_loop3A_563 = arith.addi %parallel_loop3A_368, %parallel_loop3A_562 : i32
        %parallel_loop3A_564 = arith.index_cast %parallel_loop3A_563 : i32 to index
        %parallel_loop3A_565 = arith.constant 32 : index
        %parallel_loop3A_566 = tpu.vector_load %arg7[%parallel_loop3A_564, %parallel_loop3A_565] {strides = array<i32>} : memref<200x128xf32, #tpu.memory_space<vmem>>, vector<16xf32>,
        %parallel_loop3A_567 = arith.constant 2 : i32
        %parallel_loop3A_568 = arith.addi %parallel_loop3A_368, %parallel_loop3A_567 : i32
        %parallel_loop3A_569 = arith.index_cast %parallel_loop3A_568 : i32 to index
        %parallel_loop3A_570 = arith.constant 48 : index
        %parallel_loop3A_571 = tpu.vector_load %arg7[%parallel_loop3A_569, %parallel_loop3A_570] {strides = array<i32>} : memref<200x128xf32, #tpu.memory_space<vmem>>, vector<16xf32>,
        %parallel_loop3A_572 = tpu.pack_subelements %parallel_loop3A_566, %parallel_loop3A_571 {pack_format = #tpu.pack_format<interleaved>, positions = array<i32: 0, 1>} : vector<16xf32>, vector<16xf32> -> vector<32xbf16>
        %parallel_loop3A_573 = arith.mulf %parallel_loop3A_572, %parallel_loop3A_556 : vector<32xbf16>
        %parallel_loop3A_574 = arith.addf %parallel_loop3A_558, %parallel_loop3A_572 : vector<32xbf16>
        %parallel_loop3A_575 = arith.addf %parallel_loop3A_559, %parallel_loop3A_573 : vector<32xbf16>
        %parallel_loop3A_576 = arith.mulf %parallel_loop3A_572, %parallel_loop3A_557 : vector<32xbf16>
        %parallel_loop3A_577 = arith.addf %parallel_loop3A_561, %parallel_loop3A_576 : vector<32xbf16>
        %parallel_loop3A_578 = arith.constant 3 : i32
        %parallel_loop3A_579 = arith.addi %parallel_loop3A_368, %parallel_loop3A_578 : i32
        %parallel_loop3A_580 = arith.index_cast %parallel_loop3A_579 : i32 to index
        %parallel_loop3A_581 = arith.constant 32 : index
        %parallel_loop3A_582 = tpu.vector_load %arg7[%parallel_loop3A_580, %parallel_loop3A_581] {strides = array<i32>} : memref<200x128xf32, #tpu.memory_space<vmem>>, vector<16xf32>,
        %parallel_loop3A_583 = arith.constant 3 : i32
        %parallel_loop3A_584 = arith.addi %parallel_loop3A_368, %parallel_loop3A_583 : i32
        %parallel_loop3A_585 = arith.index_cast %parallel_loop3A_584 : i32 to index
        %parallel_loop3A_586 = arith.constant 48 : index
        %parallel_loop3A_587 = tpu.vector_load %arg7[%parallel_loop3A_585, %parallel_loop3A_586] {strides = array<i32>} : memref<200x128xf32, #tpu.memory_space<vmem>>, vector<16xf32>,
        %parallel_loop3A_588 = tpu.pack_subelements %parallel_loop3A_582, %parallel_loop3A_587 {pack_format = #tpu.pack_format<interleaved>, positions = array<i32: 0, 1>} : vector<16xf32>, vector<16xf32> -> vector<32xbf16>
        %parallel_loop3A_589 = arith.mulf %parallel_loop3A_588, %parallel_loop3A_572 : vector<32xbf16>
        %parallel_loop3A_590 = arith.addf %parallel_loop3A_574, %parallel_loop3A_588 : vector<32xbf16>
        %parallel_loop3A_591 = arith.addf %parallel_loop3A_575, %parallel_loop3A_589 : vector<32xbf16>
        %parallel_loop3A_592 = arith.mulf %parallel_loop3A_588, %parallel_loop3A_573 : vector<32xbf16>
        %parallel_loop3A_593 = arith.addf %parallel_loop3A_577, %parallel_loop3A_592 : vector<32xbf16>
        %parallel_loop3A_594 = arith.constant 4 : i32
        %parallel_loop3A_595 = arith.addi %parallel_loop3A_368, %parallel_loop3A_594 : i32
        %parallel_loop3A_596 = arith.index_cast %parallel_loop3A_595 : i32 to index
        %parallel_loop3A_597 = arith.constant 32 : index
        %parallel_loop3A_598 = tpu.vector_load %arg7[%parallel_loop3A_596, %parallel_loop3A_597] {strides = array<i32>} : memref<200x128xf32, #tpu.memory_space<vmem>>, vector<16xf32>,
        %parallel_loop3A_599 = arith.constant 4 : i32
        %parallel_loop3A_600 = arith.addi %parallel_loop3A_368, %parallel_loop3A_599 : i32
        %parallel_loop3A_601 = arith.index_cast %parallel_loop3A_600 : i32 to index
        %parallel_loop3A_602 = arith.constant 48 : index
        %parallel_loop3A_603 = tpu.vector_load %arg7[%parallel_loop3A_601, %parallel_loop3A_602] {strides = array<i32>} : memref<200x128xf32, #tpu.memory_space<vmem>>, vector<16xf32>,
        %parallel_loop3A_604 = tpu.pack_subelements %parallel_loop3A_598, %parallel_loop3A_603 {pack_format = #tpu.pack_format<interleaved>, positions = array<i32: 0, 1>} : vector<16xf32>, vector<16xf32> -> vector<32xbf16>
        %parallel_loop3A_605 = arith.mulf %parallel_loop3A_604, %parallel_loop3A_588 : vector<32xbf16>
        %parallel_loop3A_606 = arith.addf %parallel_loop3A_590, %parallel_loop3A_604 : vector<32xbf16>
        %parallel_loop3A_607 = arith.addf %parallel_loop3A_591, %parallel_loop3A_605 : vector<32xbf16>
        %parallel_loop3A_608 = arith.mulf %parallel_loop3A_604, %parallel_loop3A_589 : vector<32xbf16>
        %parallel_loop3A_609 = arith.addf %parallel_loop3A_593, %parallel_loop3A_608 : vector<32xbf16>
        %parallel_loop3A_610 = arith.constant 5 : i32
        %parallel_loop3A_611 = arith.addi %parallel_loop3A_368, %parallel_loop3A_610 : i32
        %parallel_loop3A_612 = arith.index_cast %parallel_loop3A_611 : i32 to index
        %parallel_loop3A_613 = arith.constant 32 : index
        %parallel_loop3A_614 = tpu.vector_load %arg7[%parallel_loop3A_612, %parallel_loop3A_613] {strides = array<i32>} : memref<200x128xf32, #tpu.memory_space<vmem>>, vector<16xf32>,
        %parallel_loop3A_615 = arith.constant 5 : i32
        %parallel_loop3A_616 = arith.addi %parallel_loop3A_368, %parallel_loop3A_615 : i32
        %parallel_loop3A_617 = arith.index_cast %parallel_loop3A_616 : i32 to index
        %parallel_loop3A_618 = arith.constant 48 : index
        %parallel_loop3A_619 = tpu.vector_load %arg7[%parallel_loop3A_617, %parallel_loop3A_618] {strides = array<i32>} : memref<200x128xf32, #tpu.memory_space<vmem>>, vector<16xf32>,
        %parallel_loop3A_620 = tpu.pack_subelements %parallel_loop3A_614, %parallel_loop3A_619 {pack_format = #tpu.pack_format<interleaved>, positions = array<i32: 0, 1>} : vector<16xf32>, vector<16xf32> -> vector<32xbf16>
        %parallel_loop3A_621 = arith.mulf %parallel_loop3A_620, %parallel_loop3A_604 : vector<32xbf16>
        %parallel_loop3A_622 = arith.addf %parallel_loop3A_606, %parallel_loop3A_620 : vector<32xbf16>
        %parallel_loop3A_623 = arith.addf %parallel_loop3A_607, %parallel_loop3A_621 : vector<32xbf16>
        %parallel_loop3A_624 = arith.mulf %parallel_loop3A_620, %parallel_loop3A_605 : vector<32xbf16>
        %parallel_loop3A_625 = arith.addf %parallel_loop3A_609, %parallel_loop3A_624 : vector<32xbf16>
        %parallel_loop3A_626 = arith.constant 6 : i32
        %parallel_loop3A_627 = arith.addi %parallel_loop3A_368, %parallel_loop3A_626 : i32
        %parallel_loop3A_628 = arith.index_cast %parallel_loop3A_627 : i32 to index
        %parallel_loop3A_629 = arith.constant 32 : index
        %parallel_loop3A_630 = tpu.vector_load %arg7[%parallel_loop3A_628, %parallel_loop3A_629] {strides = array<i32>} : memref<200x128xf32, #tpu.memory_space<vmem>>, vector<16xf32>,
        %parallel_loop3A_631 = arith.constant 6 : i32
        %parallel_loop3A_632 = arith.addi %parallel_loop3A_368, %parallel_loop3A_631 : i32
        %parallel_loop3A_633 = arith.index_cast %parallel_loop3A_632 : i32 to index
        %parallel_loop3A_634 = arith.constant 48 : index
        %parallel_loop3A_635 = tpu.vector_load %arg7[%parallel_loop3A_633, %parallel_loop3A_634] {strides = array<i32>} : memref<200x128xf32, #tpu.memory_space<vmem>>, vector<16xf32>,
        %parallel_loop3A_636 = tpu.pack_subelements %parallel_loop3A_630, %parallel_loop3A_635 {pack_format = #tpu.pack_format<interleaved>, positions = array<i32: 0, 1>} : vector<16xf32>, vector<16xf32> -> vector<32xbf16>
        %parallel_loop3A_637 = arith.mulf %parallel_loop3A_636, %parallel_loop3A_620 : vector<32xbf16>
        %parallel_loop3A_638 = arith.addf %parallel_loop3A_622, %parallel_loop3A_636 : vector<32xbf16>
        %parallel_loop3A_639 = arith.addf %parallel_loop3A_623, %parallel_loop3A_637 : vector<32xbf16>
        %parallel_loop3A_640 = arith.mulf %parallel_loop3A_636, %parallel_loop3A_621 : vector<32xbf16>
        %parallel_loop3A_641 = arith.addf %parallel_loop3A_625, %parallel_loop3A_640 : vector<32xbf16>
        %parallel_loop3A_642 = arith.constant 7 : i32
        %parallel_loop3A_643 = arith.addi %parallel_loop3A_368, %parallel_loop3A_642 : i32
        %parallel_loop3A_644 = arith.index_cast %parallel_loop3A_643 : i32 to index
        %parallel_loop3A_645 = arith.constant 32 : index
        %parallel_loop3A_646 = tpu.vector_load %arg7[%parallel_loop3A_644, %parallel_loop3A_645] {strides = array<i32>} : memref<200x128xf32, #tpu.memory_space<vmem>>, vector<16xf32>,
        %parallel_loop3A_647 = arith.constant 7 : i32
        %parallel_loop3A_648 = arith.addi %parallel_loop3A_368, %parallel_loop3A_647 : i32
        %parallel_loop3A_649 = arith.index_cast %parallel_loop3A_648 : i32 to index
        %parallel_loop3A_650 = arith.constant 48 : index
        %parallel_loop3A_651 = tpu.vector_load %arg7[%parallel_loop3A_649, %parallel_loop3A_650] {strides = array<i32>} : memref<200x128xf32, #tpu.memory_space<vmem>>, vector<16xf32>,
        %parallel_loop3A_652 = tpu.pack_subelements %parallel_loop3A_646, %parallel_loop3A_651 {pack_format = #tpu.pack_format<interleaved>, positions = array<i32: 0, 1>} : vector<16xf32>, vector<16xf32> -> vector<32xbf16>
        %parallel_loop3A_653 = arith.mulf %parallel_loop3A_652, %parallel_loop3A_636 : vector<32xbf16>
        %parallel_loop3A_654 = arith.addf %parallel_loop3A_638, %parallel_loop3A_652 : vector<32xbf16>
        %parallel_loop3A_655 = arith.addf %parallel_loop3A_639, %parallel_loop3A_653 : vector<32xbf16>
        %parallel_loop3A_656 = arith.mulf %parallel_loop3A_652, %parallel_loop3A_637 : vector<32xbf16>
        %parallel_loop3A_657 = arith.addf %parallel_loop3A_641, %parallel_loop3A_656 : vector<32xbf16>
        %parallel_loop3A_658 = vector.bitcast %parallel_loop3A_654 : vector<32xbf16> to vector<16xi32>
        %parallel_loop3A_659 = arith.constant 16 : i32
        %parallel_loop3A_660 = vector.broadcast %parallel_loop3A_659 : i32 to vector<16xi32>
        %parallel_loop3A_661 = arith.shli %parallel_loop3A_658, %parallel_loop3A_660 : vector<16xi32>
        %parallel_loop3A_662 = vector.bitcast %parallel_loop3A_661 : vector<16xi32> to vector<16xf32>
        %parallel_loop3A_663 = arith.constant -65536 : i32
        %parallel_loop3A_664 = vector.broadcast %parallel_loop3A_663 : i32 to vector<16xi32>
        %parallel_loop3A_665 = arith.andi %parallel_loop3A_658, %parallel_loop3A_664 : vector<16xi32>
        %parallel_loop3A_666 = vector.bitcast %parallel_loop3A_665 : vector<16xi32> to vector<16xf32>
        %parallel_loop3A_667 = arith.addf %parallel_loop3A_357, %parallel_loop3A_662 : vector<16xf32>
        %parallel_loop3A_668 = arith.addf %parallel_loop3A_358, %parallel_loop3A_666 : vector<16xf32>
        %parallel_loop3A_669 = vector.bitcast %parallel_loop3A_655 : vector<32xbf16> to vector<16xi32>
        %parallel_loop3A_670 = arith.constant 16 : i32
        %parallel_loop3A_671 = vector.broadcast %parallel_loop3A_670 : i32 to vector<16xi32>
        %parallel_loop3A_672 = arith.shli %parallel_loop3A_669, %parallel_loop3A_671 : vector<16xi32>
        %parallel_loop3A_673 = vector.bitcast %parallel_loop3A_672 : vector<16xi32> to vector<16xf32>
        %parallel_loop3A_674 = arith.constant -65536 : i32
        %parallel_loop3A_675 = vector.broadcast %parallel_loop3A_674 : i32 to vector<16xi32>
        %parallel_loop3A_676 = arith.andi %parallel_loop3A_669, %parallel_loop3A_675 : vector<16xi32>
        %parallel_loop3A_677 = vector.bitcast %parallel_loop3A_676 : vector<16xi32> to vector<16xf32>
        %parallel_loop3A_678 = arith.addf %parallel_loop3A_359, %parallel_loop3A_673 : vector<16xf32>
        %parallel_loop3A_679 = arith.addf %parallel_loop3A_360, %parallel_loop3A_677 : vector<16xf32>
        %parallel_loop3A_680 = vector.bitcast %parallel_loop3A_657 : vector<32xbf16> to vector<16xi32>
        %parallel_loop3A_681 = arith.constant 16 : i32
        %parallel_loop3A_682 = vector.broadcast %parallel_loop3A_681 : i32 to vector<16xi32>
        %parallel_loop3A_683 = arith.shli %parallel_loop3A_680, %parallel_loop3A_682 : vector<16xi32>
        %parallel_loop3A_684 = vector.bitcast %parallel_loop3A_683 : vector<16xi32> to vector<16xf32>
        %parallel_loop3A_685 = arith.constant -65536 : i32
        %parallel_loop3A_686 = vector.broadcast %parallel_loop3A_685 : i32 to vector<16xi32>
        %parallel_loop3A_687 = arith.andi %parallel_loop3A_680, %parallel_loop3A_686 : vector<16xi32>
        %parallel_loop3A_688 = vector.bitcast %parallel_loop3A_687 : vector<16xi32> to vector<16xf32>
        %parallel_loop3A_689 = arith.addf %parallel_loop3A_361, %parallel_loop3A_684 : vector<16xf32>
        %parallel_loop3A_690 = arith.addf %parallel_loop3A_362, %parallel_loop3A_688 : vector<16xf32>
        scf.yield %parallel_loop3A_506, %parallel_loop3A_507, %parallel_loop3A_517, %parallel_loop3A_518, %parallel_loop3A_528, %parallel_loop3A_529, %parallel_loop3A_667, %parallel_loop3A_668, %parallel_loop3A_678, %parallel_loop3A_679, %parallel_loop3A_689, %parallel_loop3A_690, %parallel_loop3A_491, %parallel_loop3A_492, %parallel_loop3A_652, %parallel_loop3A_653 : vector<16xf32>, vector<16xf32>, vector<16xf32>, vector<16xf32>, vector<16xf32>, vector<16xf32>, vector<16xf32>, vector<16xf32>, vector<16xf32>, vector<16xf32>, vector<16xf32>, vector<16xf32>, vector<32xbf16>, vector<32xbf16>, vector<32xbf16>, vector<32xbf16>
      } {sc.loop_unroll_factor = 1 : i64, sc.parallel_access}
      %swap3A_215 = arith.index_cast %rem3A_206 : i32 to index
      %swap3A_216 = arith.constant 0 : index
      %swap3A_217 = tpu.vector_load %arg8[%swap3A_215, %swap3A_216] {strides = array<i32>} : memref<64x384xf32, #tpu.memory_space<vmem>>, vector<16xf32>,
      tpu.vector_store %arg8[%swap3A_215, %swap3A_216], %parallel_loop3A_214#0 {strides = array<i32>} : memref<64x384xf32, #tpu.memory_space<vmem>>, vector<16xf32>,
      %swap3A_218 = arith.index_cast %rem3A_206 : i32 to index
      %swap3A_219 = arith.constant 16 : index
      %swap3A_220 = tpu.vector_load %arg8[%swap3A_218, %swap3A_219] {strides = array<i32>} : memref<64x384xf32, #tpu.memory_space<vmem>>, vector<16xf32>,
      tpu.vector_store %arg8[%swap3A_218, %swap3A_219], %parallel_loop3A_214#1 {strides = array<i32>} : memref<64x384xf32, #tpu.memory_space<vmem>>, vector<16xf32>,
      %mul3A_221 = arith.constant 5.65685415 : f32
      %mul3A_222 = vector.broadcast %mul3A_221 : f32 to vector<16xf32>
      %mul3A_223 = arith.mulf %parallel_loop3A_214#2, %mul3A_222 : vector<16xf32>
      %swap3A_224 = arith.index_cast %rem3A_206 : i32 to index
      %swap3A_225 = arith.constant 128 : index
      %swap3A_226 = tpu.vector_load %arg8[%swap3A_224, %swap3A_225] {strides = array<i32>} : memref<64x384xf32, #tpu.memory_space<vmem>>, vector<16xf32>,
      tpu.vector_store %arg8[%swap3A_224, %swap3A_225], %mul3A_223 {strides = array<i32>} : memref<64x384xf32, #tpu.memory_space<vmem>>, vector<16xf32>,
      %mul3A_227 = arith.constant 5.65685415 : f32
      %mul3A_228 = vector.broadcast %mul3A_227 : f32 to vector<16xf32>
      %mul3A_229 = arith.mulf %parallel_loop3A_214#3, %mul3A_228 : vector<16xf32>
      %swap3A_230 = arith.index_cast %rem3A_206 : i32 to index
      %swap3A_231 = arith.constant 144 : index
      %swap3A_232 = tpu.vector_load %arg8[%swap3A_230, %swap3A_231] {strides = array<i32>} : memref<64x384xf32, #tpu.memory_space<vmem>>, vector<16xf32>,
      tpu.vector_store %arg8[%swap3A_230, %swap3A_231], %mul3A_229 {strides = array<i32>} : memref<64x384xf32, #tpu.memory_space<vmem>>, vector<16xf32>,
      %mul3A_233 = arith.constant 42.6666679 : f32
      %mul3A_234 = vector.broadcast %mul3A_233 : f32 to vector<16xf32>
      %mul3A_235 = arith.mulf %parallel_loop3A_214#4, %mul3A_234 : vector<16xf32>
      %swap3A_236 = arith.index_cast %rem3A_206 : i32 to index
      %swap3A_237 = arith.constant 256 : index
      %swap3A_238 = tpu.vector_load %arg8[%swap3A_236, %swap3A_237] {strides = array<i32>} : memref<64x384xf32, #tpu.memory_space<vmem>>, vector<16xf32>,
      tpu.vector_store %arg8[%swap3A_236, %swap3A_237], %mul3A_235 {strides = array<i32>} : memref<64x384xf32, #tpu.memory_space<vmem>>, vector<16xf32>,
      %mul3A_239 = arith.constant 42.6666679 : f32
      %mul3A_240 = vector.broadcast %mul3A_239 : f32 to vector<16xf32>
      %mul3A_241 = arith.mulf %parallel_loop3A_214#5, %mul3A_240 : vector<16xf32>
      %swap3A_242 = arith.index_cast %rem3A_206 : i32 to index
      %swap3A_243 = arith.constant 272 : index
      %swap3A_244 = tpu.vector_load %arg8[%swap3A_242, %swap3A_243] {strides = array<i32>} : memref<64x384xf32, #tpu.memory_space<vmem>>, vector<16xf32>,
      tpu.vector_store %arg8[%swap3A_242, %swap3A_243], %mul3A_241 {strides = array<i32>} : memref<64x384xf32, #tpu.memory_space<vmem>>, vector<16xf32>,
      %swap3A_245 = arith.index_cast %rem3A_206 : i32 to index
      %swap3A_246 = arith.constant 32 : index
      %swap3A_247 = tpu.vector_load %arg8[%swap3A_245, %swap3A_246] {strides = array<i32>} : memref<64x384xf32, #tpu.memory_space<vmem>>, vector<16xf32>,
      tpu.vector_store %arg8[%swap3A_245, %swap3A_246], %parallel_loop3A_214#6 {strides = array<i32>} : memref<64x384xf32, #tpu.memory_space<vmem>>, vector<16xf32>,
      %swap3A_248 = arith.index_cast %rem3A_206 : i32 to index
      %swap3A_249 = arith.constant 48 : index
      %swap3A_250 = tpu.vector_load %arg8[%swap3A_248, %swap3A_249] {strides = array<i32>} : memref<64x384xf32, #tpu.memory_space<vmem>>, vector<16xf32>,
      tpu.vector_store %arg8[%swap3A_248, %swap3A_249], %parallel_loop3A_214#7 {strides = array<i32>} : memref<64x384xf32, #tpu.memory_space<vmem>>, vector<16xf32>,
      %mul3A_251 = arith.constant 5.65685415 : f32
      %mul3A_252 = vector.broadcast %mul3A_251 : f32 to vector<16xf32>
      %mul3A_253 = arith.mulf %parallel_loop3A_214#8, %mul3A_252 : vector<16xf32>
      %swap3A_254 = arith.index_cast %rem3A_206 : i32 to index
      %swap3A_255 = arith.constant 160 : index
      %swap3A_256 = tpu.vector_load %arg8[%swap3A_254, %swap3A_255] {strides = array<i32>} : memref<64x384xf32, #tpu.memory_space<vmem>>, vector<16xf32>,
      tpu.vector_store %arg8[%swap3A_254, %swap3A_255], %mul3A_253 {strides = array<i32>} : memref<64x384xf32, #tpu.memory_space<vmem>>, vector<16xf32>,
      %mul3A_257 = arith.constant 5.65685415 : f32
      %mul3A_258 = vector.broadcast %mul3A_257 : f32 to vector<16xf32>
      %mul3A_259 = arith.mulf %parallel_loop3A_214#9, %mul3A_258 : vector<16xf32>
      %swap3A_260 = arith.index_cast %rem3A_206 : i32 to index
      %swap3A_261 = arith.constant 176 : index
      %swap3A_262 = tpu.vector_load %arg8[%swap3A_260, %swap3A_261] {strides = array<i32>} : memref<64x384xf32, #tpu.memory_space<vmem>>, vector<16xf32>,
      tpu.vector_store %arg8[%swap3A_260, %swap3A_261], %mul3A_259 {strides = array<i32>} : memref<64x384xf32, #tpu.memory_space<vmem>>, vector<16xf32>,
      %mul3A_263 = arith.constant 42.6666679 : f32
      %mul3A_264 = vector.broadcast %mul3A_263 : f32 to vector<16xf32>
      %mul3A_265 = arith.mulf %parallel_loop3A_214#10, %mul3A_264 : vector<16xf32>
      %swap3A_266 = arith.index_cast %rem3A_206 : i32 to index
      %swap3A_267 = arith.constant 288 : index
      %swap3A_268 = tpu.vector_load %arg8[%swap3A_266, %swap3A_267] {strides = array<i32>} : memref<64x384xf32, #tpu.memory_space<vmem>>, vector<16xf32>,
      tpu.vector_store %arg8[%swap3A_266, %swap3A_267], %mul3A_265 {strides = array<i32>} : memref<64x384xf32, #tpu.memory_space<vmem>>, vector<16xf32>,
      %mul3A_269 = arith.constant 42.6666679 : f32
      %mul3A_270 = vector.broadcast %mul3A_269 : f32 to vector<16xf32>
      %mul3A_271 = arith.mulf %parallel_loop3A_214#11, %mul3A_270 : vector<16xf32>
      %swap3A_272 = arith.index_cast %rem3A_206 : i32 to index
      %swap3A_273 = arith.constant 304 : index
      %swap3A_274 = tpu.vector_load %arg8[%swap3A_272, %swap3A_273] {strides = array<i32>} : memref<64x384xf32, #tpu.memory_space<vmem>>, vector<16xf32>,
      tpu.vector_store %arg8[%swap3A_272, %swap3A_273], %mul3A_271 {strides = array<i32>} : memref<64x384xf32, #tpu.memory_space<vmem>>, vector<16xf32>,
      %parallel_loop3A_275 = arith.constant 0 : i32
      %parallel_loop3A_276 = arith.constant 25 : i32
      %parallel_loop3A_277 = arith.constant 1 : i32
      %parallel_loop3A_278:16 = scf.for %parallel_loop3A_350 = %parallel_loop3A_275 to %parallel_loop3A_276 step %parallel_loop3A_277 iter_args(%parallel_loop3A_351 = %broadcast_in_dim3A_208, %parallel_loop3A_352 = %broadcast_in_dim3A_208, %parallel_loop3A_353 = %broadcast_in_dim3A_208, %parallel_loop3A_354 = %broadcast_in_dim3A_208, %parallel_loop3A_355 = %broadcast_in_dim3A_208, %parallel_loop3A_356 = %broadcast_in_dim3A_208, %parallel_loop3A_357 = %broadcast_in_dim3A_208, %parallel_loop3A_358 = %broadcast_in_dim3A_208, %parallel_loop3A_359 = %broadcast_in_dim3A_208, %parallel_loop3A_360 = %broadcast_in_dim3A_208, %parallel_loop3A_361 = %broadcast_in_dim3A_208, %parallel_loop3A_362 = %broadcast_in_dim3A_208, %parallel_loop3A_363 = %broadcast_in_dim3A_210, %parallel_loop3A_364 = %broadcast_in_dim3A_210, %parallel_loop3A_365 = %broadcast_in_dim3A_210, %parallel_loop3A_366 = %broadcast_in_dim3A_210) -> (vector<16xf32>, vector<16xf32>, vector<16xf32>, vector<16xf32>, vector<16xf32>, vector<16xf32>, vector<16xf32>, vector<16xf32>, vector<16xf32>, vector<16xf32>, vector<16xf32>, vector<16xf32>, vector<32xbf16>, vector<32xbf16>, vector<32xbf16>, vector<32xbf16>)  : i32 {
        %parallel_loop3A_367 = arith.constant 8 : i32
        %parallel_loop3A_368 = arith.muli %parallel_loop3A_350, %parallel_loop3A_367 : i32
        %parallel_loop3A_369 = arith.constant 0 : i32
        %parallel_loop3A_370 = arith.addi %parallel_loop3A_368, %parallel_loop3A_369 : i32
        %parallel_loop3A_371 = arith.index_cast %parallel_loop3A_370 : i32 to index
        %parallel_loop3A_372 = arith.constant 64 : index
        %parallel_loop3A_373 = tpu.vector_load %arg7[%parallel_loop3A_371, %parallel_loop3A_372] {strides = array<i32>} : memref<200x128xf32, #tpu.memory_space<vmem>>, vector<16xf32>,
        %parallel_loop3A_374 = arith.constant 0 : i32
        %parallel_loop3A_375 = arith.addi %parallel_loop3A_368, %parallel_loop3A_374 : i32
        %parallel_loop3A_376 = arith.index_cast %parallel_loop3A_375 : i32 to index
        %parallel_loop3A_377 = arith.constant 80 : index
        %parallel_loop3A_378 = tpu.vector_load %arg7[%parallel_loop3A_376, %parallel_loop3A_377] {strides = array<i32>} : memref<200x128xf32, #tpu.memory_space<vmem>>, vector<16xf32>,
        %parallel_loop3A_379 = tpu.pack_subelements %parallel_loop3A_373, %parallel_loop3A_378 {pack_format = #tpu.pack_format<interleaved>, positions = array<i32: 0, 1>} : vector<16xf32>, vector<16xf32> -> vector<32xbf16>
        %parallel_loop3A_380 = arith.mulf %parallel_loop3A_379, %parallel_loop3A_363 : vector<32xbf16>
        %parallel_loop3A_381 = arith.addf %broadcast_in_dim3A_210, %parallel_loop3A_379 : vector<32xbf16>
        %parallel_loop3A_382 = arith.addf %broadcast_in_dim3A_210, %parallel_loop3A_380 : vector<32xbf16>
        %parallel_loop3A_383 = arith.mulf %parallel_loop3A_379, %parallel_loop3A_364 : vector<32xbf16>
        %parallel_loop3A_384 = arith.addf %broadcast_in_dim3A_210, %parallel_loop3A_383 : vector<32xbf16>
        %parallel_loop3A_385 = arith.constant 1 : i32
        %parallel_loop3A_386 = arith.addi %parallel_loop3A_368, %parallel_loop3A_385 : i32
        %parallel_loop3A_387 = arith.index_cast %parallel_loop3A_386 : i32 to index
        %parallel_loop3A_388 = arith.constant 64 : index
        %parallel_loop3A_389 = tpu.vector_load %arg7[%parallel_loop3A_387, %parallel_loop3A_388] {strides = array<i32>} : memref<200x128xf32, #tpu.memory_space<vmem>>, vector<16xf32>,
        %parallel_loop3A_390 = arith.constant 1 : i32
        %parallel_loop3A_391 = arith.addi %parallel_loop3A_368, %parallel_loop3A_390 : i32
        %parallel_loop3A_392 = arith.index_cast %parallel_loop3A_391 : i32 to index
        %parallel_loop3A_393 = arith.constant 80 : index
        %parallel_loop3A_394 = tpu.vector_load %arg7[%parallel_loop3A_392, %parallel_loop3A_393] {strides = array<i32>} : memref<200x128xf32, #tpu.memory_space<vmem>>, vector<16xf32>,
        %parallel_loop3A_395 = tpu.pack_subelements %parallel_loop3A_389, %parallel_loop3A_394 {pack_format = #tpu.pack_format<interleaved>, positions = array<i32: 0, 1>} : vector<16xf32>, vector<16xf32> -> vector<32xbf16>
        %parallel_loop3A_396 = arith.mulf %parallel_loop3A_395, %parallel_loop3A_379 : vector<32xbf16>
        %parallel_loop3A_397 = arith.addf %parallel_loop3A_381, %parallel_loop3A_395 : vector<32xbf16>
        %parallel_loop3A_398 = arith.addf %parallel_loop3A_382, %parallel_loop3A_396 : vector<32xbf16>
        %parallel_loop3A_399 = arith.mulf %parallel_loop3A_395, %parallel_loop3A_380 : vector<32xbf16>
        %parallel_loop3A_400 = arith.addf %parallel_loop3A_384, %parallel_loop3A_399 : vector<32xbf16>
        %parallel_loop3A_401 = arith.constant 2 : i32
        %parallel_loop3A_402 = arith.addi %parallel_loop3A_368, %parallel_loop3A_401 : i32
        %parallel_loop3A_403 = arith.index_cast %parallel_loop3A_402 : i32 to index
        %parallel_loop3A_404 = arith.constant 64 : index
        %parallel_loop3A_405 = tpu.vector_load %arg7[%parallel_loop3A_403, %parallel_loop3A_404] {strides = array<i32>} : memref<200x128xf32, #tpu.memory_space<vmem>>, vector<16xf32>,
        %parallel_loop3A_406 = arith.constant 2 : i32
        %parallel_loop3A_407 = arith.addi %parallel_loop3A_368, %parallel_loop3A_406 : i32
        %parallel_loop3A_408 = arith.index_cast %parallel_loop3A_407 : i32 to index
        %parallel_loop3A_409 = arith.constant 80 : index
        %parallel_loop3A_410 = tpu.vector_load %arg7[%parallel_loop3A_408, %parallel_loop3A_409] {strides = array<i32>} : memref<200x128xf32, #tpu.memory_space<vmem>>, vector<16xf32>,
        %parallel_loop3A_411 = tpu.pack_subelements %parallel_loop3A_405, %parallel_loop3A_410 {pack_format = #tpu.pack_format<interleaved>, positions = array<i32: 0, 1>} : vector<16xf32>, vector<16xf32> -> vector<32xbf16>
        %parallel_loop3A_412 = arith.mulf %parallel_loop3A_411, %parallel_loop3A_395 : vector<32xbf16>
        %parallel_loop3A_413 = arith.addf %parallel_loop3A_397, %parallel_loop3A_411 : vector<32xbf16>
        %parallel_loop3A_414 = arith.addf %parallel_loop3A_398, %parallel_loop3A_412 : vector<32xbf16>
        %parallel_loop3A_415 = arith.mulf %parallel_loop3A_411, %parallel_loop3A_396 : vector<32xbf16>
        %parallel_loop3A_416 = arith.addf %parallel_loop3A_400, %parallel_loop3A_415 : vector<32xbf16>
        %parallel_loop3A_417 = arith.constant 3 : i32
        %parallel_loop3A_418 = arith.addi %parallel_loop3A_368, %parallel_loop3A_417 : i32
        %parallel_loop3A_419 = arith.index_cast %parallel_loop3A_418 : i32 to index
        %parallel_loop3A_420 = arith.constant 64 : index
        %parallel_loop3A_421 = tpu.vector_load %arg7[%parallel_loop3A_419, %parallel_loop3A_420] {strides = array<i32>} : memref<200x128xf32, #tpu.memory_space<vmem>>, vector<16xf32>,
        %parallel_loop3A_422 = arith.constant 3 : i32
        %parallel_loop3A_423 = arith.addi %parallel_loop3A_368, %parallel_loop3A_422 : i32
        %parallel_loop3A_424 = arith.index_cast %parallel_loop3A_423 : i32 to index
        %parallel_loop3A_425 = arith.constant 80 : index
        %parallel_loop3A_426 = tpu.vector_load %arg7[%parallel_loop3A_424, %parallel_loop3A_425] {strides = array<i32>} : memref<200x128xf32, #tpu.memory_space<vmem>>, vector<16xf32>,
        %parallel_loop3A_427 = tpu.pack_subelements %parallel_loop3A_421, %parallel_loop3A_426 {pack_format = #tpu.pack_format<interleaved>, positions = array<i32: 0, 1>} : vector<16xf32>, vector<16xf32> -> vector<32xbf16>
        %parallel_loop3A_428 = arith.mulf %parallel_loop3A_427, %parallel_loop3A_411 : vector<32xbf16>
        %parallel_loop3A_429 = arith.addf %parallel_loop3A_413, %parallel_loop3A_427 : vector<32xbf16>
        %parallel_loop3A_430 = arith.addf %parallel_loop3A_414, %parallel_loop3A_428 : vector<32xbf16>
        %parallel_loop3A_431 = arith.mulf %parallel_loop3A_427, %parallel_loop3A_412 : vector<32xbf16>
        %parallel_loop3A_432 = arith.addf %parallel_loop3A_416, %parallel_loop3A_431 : vector<32xbf16>
        %parallel_loop3A_433 = arith.constant 4 : i32
        %parallel_loop3A_434 = arith.addi %parallel_loop3A_368, %parallel_loop3A_433 : i32
        %parallel_loop3A_435 = arith.index_cast %parallel_loop3A_434 : i32 to index
        %parallel_loop3A_436 = arith.constant 64 : index
        %parallel_loop3A_437 = tpu.vector_load %arg7[%parallel_loop3A_435, %parallel_loop3A_436] {strides = array<i32>} : memref<200x128xf32, #tpu.memory_space<vmem>>, vector<16xf32>,
        %parallel_loop3A_438 = arith.constant 4 : i32
        %parallel_loop3A_439 = arith.addi %parallel_loop3A_368, %parallel_loop3A_438 : i32
        %parallel_loop3A_440 = arith.index_cast %parallel_loop3A_439 : i32 to index
        %parallel_loop3A_441 = arith.constant 80 : index
        %parallel_loop3A_442 = tpu.vector_load %arg7[%parallel_loop3A_440, %parallel_loop3A_441] {strides = array<i32>} : memref<200x128xf32, #tpu.memory_space<vmem>>, vector<16xf32>,
        %parallel_loop3A_443 = tpu.pack_subelements %parallel_loop3A_437, %parallel_loop3A_442 {pack_format = #tpu.pack_format<interleaved>, positions = array<i32: 0, 1>} : vector<16xf32>, vector<16xf32> -> vector<32xbf16>
        %parallel_loop3A_444 = arith.mulf %parallel_loop3A_443, %parallel_loop3A_427 : vector<32xbf16>
        %parallel_loop3A_445 = arith.addf %parallel_loop3A_429, %parallel_loop3A_443 : vector<32xbf16>
        %parallel_loop3A_446 = arith.addf %parallel_loop3A_430, %parallel_loop3A_444 : vector<32xbf16>
        %parallel_loop3A_447 = arith.mulf %parallel_loop3A_443, %parallel_loop3A_428 : vector<32xbf16>
        %parallel_loop3A_448 = arith.addf %parallel_loop3A_432, %parallel_loop3A_447 : vector<32xbf16>
        %parallel_loop3A_449 = arith.constant 5 : i32
        %parallel_loop3A_450 = arith.addi %parallel_loop3A_368, %parallel_loop3A_449 : i32
        %parallel_loop3A_451 = arith.index_cast %parallel_loop3A_450 : i32 to index
        %parallel_loop3A_452 = arith.constant 64 : index
        %parallel_loop3A_453 = tpu.vector_load %arg7[%parallel_loop3A_451, %parallel_loop3A_452] {strides = array<i32>} : memref<200x128xf32, #tpu.memory_space<vmem>>, vector<16xf32>,
        %parallel_loop3A_454 = arith.constant 5 : i32
        %parallel_loop3A_455 = arith.addi %parallel_loop3A_368, %parallel_loop3A_454 : i32
        %parallel_loop3A_456 = arith.index_cast %parallel_loop3A_455 : i32 to index
        %parallel_loop3A_457 = arith.constant 80 : index
        %parallel_loop3A_458 = tpu.vector_load %arg7[%parallel_loop3A_456, %parallel_loop3A_457] {strides = array<i32>} : memref<200x128xf32, #tpu.memory_space<vmem>>, vector<16xf32>,
        %parallel_loop3A_459 = tpu.pack_subelements %parallel_loop3A_453, %parallel_loop3A_458 {pack_format = #tpu.pack_format<interleaved>, positions = array<i32: 0, 1>} : vector<16xf32>, vector<16xf32> -> vector<32xbf16>
        %parallel_loop3A_460 = arith.mulf %parallel_loop3A_459, %parallel_loop3A_443 : vector<32xbf16>
        %parallel_loop3A_461 = arith.addf %parallel_loop3A_445, %parallel_loop3A_459 : vector<32xbf16>
        %parallel_loop3A_462 = arith.addf %parallel_loop3A_446, %parallel_loop3A_460 : vector<32xbf16>
        %parallel_loop3A_463 = arith.mulf %parallel_loop3A_459, %parallel_loop3A_444 : vector<32xbf16>
        %parallel_loop3A_464 = arith.addf %parallel_loop3A_448, %parallel_loop3A_463 : vector<32xbf16>
        %parallel_loop3A_465 = arith.constant 6 : i32
        %parallel_loop3A_466 = arith.addi %parallel_loop3A_368, %parallel_loop3A_465 : i32
        %parallel_loop3A_467 = arith.index_cast %parallel_loop3A_466 : i32 to index
        %parallel_loop3A_468 = arith.constant 64 : index
        %parallel_loop3A_469 = tpu.vector_load %arg7[%parallel_loop3A_467, %parallel_loop3A_468] {strides = array<i32>} : memref<200x128xf32, #tpu.memory_space<vmem>>, vector<16xf32>,
        %parallel_loop3A_470 = arith.constant 6 : i32
        %parallel_loop3A_471 = arith.addi %parallel_loop3A_368, %parallel_loop3A_470 : i32
        %parallel_loop3A_472 = arith.index_cast %parallel_loop3A_471 : i32 to index
        %parallel_loop3A_473 = arith.constant 80 : index
        %parallel_loop3A_474 = tpu.vector_load %arg7[%parallel_loop3A_472, %parallel_loop3A_473] {strides = array<i32>} : memref<200x128xf32, #tpu.memory_space<vmem>>, vector<16xf32>,
        %parallel_loop3A_475 = tpu.pack_subelements %parallel_loop3A_469, %parallel_loop3A_474 {pack_format = #tpu.pack_format<interleaved>, positions = array<i32: 0, 1>} : vector<16xf32>, vector<16xf32> -> vector<32xbf16>
        %parallel_loop3A_476 = arith.mulf %parallel_loop3A_475, %parallel_loop3A_459 : vector<32xbf16>
        %parallel_loop3A_477 = arith.addf %parallel_loop3A_461, %parallel_loop3A_475 : vector<32xbf16>
        %parallel_loop3A_478 = arith.addf %parallel_loop3A_462, %parallel_loop3A_476 : vector<32xbf16>
        %parallel_loop3A_479 = arith.mulf %parallel_loop3A_475, %parallel_loop3A_460 : vector<32xbf16>
        %parallel_loop3A_480 = arith.addf %parallel_loop3A_464, %parallel_loop3A_479 : vector<32xbf16>
        %parallel_loop3A_481 = arith.constant 7 : i32
        %parallel_loop3A_482 = arith.addi %parallel_loop3A_368, %parallel_loop3A_481 : i32
        %parallel_loop3A_483 = arith.index_cast %parallel_loop3A_482 : i32 to index
        %parallel_loop3A_484 = arith.constant 64 : index
        %parallel_loop3A_485 = tpu.vector_load %arg7[%parallel_loop3A_483, %parallel_loop3A_484] {strides = array<i32>} : memref<200x128xf32, #tpu.memory_space<vmem>>, vector<16xf32>,
        %parallel_loop3A_486 = arith.constant 7 : i32
        %parallel_loop3A_487 = arith.addi %parallel_loop3A_368, %parallel_loop3A_486 : i32
        %parallel_loop3A_488 = arith.index_cast %parallel_loop3A_487 : i32 to index
        %parallel_loop3A_489 = arith.constant 80 : index
        %parallel_loop3A_490 = tpu.vector_load %arg7[%parallel_loop3A_488, %parallel_loop3A_489] {strides = array<i32>} : memref<200x128xf32, #tpu.memory_space<vmem>>, vector<16xf32>,
        %parallel_loop3A_491 = tpu.pack_subelements %parallel_loop3A_485, %parallel_loop3A_490 {pack_format = #tpu.pack_format<interleaved>, positions = array<i32: 0, 1>} : vector<16xf32>, vector<16xf32> -> vector<32xbf16>
        %parallel_loop3A_492 = arith.mulf %parallel_loop3A_491, %parallel_loop3A_475 : vector<32xbf16>
        %parallel_loop3A_493 = arith.addf %parallel_loop3A_477, %parallel_loop3A_491 : vector<32xbf16>
        %parallel_loop3A_494 = arith.addf %parallel_loop3A_478, %parallel_loop3A_492 : vector<32xbf16>
        %parallel_loop3A_495 = arith.mulf %parallel_loop3A_491, %parallel_loop3A_476 : vector<32xbf16>
        %parallel_loop3A_496 = arith.addf %parallel_loop3A_480, %parallel_loop3A_495 : vector<32xbf16>
        %parallel_loop3A_497 = vector.bitcast %parallel_loop3A_493 : vector<32xbf16> to vector<16xi32>
        %parallel_loop3A_498 = arith.constant 16 : i32
        %parallel_loop3A_499 = vector.broadcast %parallel_loop3A_498 : i32 to vector<16xi32>
        %parallel_loop3A_500 = arith.shli %parallel_loop3A_497, %parallel_loop3A_499 : vector<16xi32>
        %parallel_loop3A_501 = vector.bitcast %parallel_loop3A_500 : vector<16xi32> to vector<16xf32>
        %parallel_loop3A_502 = arith.constant -65536 : i32
        %parallel_loop3A_503 = vector.broadcast %parallel_loop3A_502 : i32 to vector<16xi32>
        %parallel_loop3A_504 = arith.andi %parallel_loop3A_497, %parallel_loop3A_503 : vector<16xi32>
        %parallel_loop3A_505 = vector.bitcast %parallel_loop3A_504 : vector<16xi32> to vector<16xf32>
        %parallel_loop3A_506 = arith.addf %parallel_loop3A_351, %parallel_loop3A_501 : vector<16xf32>
        %parallel_loop3A_507 = arith.addf %parallel_loop3A_352, %parallel_loop3A_505 : vector<16xf32>
        %parallel_loop3A_508 = vector.bitcast %parallel_loop3A_494 : vector<32xbf16> to vector<16xi32>
        %parallel_loop3A_509 = arith.constant 16 : i32
        %parallel_loop3A_510 = vector.broadcast %parallel_loop3A_509 : i32 to vector<16xi32>
        %parallel_loop3A_511 = arith.shli %parallel_loop3A_508, %parallel_loop3A_510 : vector<16xi32>
        %parallel_loop3A_512 = vector.bitcast %parallel_loop3A_511 : vector<16xi32> to vector<16xf32>
        %parallel_loop3A_513 = arith.constant -65536 : i32
        %parallel_loop3A_514 = vector.broadcast %parallel_loop3A_513 : i32 to vector<16xi32>
        %parallel_loop3A_515 = arith.andi %parallel_loop3A_508, %parallel_loop3A_514 : vector<16xi32>
        %parallel_loop3A_516 = vector.bitcast %parallel_loop3A_515 : vector<16xi32> to vector<16xf32>
        %parallel_loop3A_517 = arith.addf %parallel_loop3A_353, %parallel_loop3A_512 : vector<16xf32>
        %parallel_loop3A_518 = arith.addf %parallel_loop3A_354, %parallel_loop3A_516 : vector<16xf32>
        %parallel_loop3A_519 = vector.bitcast %parallel_loop3A_496 : vector<32xbf16> to vector<16xi32>
        %parallel_loop3A_520 = arith.constant 16 : i32
        %parallel_loop3A_521 = vector.broadcast %parallel_loop3A_520 : i32 to vector<16xi32>
        %parallel_loop3A_522 = arith.shli %parallel_loop3A_519, %parallel_loop3A_521 : vector<16xi32>
        %parallel_loop3A_523 = vector.bitcast %parallel_loop3A_522 : vector<16xi32> to vector<16xf32>
        %parallel_loop3A_524 = arith.constant -65536 : i32
        %parallel_loop3A_525 = vector.broadcast %parallel_loop3A_524 : i32 to vector<16xi32>
        %parallel_loop3A_526 = arith.andi %parallel_loop3A_519, %parallel_loop3A_525 : vector<16xi32>
        %parallel_loop3A_527 = vector.bitcast %parallel_loop3A_526 : vector<16xi32> to vector<16xf32>
        %parallel_loop3A_528 = arith.addf %parallel_loop3A_355, %parallel_loop3A_523 : vector<16xf32>
        %parallel_loop3A_529 = arith.addf %parallel_loop3A_356, %parallel_loop3A_527 : vector<16xf32>
        %parallel_loop3A_530 = arith.constant 0 : i32
        %parallel_loop3A_531 = arith.addi %parallel_loop3A_368, %parallel_loop3A_530 : i32
        %parallel_loop3A_532 = arith.index_cast %parallel_loop3A_531 : i32 to index
        %parallel_loop3A_533 = arith.constant 96 : index
        %parallel_loop3A_534 = tpu.vector_load %arg7[%parallel_loop3A_532, %parallel_loop3A_533] {strides = array<i32>} : memref<200x128xf32, #tpu.memory_space<vmem>>, vector<16xf32>,
        %parallel_loop3A_535 = arith.constant 0 : i32
        %parallel_loop3A_536 = arith.addi %parallel_loop3A_368, %parallel_loop3A_535 : i32
        %parallel_loop3A_537 = arith.index_cast %parallel_loop3A_536 : i32 to index
        %parallel_loop3A_538 = arith.constant 112 : index
        %parallel_loop3A_539 = tpu.vector_load %arg7[%parallel_loop3A_537, %parallel_loop3A_538] {strides = array<i32>} : memref<200x128xf32, #tpu.memory_space<vmem>>, vector<16xf32>,
        %parallel_loop3A_540 = tpu.pack_subelements %parallel_loop3A_534, %parallel_loop3A_539 {pack_format = #tpu.pack_format<interleaved>, positions = array<i32: 0, 1>} : vector<16xf32>, vector<16xf32> -> vector<32xbf16>
        %parallel_loop3A_541 = arith.mulf %parallel_loop3A_540, %parallel_loop3A_365 : vector<32xbf16>
        %parallel_loop3A_542 = arith.addf %broadcast_in_dim3A_210, %parallel_loop3A_540 : vector<32xbf16>
        %parallel_loop3A_543 = arith.addf %broadcast_in_dim3A_210, %parallel_loop3A_541 : vector<32xbf16>
        %parallel_loop3A_544 = arith.mulf %parallel_loop3A_540, %parallel_loop3A_366 : vector<32xbf16>
        %parallel_loop3A_545 = arith.addf %broadcast_in_dim3A_210, %parallel_loop3A_544 : vector<32xbf16>
        %parallel_loop3A_546 = arith.constant 1 : i32
        %parallel_loop3A_547 = arith.addi %parallel_loop3A_368, %parallel_loop3A_546 : i32
        %parallel_loop3A_548 = arith.index_cast %parallel_loop3A_547 : i32 to index
        %parallel_loop3A_549 = arith.constant 96 : index
        %parallel_loop3A_550 = tpu.vector_load %arg7[%parallel_loop3A_548, %parallel_loop3A_549] {strides = array<i32>} : memref<200x128xf32, #tpu.memory_space<vmem>>, vector<16xf32>,
        %parallel_loop3A_551 = arith.constant 1 : i32
        %parallel_loop3A_552 = arith.addi %parallel_loop3A_368, %parallel_loop3A_551 : i32
        %parallel_loop3A_553 = arith.index_cast %parallel_loop3A_552 : i32 to index
        %parallel_loop3A_554 = arith.constant 112 : index
        %parallel_loop3A_555 = tpu.vector_load %arg7[%parallel_loop3A_553, %parallel_loop3A_554] {strides = array<i32>} : memref<200x128xf32, #tpu.memory_space<vmem>>, vector<16xf32>,
        %parallel_loop3A_556 = tpu.pack_subelements %parallel_loop3A_550, %parallel_loop3A_555 {pack_format = #tpu.pack_format<interleaved>, positions = array<i32: 0, 1>} : vector<16xf32>, vector<16xf32> -> vector<32xbf16>
        %parallel_loop3A_557 = arith.mulf %parallel_loop3A_556, %parallel_loop3A_540 : vector<32xbf16>
        %parallel_loop3A_558 = arith.addf %parallel_loop3A_542, %parallel_loop3A_556 : vector<32xbf16>
        %parallel_loop3A_559 = arith.addf %parallel_loop3A_543, %parallel_loop3A_557 : vector<32xbf16>
        %parallel_loop3A_560 = arith.mulf %parallel_loop3A_556, %parallel_loop3A_541 : vector<32xbf16>
        %parallel_loop3A_561 = arith.addf %parallel_loop3A_545, %parallel_loop3A_560 : vector<32xbf16>
        %parallel_loop3A_562 = arith.constant 2 : i32
        %parallel_loop3A_563 = arith.addi %parallel_loop3A_368, %parallel_loop3A_562 : i32
        %parallel_loop3A_564 = arith.index_cast %parallel_loop3A_563 : i32 to index
        %parallel_loop3A_565 = arith.constant 96 : index
        %parallel_loop3A_566 = tpu.vector_load %arg7[%parallel_loop3A_564, %parallel_loop3A_565] {strides = array<i32>} : memref<200x128xf32, #tpu.memory_space<vmem>>, vector<16xf32>,
        %parallel_loop3A_567 = arith.constant 2 : i32
        %parallel_loop3A_568 = arith.addi %parallel_loop3A_368, %parallel_loop3A_567 : i32
        %parallel_loop3A_569 = arith.index_cast %parallel_loop3A_568 : i32 to index
        %parallel_loop3A_570 = arith.constant 112 : index
        %parallel_loop3A_571 = tpu.vector_load %arg7[%parallel_loop3A_569, %parallel_loop3A_570] {strides = array<i32>} : memref<200x128xf32, #tpu.memory_space<vmem>>, vector<16xf32>,
        %parallel_loop3A_572 = tpu.pack_subelements %parallel_loop3A_566, %parallel_loop3A_571 {pack_format = #tpu.pack_format<interleaved>, positions = array<i32: 0, 1>} : vector<16xf32>, vector<16xf32> -> vector<32xbf16>
        %parallel_loop3A_573 = arith.mulf %parallel_loop3A_572, %parallel_loop3A_556 : vector<32xbf16>
        %parallel_loop3A_574 = arith.addf %parallel_loop3A_558, %parallel_loop3A_572 : vector<32xbf16>
        %parallel_loop3A_575 = arith.addf %parallel_loop3A_559, %parallel_loop3A_573 : vector<32xbf16>
        %parallel_loop3A_576 = arith.mulf %parallel_loop3A_572, %parallel_loop3A_557 : vector<32xbf16>
        %parallel_loop3A_577 = arith.addf %parallel_loop3A_561, %parallel_loop3A_576 : vector<32xbf16>
        %parallel_loop3A_578 = arith.constant 3 : i32
        %parallel_loop3A_579 = arith.addi %parallel_loop3A_368, %parallel_loop3A_578 : i32
        %parallel_loop3A_580 = arith.index_cast %parallel_loop3A_579 : i32 to index
        %parallel_loop3A_581 = arith.constant 96 : index
        %parallel_loop3A_582 = tpu.vector_load %arg7[%parallel_loop3A_580, %parallel_loop3A_581] {strides = array<i32>} : memref<200x128xf32, #tpu.memory_space<vmem>>, vector<16xf32>,
        %parallel_loop3A_583 = arith.constant 3 : i32
        %parallel_loop3A_584 = arith.addi %parallel_loop3A_368, %parallel_loop3A_583 : i32
        %parallel_loop3A_585 = arith.index_cast %parallel_loop3A_584 : i32 to index
        %parallel_loop3A_586 = arith.constant 112 : index
        %parallel_loop3A_587 = tpu.vector_load %arg7[%parallel_loop3A_585, %parallel_loop3A_586] {strides = array<i32>} : memref<200x128xf32, #tpu.memory_space<vmem>>, vector<16xf32>,
        %parallel_loop3A_588 = tpu.pack_subelements %parallel_loop3A_582, %parallel_loop3A_587 {pack_format = #tpu.pack_format<interleaved>, positions = array<i32: 0, 1>} : vector<16xf32>, vector<16xf32> -> vector<32xbf16>
        %parallel_loop3A_589 = arith.mulf %parallel_loop3A_588, %parallel_loop3A_572 : vector<32xbf16>
        %parallel_loop3A_590 = arith.addf %parallel_loop3A_574, %parallel_loop3A_588 : vector<32xbf16>
        %parallel_loop3A_591 = arith.addf %parallel_loop3A_575, %parallel_loop3A_589 : vector<32xbf16>
        %parallel_loop3A_592 = arith.mulf %parallel_loop3A_588, %parallel_loop3A_573 : vector<32xbf16>
        %parallel_loop3A_593 = arith.addf %parallel_loop3A_577, %parallel_loop3A_592 : vector<32xbf16>
        %parallel_loop3A_594 = arith.constant 4 : i32
        %parallel_loop3A_595 = arith.addi %parallel_loop3A_368, %parallel_loop3A_594 : i32
        %parallel_loop3A_596 = arith.index_cast %parallel_loop3A_595 : i32 to index
        %parallel_loop3A_597 = arith.constant 96 : index
        %parallel_loop3A_598 = tpu.vector_load %arg7[%parallel_loop3A_596, %parallel_loop3A_597] {strides = array<i32>} : memref<200x128xf32, #tpu.memory_space<vmem>>, vector<16xf32>,
        %parallel_loop3A_599 = arith.constant 4 : i32
        %parallel_loop3A_600 = arith.addi %parallel_loop3A_368, %parallel_loop3A_599 : i32
        %parallel_loop3A_601 = arith.index_cast %parallel_loop3A_600 : i32 to index
        %parallel_loop3A_602 = arith.constant 112 : index
        %parallel_loop3A_603 = tpu.vector_load %arg7[%parallel_loop3A_601, %parallel_loop3A_602] {strides = array<i32>} : memref<200x128xf32, #tpu.memory_space<vmem>>, vector<16xf32>,
        %parallel_loop3A_604 = tpu.pack_subelements %parallel_loop3A_598, %parallel_loop3A_603 {pack_format = #tpu.pack_format<interleaved>, positions = array<i32: 0, 1>} : vector<16xf32>, vector<16xf32> -> vector<32xbf16>
        %parallel_loop3A_605 = arith.mulf %parallel_loop3A_604, %parallel_loop3A_588 : vector<32xbf16>
        %parallel_loop3A_606 = arith.addf %parallel_loop3A_590, %parallel_loop3A_604 : vector<32xbf16>
        %parallel_loop3A_607 = arith.addf %parallel_loop3A_591, %parallel_loop3A_605 : vector<32xbf16>
        %parallel_loop3A_608 = arith.mulf %parallel_loop3A_604, %parallel_loop3A_589 : vector<32xbf16>
        %parallel_loop3A_609 = arith.addf %parallel_loop3A_593, %parallel_loop3A_608 : vector<32xbf16>
        %parallel_loop3A_610 = arith.constant 5 : i32
        %parallel_loop3A_611 = arith.addi %parallel_loop3A_368, %parallel_loop3A_610 : i32
        %parallel_loop3A_612 = arith.index_cast %parallel_loop3A_611 : i32 to index
        %parallel_loop3A_613 = arith.constant 96 : index
        %parallel_loop3A_614 = tpu.vector_load %arg7[%parallel_loop3A_612, %parallel_loop3A_613] {strides = array<i32>} : memref<200x128xf32, #tpu.memory_space<vmem>>, vector<16xf32>,
        %parallel_loop3A_615 = arith.constant 5 : i32
        %parallel_loop3A_616 = arith.addi %parallel_loop3A_368, %parallel_loop3A_615 : i32
        %parallel_loop3A_617 = arith.index_cast %parallel_loop3A_616 : i32 to index
        %parallel_loop3A_618 = arith.constant 112 : index
        %parallel_loop3A_619 = tpu.vector_load %arg7[%parallel_loop3A_617, %parallel_loop3A_618] {strides = array<i32>} : memref<200x128xf32, #tpu.memory_space<vmem>>, vector<16xf32>,
        %parallel_loop3A_620 = tpu.pack_subelements %parallel_loop3A_614, %parallel_loop3A_619 {pack_format = #tpu.pack_format<interleaved>, positions = array<i32: 0, 1>} : vector<16xf32>, vector<16xf32> -> vector<32xbf16>
        %parallel_loop3A_621 = arith.mulf %parallel_loop3A_620, %parallel_loop3A_604 : vector<32xbf16>
        %parallel_loop3A_622 = arith.addf %parallel_loop3A_606, %parallel_loop3A_620 : vector<32xbf16>
        %parallel_loop3A_623 = arith.addf %parallel_loop3A_607, %parallel_loop3A_621 : vector<32xbf16>
        %parallel_loop3A_624 = arith.mulf %parallel_loop3A_620, %parallel_loop3A_605 : vector<32xbf16>
        %parallel_loop3A_625 = arith.addf %parallel_loop3A_609, %parallel_loop3A_624 : vector<32xbf16>
        %parallel_loop3A_626 = arith.constant 6 : i32
        %parallel_loop3A_627 = arith.addi %parallel_loop3A_368, %parallel_loop3A_626 : i32
        %parallel_loop3A_628 = arith.index_cast %parallel_loop3A_627 : i32 to index
        %parallel_loop3A_629 = arith.constant 96 : index
        %parallel_loop3A_630 = tpu.vector_load %arg7[%parallel_loop3A_628, %parallel_loop3A_629] {strides = array<i32>} : memref<200x128xf32, #tpu.memory_space<vmem>>, vector<16xf32>,
        %parallel_loop3A_631 = arith.constant 6 : i32
        %parallel_loop3A_632 = arith.addi %parallel_loop3A_368, %parallel_loop3A_631 : i32
        %parallel_loop3A_633 = arith.index_cast %parallel_loop3A_632 : i32 to index
        %parallel_loop3A_634 = arith.constant 112 : index
        %parallel_loop3A_635 = tpu.vector_load %arg7[%parallel_loop3A_633, %parallel_loop3A_634] {strides = array<i32>} : memref<200x128xf32, #tpu.memory_space<vmem>>, vector<16xf32>,
        %parallel_loop3A_636 = tpu.pack_subelements %parallel_loop3A_630, %parallel_loop3A_635 {pack_format = #tpu.pack_format<interleaved>, positions = array<i32: 0, 1>} : vector<16xf32>, vector<16xf32> -> vector<32xbf16>
        %parallel_loop3A_637 = arith.mulf %parallel_loop3A_636, %parallel_loop3A_620 : vector<32xbf16>
        %parallel_loop3A_638 = arith.addf %parallel_loop3A_622, %parallel_loop3A_636 : vector<32xbf16>
        %parallel_loop3A_639 = arith.addf %parallel_loop3A_623, %parallel_loop3A_637 : vector<32xbf16>
        %parallel_loop3A_640 = arith.mulf %parallel_loop3A_636, %parallel_loop3A_621 : vector<32xbf16>
        %parallel_loop3A_641 = arith.addf %parallel_loop3A_625, %parallel_loop3A_640 : vector<32xbf16>
        %parallel_loop3A_642 = arith.constant 7 : i32
        %parallel_loop3A_643 = arith.addi %parallel_loop3A_368, %parallel_loop3A_642 : i32
        %parallel_loop3A_644 = arith.index_cast %parallel_loop3A_643 : i32 to index
        %parallel_loop3A_645 = arith.constant 96 : index
        %parallel_loop3A_646 = tpu.vector_load %arg7[%parallel_loop3A_644, %parallel_loop3A_645] {strides = array<i32>} : memref<200x128xf32, #tpu.memory_space<vmem>>, vector<16xf32>,
        %parallel_loop3A_647 = arith.constant 7 : i32
        %parallel_loop3A_648 = arith.addi %parallel_loop3A_368, %parallel_loop3A_647 : i32
        %parallel_loop3A_649 = arith.index_cast %parallel_loop3A_648 : i32 to index
        %parallel_loop3A_650 = arith.constant 112 : index
        %parallel_loop3A_651 = tpu.vector_load %arg7[%parallel_loop3A_649, %parallel_loop3A_650] {strides = array<i32>} : memref<200x128xf32, #tpu.memory_space<vmem>>, vector<16xf32>,
        %parallel_loop3A_652 = tpu.pack_subelements %parallel_loop3A_646, %parallel_loop3A_651 {pack_format = #tpu.pack_format<interleaved>, positions = array<i32: 0, 1>} : vector<16xf32>, vector<16xf32> -> vector<32xbf16>
        %parallel_loop3A_653 = arith.mulf %parallel_loop3A_652, %parallel_loop3A_636 : vector<32xbf16>
        %parallel_loop3A_654 = arith.addf %parallel_loop3A_638, %parallel_loop3A_652 : vector<32xbf16>
        %parallel_loop3A_655 = arith.addf %parallel_loop3A_639, %parallel_loop3A_653 : vector<32xbf16>
        %parallel_loop3A_656 = arith.mulf %parallel_loop3A_652, %parallel_loop3A_637 : vector<32xbf16>
        %parallel_loop3A_657 = arith.addf %parallel_loop3A_641, %parallel_loop3A_656 : vector<32xbf16>
        %parallel_loop3A_658 = vector.bitcast %parallel_loop3A_654 : vector<32xbf16> to vector<16xi32>
        %parallel_loop3A_659 = arith.constant 16 : i32
        %parallel_loop3A_660 = vector.broadcast %parallel_loop3A_659 : i32 to vector<16xi32>
        %parallel_loop3A_661 = arith.shli %parallel_loop3A_658, %parallel_loop3A_660 : vector<16xi32>
        %parallel_loop3A_662 = vector.bitcast %parallel_loop3A_661 : vector<16xi32> to vector<16xf32>
        %parallel_loop3A_663 = arith.constant -65536 : i32
        %parallel_loop3A_664 = vector.broadcast %parallel_loop3A_663 : i32 to vector<16xi32>
        %parallel_loop3A_665 = arith.andi %parallel_loop3A_658, %parallel_loop3A_664 : vector<16xi32>
        %parallel_loop3A_666 = vector.bitcast %parallel_loop3A_665 : vector<16xi32> to vector<16xf32>
        %parallel_loop3A_667 = arith.addf %parallel_loop3A_357, %parallel_loop3A_662 : vector<16xf32>
        %parallel_loop3A_668 = arith.addf %parallel_loop3A_358, %parallel_loop3A_666 : vector<16xf32>
        %parallel_loop3A_669 = vector.bitcast %parallel_loop3A_655 : vector<32xbf16> to vector<16xi32>
        %parallel_loop3A_670 = arith.constant 16 : i32
        %parallel_loop3A_671 = vector.broadcast %parallel_loop3A_670 : i32 to vector<16xi32>
        %parallel_loop3A_672 = arith.shli %parallel_loop3A_669, %parallel_loop3A_671 : vector<16xi32>
        %parallel_loop3A_673 = vector.bitcast %parallel_loop3A_672 : vector<16xi32> to vector<16xf32>
        %parallel_loop3A_674 = arith.constant -65536 : i32
        %parallel_loop3A_675 = vector.broadcast %parallel_loop3A_674 : i32 to vector<16xi32>
        %parallel_loop3A_676 = arith.andi %parallel_loop3A_669, %parallel_loop3A_675 : vector<16xi32>
        %parallel_loop3A_677 = vector.bitcast %parallel_loop3A_676 : vector<16xi32> to vector<16xf32>
        %parallel_loop3A_678 = arith.addf %parallel_loop3A_359, %parallel_loop3A_673 : vector<16xf32>
        %parallel_loop3A_679 = arith.addf %parallel_loop3A_360, %parallel_loop3A_677 : vector<16xf32>
        %parallel_loop3A_680 = vector.bitcast %parallel_loop3A_657 : vector<32xbf16> to vector<16xi32>
        %parallel_loop3A_681 = arith.constant 16 : i32
        %parallel_loop3A_682 = vector.broadcast %parallel_loop3A_681 : i32 to vector<16xi32>
        %parallel_loop3A_683 = arith.shli %parallel_loop3A_680, %parallel_loop3A_682 : vector<16xi32>
        %parallel_loop3A_684 = vector.bitcast %parallel_loop3A_683 : vector<16xi32> to vector<16xf32>
        %parallel_loop3A_685 = arith.constant -65536 : i32
        %parallel_loop3A_686 = vector.broadcast %parallel_loop3A_685 : i32 to vector<16xi32>
        %parallel_loop3A_687 = arith.andi %parallel_loop3A_680, %parallel_loop3A_686 : vector<16xi32>
        %parallel_loop3A_688 = vector.bitcast %parallel_loop3A_687 : vector<16xi32> to vector<16xf32>
        %parallel_loop3A_689 = arith.addf %parallel_loop3A_361, %parallel_loop3A_684 : vector<16xf32>
        %parallel_loop3A_690 = arith.addf %parallel_loop3A_362, %parallel_loop3A_688 : vector<16xf32>
        scf.yield %parallel_loop3A_506, %parallel_loop3A_507, %parallel_loop3A_517, %parallel_loop3A_518, %parallel_loop3A_528, %parallel_loop3A_529, %parallel_loop3A_667, %parallel_loop3A_668, %parallel_loop3A_678, %parallel_loop3A_679, %parallel_loop3A_689, %parallel_loop3A_690, %parallel_loop3A_491, %parallel_loop3A_492, %parallel_loop3A_652, %parallel_loop3A_653 : vector<16xf32>, vector<16xf32>, vector<16xf32>, vector<16xf32>, vector<16xf32>, vector<16xf32>, vector<16xf32>, vector<16xf32>, vector<16xf32>, vector<16xf32>, vector<16xf32>, vector<16xf32>, vector<32xbf16>, vector<32xbf16>, vector<32xbf16>, vector<32xbf16>
      } {sc.loop_unroll_factor = 1 : i64, sc.parallel_access}
      %swap3A_279 = arith.index_cast %rem3A_206 : i32 to index
      %swap3A_280 = arith.constant 64 : index
      %swap3A_281 = tpu.vector_load %arg8[%swap3A_279, %swap3A_280] {strides = array<i32>} : memref<64x384xf32, #tpu.memory_space<vmem>>, vector<16xf32>,
      tpu.vector_store %arg8[%swap3A_279, %swap3A_280], %parallel_loop3A_278#0 {strides = array<i32>} : memref<64x384xf32, #tpu.memory_space<vmem>>, vector<16xf32>,
      %swap3A_282 = arith.index_cast %rem3A_206 : i32 to index
      %swap3A_283 = arith.constant 80 : index
      %swap3A_284 = tpu.vector_load %arg8[%swap3A_282, %swap3A_283] {strides = array<i32>} : memref<64x384xf32, #tpu.memory_space<vmem>>, vector<16xf32>,
      tpu.vector_store %arg8[%swap3A_282, %swap3A_283], %parallel_loop3A_278#1 {strides = array<i32>} : memref<64x384xf32, #tpu.memory_space<vmem>>, vector<16xf32>,
      %mul3A_285 = arith.constant 5.65685415 : f32
      %mul3A_286 = vector.broadcast %mul3A_285 : f32 to vector<16xf32>
      %mul3A_287 = arith.mulf %parallel_loop3A_278#2, %mul3A_286 : vector<16xf32>
      %swap3A_288 = arith.index_cast %rem3A_206 : i32 to index
      %swap3A_289 = arith.constant 192 : index
      %swap3A_290 = tpu.vector_load %arg8[%swap3A_288, %swap3A_289] {strides = array<i32>} : memref<64x384xf32, #tpu.memory_space<vmem>>, vector<16xf32>,
      tpu.vector_store %arg8[%swap3A_288, %swap3A_289], %mul3A_287 {strides = array<i32>} : memref<64x384xf32, #tpu.memory_space<vmem>>, vector<16xf32>,
      %mul3A_291 = arith.constant 5.65685415 : f32
      %mul3A_292 = vector.broadcast %mul3A_291 : f32 to vector<16xf32>
      %mul3A_293 = arith.mulf %parallel_loop3A_278#3, %mul3A_292 : vector<16xf32>
      %swap3A_294 = arith.index_cast %rem3A_206 : i32 to index
      %swap3A_295 = arith.constant 208 : index
      %swap3A_296 = tpu.vector_load %arg8[%swap3A_294, %swap3A_295] {strides = array<i32>} : memref<64x384xf32, #tpu.memory_space<vmem>>, vector<16xf32>,
      tpu.vector_store %arg8[%swap3A_294, %swap3A_295], %mul3A_293 {strides = array<i32>} : memref<64x384xf32, #tpu.memory_space<vmem>>, vector<16xf32>,
      %mul3A_297 = arith.constant 42.6666679 : f32
      %mul3A_298 = vector.broadcast %mul3A_297 : f32 to vector<16xf32>
      %mul3A_299 = arith.mulf %parallel_loop3A_278#4, %mul3A_298 : vector<16xf32>
      %swap3A_300 = arith.index_cast %rem3A_206 : i32 to index
      %swap3A_301 = arith.constant 320 : index
      %swap3A_302 = tpu.vector_load %arg8[%swap3A_300, %swap3A_301] {strides = array<i32>} : memref<64x384xf32, #tpu.memory_space<vmem>>, vector<16xf32>,
      tpu.vector_store %arg8[%swap3A_300, %swap3A_301], %mul3A_299 {strides = array<i32>} : memref<64x384xf32, #tpu.memory_space<vmem>>, vector<16xf32>,
      %mul3A_303 = arith.constant 42.6666679 : f32
      %mul3A_304 = vector.broadcast %mul3A_303 : f32 to vector<16xf32>
      %mul3A_305 = arith.mulf %parallel_loop3A_278#5, %mul3A_304 : vector<16xf32>
      %swap3A_306 = arith.index_cast %rem3A_206 : i32 to index
      %swap3A_307 = arith.constant 336 : index
      %swap3A_308 = tpu.vector_load %arg8[%swap3A_306, %swap3A_307] {strides = array<i32>} : memref<64x384xf32, #tpu.memory_space<vmem>>, vector<16xf32>,
      tpu.vector_store %arg8[%swap3A_306, %swap3A_307], %mul3A_305 {strides = array<i32>} : memref<64x384xf32, #tpu.memory_space<vmem>>, vector<16xf32>,
      %swap3A_309 = arith.index_cast %rem3A_206 : i32 to index
      %swap3A_310 = arith.constant 96 : index
      %swap3A_311 = tpu.vector_load %arg8[%swap3A_309, %swap3A_310] {strides = array<i32>} : memref<64x384xf32, #tpu.memory_space<vmem>>, vector<16xf32>,
      tpu.vector_store %arg8[%swap3A_309, %swap3A_310], %parallel_loop3A_278#6 {strides = array<i32>} : memref<64x384xf32, #tpu.memory_space<vmem>>, vector<16xf32>,
      %swap3A_312 = arith.index_cast %rem3A_206 : i32 to index
      %swap3A_313 = arith.constant 112 : index
      %swap3A_314 = tpu.vector_load %arg8[%swap3A_312, %swap3A_313] {strides = array<i32>} : memref<64x384xf32, #tpu.memory_space<vmem>>, vector<16xf32>,
      tpu.vector_store %arg8[%swap3A_312, %swap3A_313], %parallel_loop3A_278#7 {strides = array<i32>} : memref<64x384xf32, #tpu.memory_space<vmem>>, vector<16xf32>,
      %mul3A_315 = arith.constant 5.65685415 : f32
      %mul3A_316 = vector.broadcast %mul3A_315 : f32 to vector<16xf32>
      %mul3A_317 = arith.mulf %parallel_loop3A_278#8, %mul3A_316 : vector<16xf32>
      %swap3A_318 = arith.index_cast %rem3A_206 : i32 to index
      %swap3A_319 = arith.constant 224 : index
      %swap3A_320 = tpu.vector_load %arg8[%swap3A_318, %swap3A_319] {strides = array<i32>} : memref<64x384xf32, #tpu.memory_space<vmem>>, vector<16xf32>,
      tpu.vector_store %arg8[%swap3A_318, %swap3A_319], %mul3A_317 {strides = array<i32>} : memref<64x384xf32, #tpu.memory_space<vmem>>, vector<16xf32>,
      %mul3A_321 = arith.constant 5.65685415 : f32
      %mul3A_322 = vector.broadcast %mul3A_321 : f32 to vector<16xf32>
      %mul3A_323 = arith.mulf %parallel_loop3A_278#9, %mul3A_322 : vector<16xf32>
      %swap3A_324 = arith.index_cast %rem3A_206 : i32 to index
      %swap3A_325 = arith.constant 240 : index
      %swap3A_326 = tpu.vector_load %arg8[%swap3A_324, %swap3A_325] {strides = array<i32>} : memref<64x384xf32, #tpu.memory_space<vmem>>, vector<16xf32>,
      tpu.vector_store %arg8[%swap3A_324, %swap3A_325], %mul3A_323 {strides = array<i32>} : memref<64x384xf32, #tpu.memory_space<vmem>>, vector<16xf32>,
      %mul3A_327 = arith.constant 42.6666679 : f32
      %mul3A_328 = vector.broadcast %mul3A_327 : f32 to vector<16xf32>
      %mul3A_329 = arith.mulf %parallel_loop3A_278#10, %mul3A_328 : vector<16xf32>
      %swap3A_330 = arith.index_cast %rem3A_206 : i32 to index
      %swap3A_331 = arith.constant 352 : index
      %swap3A_332 = tpu.vector_load %arg8[%swap3A_330, %swap3A_331] {strides = array<i32>} : memref<64x384xf32, #tpu.memory_space<vmem>>, vector<16xf32>,
      tpu.vector_store %arg8[%swap3A_330, %swap3A_331], %mul3A_329 {strides = array<i32>} : memref<64x384xf32, #tpu.memory_space<vmem>>, vector<16xf32>,
      %mul3A_333 = arith.constant 42.6666679 : f32
      %mul3A_334 = vector.broadcast %mul3A_333 : f32 to vector<16xf32>
      %mul3A_335 = arith.mulf %parallel_loop3A_278#11, %mul3A_334 : vector<16xf32>
      %swap3A_336 = arith.index_cast %rem3A_206 : i32 to index
      %swap3A_337 = arith.constant 368 : index
      %swap3A_338 = tpu.vector_load %arg8[%swap3A_336, %swap3A_337] {strides = array<i32>} : memref<64x384xf32, #tpu.memory_space<vmem>>, vector<16xf32>,
      tpu.vector_store %arg8[%swap3A_336, %swap3A_337], %mul3A_335 {strides = array<i32>} : memref<64x384xf32, #tpu.memory_space<vmem>>, vector<16xf32>,
      %add3A_339 = arith.constant 2 : i32
      %add3A_340 = arith.addi %add3A_198, %add3A_339 : i32
      %lt3A_341 = arith.constant 128 : i32
      %lt3A_342 = arith.cmpi slt, %add3A_340, %lt3A_341 : i32
      %convert_element_type3A_343 = arith.extui %lt3A_342 : i1 to i32
      %cond3A_344 = arith.constant 0 : i32
      %cond3A_345 = arith.cmpi ne, %convert_element_type3A_343, %cond3A_344 : i32
      scf.if %cond3A_345 {
        %add3A_350 = arith.constant 2 : i32
        %add3A_351 = arith.addi %add3A_198, %add3A_350 : i32
        %mul3A_352 = arith.constant 2 : i32
        %mul3A_353 = arith.muli %mul3A_352, %add3A_351 : i32
        %dma_start3A_354 = arith.constant 0 : i32
        %dma_start3A_355 = arith.constant 0 : i32
        %dma_start3A_356 = tpu.memref_slice %arg7[%dma_start3A_354, %dma_start3A_355] : memref<200x128xf32, #tpu.memory_space<vmem>> -> memref<100x128xf32, #tpu.memory_space<vmem>>
        %dma_start3A_357 = arith.constant 0 : i32
        %dma_start3A_358 = tpu.memref_slice %arg5[%mul3A_353, %dma_start3A_357] : memref<256x100xi32, #tpu.memory_space<vmem>> -> memref<1x100xi32, #tpu.memory_space<vmem>>
        %dma_start3A_359 = tpu.memref_squeeze %dma_start3A_358 : memref<1x100xi32, #tpu.memory_space<vmem>> -> memref<100xi32, #tpu.memory_space<vmem>>
        %dma_start3A_360 = arith.constant 0 : i32
        %dma_start3A_361 = arith.constant 0 : i32
        %dma_start3A_362 = tpu.memref_slice %arg3[%dma_start3A_360, %dma_start3A_361] : memref<100000x128xf32, #tpu.memory_space<hbm>> -> memref<100000x128xf32, #tpu.memory_space<hbm>>
        tpu.enqueue_indirect_dma source(%dma_start3A_362 : memref<100000x128xf32, #tpu.memory_space<hbm>>) target(%dma_start3A_356 : memref<100x128xf32, #tpu.memory_space<vmem>>) offsets(%dma_start3A_359 : memref<100xi32, #tpu.memory_space<vmem>>) semaphore(%arg10 : memref<!tpu.dma_semaphore, #tpu.memory_space<semaphore_mem>>)
        %add3A_363 = arith.constant 1 : i32
        %add3A_364 = arith.addi %mul3A_353, %add3A_363 : i32
        %dma_start3A_365 = arith.constant 100 : i32
        %dma_start3A_366 = arith.constant 0 : i32
        %dma_start3A_367 = tpu.memref_slice %arg7[%dma_start3A_365, %dma_start3A_366] : memref<200x128xf32, #tpu.memory_space<vmem>> -> memref<100x128xf32, #tpu.memory_space<vmem>>
        %dma_start3A_368 = arith.constant 0 : i32
        %dma_start3A_369 = tpu.memref_slice %arg5[%add3A_364, %dma_start3A_368] : memref<256x100xi32, #tpu.memory_space<vmem>> -> memref<1x100xi32, #tpu.memory_space<vmem>>
        %dma_start3A_370 = tpu.memref_squeeze %dma_start3A_369 : memref<1x100xi32, #tpu.memory_space<vmem>> -> memref<100xi32, #tpu.memory_space<vmem>>
        %dma_start3A_371 = arith.constant 0 : i32
        %dma_start3A_372 = arith.constant 0 : i32
        %dma_start3A_373 = tpu.memref_slice %arg3[%dma_start3A_371, %dma_start3A_372] : memref<100000x128xf32, #tpu.memory_space<hbm>> -> memref<100000x128xf32, #tpu.memory_space<hbm>>
        tpu.enqueue_indirect_dma source(%dma_start3A_373 : memref<100000x128xf32, #tpu.memory_space<hbm>>) target(%dma_start3A_367 : memref<100x128xf32, #tpu.memory_space<vmem>>) offsets(%dma_start3A_370 : memref<100xi32, #tpu.memory_space<vmem>>) semaphore(%arg10 : memref<!tpu.dma_semaphore, #tpu.memory_space<semaphore_mem>>)
      } else {
      }
      %eq3A = arith.constant 31 : i32
      %eq3A_346 = arith.cmpi eq, %scan3A_51, %eq3A : i32
      %convert_element_type3A_347 = arith.extui %eq3A_346 : i1 to i32
      %cond3A_348 = arith.constant 0 : i32
      %cond3A_349 = arith.cmpi ne, %convert_element_type3A_347, %cond3A_348 : i32
      scf.if %cond3A_349 {
        %mul3A_350 = arith.constant 128 : i32
        %mul3A_351 = arith.muli %add3A, %mul3A_350 : i32
        "tpu.region"() ({
          %run_scoped3A = tpu.sem_alloc : memref<!tpu.dma_semaphore, #tpu.memory_space<semaphore_mem>>
          %dma_start3A_352 = arith.constant 0 : i32
          %dma_start3A_353 = tpu.memref_slice %arg4[%mul3A_351, %dma_start3A_352] : memref<4096x384xf32, #tpu.memory_space<hbm>> -> memref<64x384xf32, #tpu.memory_space<hbm>>
          %dma_start3A_354 = arith.constant 0 : i32
          %dma_start3A_355 = tpu.memref_slice %arg4[%mul3A_351, %dma_start3A_354] : memref<4096x384xf32, #tpu.memory_space<hbm>> -> memref<64x384xf32, #tpu.memory_space<hbm>>
          tpu.enqueue_dma source(%arg8 : memref<64x384xf32, #tpu.memory_space<vmem>>) target(%dma_start3A_355 : memref<64x384xf32, #tpu.memory_space<hbm>>) target_semaphore(%run_scoped3A : memref<!tpu.dma_semaphore, #tpu.memory_space<semaphore_mem>>)
          %dma_wait3A_356 = arith.constant 0 : i32
          %dma_wait3A_357 = tpu.memref_slice %arg4[%mul3A_351, %dma_wait3A_356] : memref<4096x384xf32, #tpu.memory_space<hbm>> -> memref<64x384xf32, #tpu.memory_space<hbm>>
          %dma_wait3A_358 = arith.constant 0 : i32
          %dma_wait3A_359 = tpu.memref_slice %arg4[%mul3A_351, %dma_wait3A_358] : memref<4096x384xf32, #tpu.memory_space<hbm>> -> memref<64x384xf32, #tpu.memory_space<hbm>>
          tpu.wait_dma2 semaphore(%run_scoped3A : memref<!tpu.dma_semaphore, #tpu.memory_space<semaphore_mem>>) src(%arg8 : memref<64x384xf32, #tpu.memory_space<vmem>>) dst(%dma_wait3A_359 : memref<64x384xf32, #tpu.memory_space<hbm>>)
          tpu.yield
        }) : () -> ()
      } else {
      }
    }
    %scan3A_46 = arith.constant 64 : i32
    %mul3A_47 = arith.constant 128 : i32
    %mul3A_48 = arith.muli %add3A, %mul3A_47 : i32
    %add3A_49 = arith.constant 64 : i32
    %add3A_50 = arith.addi %mul3A_48, %add3A_49 : i32
    "tpu.region"() ({
      %run_scoped3A = tpu.sem_alloc : memref<!tpu.dma_semaphore, #tpu.memory_space<semaphore_mem>>
      %dma_start3A_51 = arith.constant 0 : i32
      %dma_start3A_52 = tpu.memref_slice %arg4[%add3A_50, %dma_start3A_51] : memref<4096x384xf32, #tpu.memory_space<hbm>> -> memref<64x384xf32, #tpu.memory_space<hbm>>
      %dma_start3A_53 = arith.constant 0 : i32
      %dma_start3A_54 = tpu.memref_slice %arg4[%add3A_50, %dma_start3A_53] : memref<4096x384xf32, #tpu.memory_space<hbm>> -> memref<64x384xf32, #tpu.memory_space<hbm>>
      tpu.enqueue_dma source(%arg8 : memref<64x384xf32, #tpu.memory_space<vmem>>) target(%dma_start3A_54 : memref<64x384xf32, #tpu.memory_space<hbm>>) target_semaphore(%run_scoped3A : memref<!tpu.dma_semaphore, #tpu.memory_space<semaphore_mem>>)
      %dma_wait3A = arith.constant 0 : i32
      %dma_wait3A_55 = tpu.memref_slice %arg4[%add3A_50, %dma_wait3A] : memref<4096x384xf32, #tpu.memory_space<hbm>> -> memref<64x384xf32, #tpu.memory_space<hbm>>
      %dma_wait3A_56 = arith.constant 0 : i32
      %dma_wait3A_57 = tpu.memref_slice %arg4[%add3A_50, %dma_wait3A_56] : memref<4096x384xf32, #tpu.memory_space<hbm>> -> memref<64x384xf32, #tpu.memory_space<hbm>>
      tpu.wait_dma2 semaphore(%run_scoped3A : memref<!tpu.dma_semaphore, #tpu.memory_space<semaphore_mem>>) src(%arg8 : memref<64x384xf32, #tpu.memory_space<vmem>>) dst(%dma_wait3A_57 : memref<64x384xf32, #tpu.memory_space<hbm>>)
      tpu.yield
    }) : () -> ()
    return
  }
}

</mosaic_0001>

<sc_bundles>
// kernel: kernel.3.cloned.1.call-start
scs
__scs_entry_jumppad:
0x0: {  	(pc) =	sbr.rel $0x88, $3  }
0x1: {  	(tag) =	ssettag $0x0;
	lr =	simm.s32 $0x1  }
0x2: {  	[smem:$0x3F9F] =	sst lr;
	_ =	strace $0xD0000000  }
0x3: {  	_ = 	snop  }
0x4: {  	_ = 	snop  }
0x5: {  	_ = 	snop  }
0x6: {  	_ = 	snop  }
0x7: {  	_ = 	snop  }
__scs_overlays_trampoline_lowered:
0x8: {  	[smem:$0x3FAE] =	sst s0  }
0x9: {  	[smem:$0x3FAF] =	sst s1  }
0xa: {  	[smem:$0x3FB0] =	sst s2  }
0xb: {  	[smem:$0x3FB1] =	sst s3  }
0xc: {  	[smem:$0x3FB2] =	sst s4  }
0xd: {  	[smem:$0x3FB3] =	sst s5  }
0xe: {  	[smem:$0x3FB4] =	sst s6  }
0xf: {  	[smem:$0x3FB5] =	sst s7  }
0x10: {  	[smem:$0x3FB6] =	sst s8  }
0x11: {  	[smem:$0x3FB7] =	sst s9;
	s0 =	simm.s32 @!p0 $0x0  }
0x12: {  	s1 =	sld [smem:$0x3F9D];
	s0 =	simm.s32 @p0 $0x1  }
0x13: {  	[smem:$0x3FB8] =	sst s0;
	s0 =	simm.s32 @!p1 $0x0  }
0x14: {  	s2 =	sld [smem:$0x3F9C];
	s0 =	simm.s32 @p1 $0x1  }
0x15: {  	[smem:$0x3FB9] =	sst s0;
	s0 =	simm.s32 @!p2 $0x0  }
0x16: {  	s3 =	sld [smem:$0x3FDB];
	s0 =	simm.s32 @p2 $0x1  }
0x17: {  	s4 =	simm.s32 $0x1BF5;
	[smem:$0x3FBB] =	sst s0  }
0x18: {  	s0 =	sld [smem:$0x3F9E];
	_ =	swait.ge [sflag:s4], $0x0  }
0x19: {  	s7 =	sld [smem:$0x3F9F]  }
0x1a: {  	s8 =	sadd.s32 $0xFFFFE003, lr  }
0x1b: {  	s9 =	sadd.s32 $0xFFFFFEF7, lr;
	s5 =	simm.s32 $0xFFFFFFFF;
	p2 =	slt.u32 s8, $0xFFFFF086  }
0x1c: {  	p1 =	slt.u32 s9, $0xF7A;
	s5 =	simm.s32 @!p2 $0x0  }
0x1d: {  	s5 =	simm.s32 @p1 $0x1;
	p0 =	seq.s32 s7, s2  }
0x1e: {  	s7 =	smul.u32 @!p0 $0xF7A, s2;
	p2 =	seq.s32 @!p0 s5, $0x0  }
0x1f: {  	s9 =	smul.u32 $0xF7A, s1;
	s8 =	simm.s32 @!p0 $0x1BF5;
	p2 =	por !p2, p0  }
0x20: {  	[sflag:s8] =	ssyncset.s32 @!p0 $0xFFFFF086;
	s6 =	sadd.s32 @!p0 s3, s7;
	s7 =	simm.s32 @!p0 $0x108  }
0x21: {  	s3 =	sadd.s32 s3, s9;
	s6 =	sadd.s32 @!p0 $0x88, s6;
	s7 =	simm.s32 @p2 $0x1082  }
0x22: {  	[simem:s7], [sflag:s8] =	dma.local @!p0 [hbm:s6], $0xF7A  }
0x23: {  	s9 =	sor.u32 $0xD0000000, s2;
	s6 =	simm.s32 $0x108;
	_ =	swait.ge @!p0 [sflag:s8], $0x0  }
0x24: {  	s3 =	sadd.s32 $0x88, s3;
	s6 =	simm.s32 @!p1 $0x1082;
	[sflag:s4] =	ssyncset.s32 $0xFFFFF086  }
0x25: {  	[simem:s6], [sflag:s4] =	dma.local [hbm:s3], $0xF7A  }
0x26: {  	[smem:$0x3F9F] =	sst s1;
	(tag) =	ssettag s2;
	_ =	strace s9  }
0x27: {  	s1 =	sld [smem:$0x3FAF]  }
0x28: {  	s2 =	sld [smem:$0x3FB0]  }
0x29: {  	s4 =	sld [smem:$0x3FB2]  }
0x2a: {  	p0 =	seq.s32 s5, $0x0;
	s5 =	sld [smem:$0x3FB3]  }
0x2b: {  	s6 =	sld [smem:$0x3FB4]  }
0x2c: {  	s7 =	sld [smem:$0x3FB5]  }
0x2d: {  	s3 =	simm.s32 $0x108;
	s8 =	sld [smem:$0x3FB6]  }
0x2e: {  	s3 =	simm.s32 @!p0 $0x1082;
	s9 =	sld [smem:$0x3FB7]  }
0x2f: {  	lr =	sadd.s32 s0, s3;
	s0 =	sld [smem:$0x3FAE]  }
0x30: {  	s3 =	sld [smem:$0x3FB1]  }
0x31: {  	[smem:$0x3FBA] =	sst s10  }
0x32: {  	s10 =	sld [smem:$0x3FB8];
	_ =	sdelay $0x3  }
0x33: {  	p0 =	seq.s32 s10, $0x1;
	s10 =	sld [smem:$0x3FBA];
	_ =	sdelay $0x3  }
0x34: {  	[smem:$0x3FBA] =	sst s10  }
0x35: {  	s10 =	sld [smem:$0x3FB9];
	_ =	sdelay $0x3  }
0x36: {  	p1 =	seq.s32 s10, $0x1;
	s10 =	sld [smem:$0x3FBA];
	_ =	sdelay $0x3  }
0x37: {  	[smem:$0x3FBA] =	sst s10  }
0x38: {  	s10 =	sld [smem:$0x3FBB]  }
0x39: {  	_ = 	snop;
	(pc) =	sbr.ind lr, $3  }
0x3a: {  	_ = 	snop  }
0x3b: {  	_ = 	snop  }
0x3c: {  	p2 =	seq.s32 s10, $0x1;
	s10 =	sld [smem:$0x3FBA]  }
0x3d: {  	_ =	shalt  }
0x3e: {  	_ =	shalt  }
0x3f: {  	_ =	shalt  }
0x40: {  	_ =	shalt  }
0x41: {  	_ =	shalt  }
0x42: {  	_ =	shalt  }
0x43: {  	_ =	shalt  }
0x44: {  	_ =	shalt  }
0x45: {  	_ =	shalt  }
0x46: {  	_ =	shalt  }
0x47: {  	_ =	shalt  }
0x48: {  	_ =	shalt  }
0x49: {  	_ =	shalt  }
0x4a: {  	_ =	shalt  }
0x4b: {  	_ =	shalt  }
0x4c: {  	_ =	shalt  }
0x4d: {  	_ =	shalt  }
0x4e: {  	_ =	shalt  }
0x4f: {  	_ =	shalt  }
0x50: {  	_ =	shalt  }
0x51: {  	_ =	shalt  }
0x52: {  	_ =	shalt  }
0x53: {  	_ =	shalt  }
0x54: {  	_ =	shalt  }
0x55: {  	_ =	shalt  }
0x56: {  	_ =	shalt  }
0x57: {  	_ =	shalt  }
0x58: {  	_ =	shalt  }
0x59: {  	_ =	shalt  }
0x5a: {  	_ =	shalt  }
0x5b: {  	_ =	shalt  }
0x5c: {  	_ =	shalt  }
0x5d: {  	_ =	shalt  }
0x5e: {  	_ =	shalt  }
0x5f: {  	_ =	shalt  }
0x60: {  	_ =	shalt  }
0x61: {  	_ =	shalt  }
0x62: {  	_ =	shalt  }
0x63: {  	_ =	shalt  }
0x64: {  	_ =	shalt  }
0x65: {  	_ =	shalt  }
0x66: {  	_ =	shalt  }
0x67: {  	_ =	shalt  }
0x68: {  	_ =	shalt  }
0x69: {  	_ =	shalt  }
0x6a: {  	_ =	shalt  }
0x6b: {  	_ =	shalt  }
0x6c: {  	_ =	shalt  }
0x6d: {  	_ =	shalt  }
0x6e: {  	_ =	shalt  }
0x6f: {  	_ =	shalt  }
0x70: {  	_ =	shalt  }
0x71: {  	_ =	shalt  }
0x72: {  	_ =	shalt  }
0x73: {  	_ =	shalt  }
0x74: {  	_ =	shalt  }
0x75: {  	_ =	shalt  }
0x76: {  	_ =	shalt  }
0x77: {  	_ =	shalt  }
0x78: {  	_ =	shalt  }
0x79: {  	_ =	shalt  }
0x7a: {  	_ =	shalt  }
0x7b: {  	_ =	shalt  }
0x7c: {  	_ =	shalt  }
0x7d: {  	_ =	shalt  }
0x7e: {  	_ =	shalt  }
0x7f: {  	_ =	shalt  }
0x80: {  	_ =	shalt  }
0x81: {  	_ =	shalt  }
0x82: {  	_ =	shalt  }
0x83: {  	_ =	shalt  }
0x84: {  	_ =	shalt  }
0x85: {  	_ =	shalt  }
0x86: {  	_ =	shalt  }
0x87: {  	_ =	shalt  }
.Lfunc_end0:
.L_simem_size_0:
called_computation_lowered:
.L_overlay_start_0:
0x88: {  	s2 =	sld [smem:$0x3FD9]  }
0x89: {  	s3 =	sld [smem:$0x3FFE];
	_ =	sdelay $0x1  }
0x8a: {  	s1 =	srdreg.scid  }
0x8b: {  	s0 =	sand.u32 $0x1, s1  }
0x8c: {  	s17 =	sshll.u32 s0, $0xA;
	s2 =	sadd.s32 s3, s2  }
0x8d: {  	s2 =	sadd.s32 s2, s17  }
0x8e: {  	[smem:$0x3FC6] =	sst s2  }
0x8f: {  	_ = 	snop  }
0x90: {  	s2 =	sld [smem:$0x3FC8]  }
0x91: {  	s18 =	sld [smem:$0x3FD0];
	(tm) =	ssettm $0x1  }
0x92: {  	s4 =	sld [smem:$0x3FFB];
	_ =	sdelay $0x3  }
0x93: {  	_ =	strace s4  }
0x94: {  	s4 =	sld [smem:$0x3FFC];
	_ =	sdelay $0x3  }
0x95: {  	_ =	strace s4  }
0x96: {  	s4 =	sld [smem:$0x3FFD];
	_ =	sdelay $0x3  }
0x97: {  	_ =	strace s4  }
0x98: {  	_ =	strace $0x8FFFFFFF  }
0x99: {  	s19 =	sld [smem:$0x3FDB];
	_ =	sdelay $0x1  }
0x9a: {  	s5 =	simm.s32 $_scs_section_size  }
0x9b: {  	s6 =	simm.s32 $_size__tile_overlayer_lowered;
	s7 =	simm.s32 $_tile_overlayer_lowered  }
0x9c: {  	s22 =	simm.s32 $0x1BFF;
	s21 =	sshll.u32 s7, $0x1;
	s4 =	sadd.s32 s5, s19  }
0x9d: {  	s8 =	simm.s32 $0x0;
	s20 =	sshll.u32 s6, $0x1;
	s6 =	sadd.s32 s21, s4  }
0x9e: {  	[timem:s8], [sflag:s22] =	dma.local [hbm:s6], s20  }
0x9f: {  	_ =	swait.ge [sflag:s22], s20  }
0xa0: {  	s5 =	ssub.s32 $0x0, s20;
	[sflag:s22] =	ssyncset.done $0x0  }
0xa1: {  	[sflag:s22] =	ssyncadd.s32 s5;
	_ =	sdelay $0x1  }
0xa2: {  	s23 =	simm.s32 $0x1B8B  }
0xa3: {  	_ =	swait.ge [sflag:s23], $0x1  }
0xa4: {  	[sflag:s23] =	ssyncset.done $0x0  }
0xa5: {  	s25 =	simm.s32 $0x1B8E;
	s24 =	sld [smem:$0x3FFE];
	[sflag:s23] =	ssyncadd.s32 $0xFFFFFFFF  }
0xa6: {  	s26 =	simm.s32 $execute0_lowered;
	[smem:$0x3FD2] =	sst s25  }
0xa7: {  	s6 =	sshll.u32 s26, $0x1;
	_ =	strace $0x80000046;
	[dreg:$0x1] =	wrdreg $0xFFFFFFFF  }
0xa8: {  	s28 =	simm.s32 $_size_execute0_lowered;
	s4 =	sadd.s32 s4, s6;
	[dreg:$0x0] =	wrdreg $0x0  }
0xa9: {  	s6 =	sshll.u32 s28, $0x1;
	[dreg:$0x2] =	wrdreg s4  }
0xaa: {  	[dreg:$0x3] =	wrdreg s6  }
0xab: {  	[dreg:$0x4] =	wrdreg $0xC0  }
0xac: {  	_ =	task [dreg:s8], $0x5FFFF  }
0xad: {  	[dreg:$0x1] =	wrdreg $0xFFFFFFFF  }
0xae: {  	[dreg:$0x0] =	wrdreg $0x60  }
0xaf: {  	[dreg:$0x2] =	wrdreg s18  }
0xb0: {  	[dreg:$0x3] =	wrdreg s2  }
0xb1: {  	[dreg:$0x4] =	wrdreg s24  }
0xb2: {  	[dreg:$0x5] =	wrdreg $0x9  }
0xb3: {  	_ =	task.clear_ibuf [dreg:s8], $0x6FFFF;
	_ =	strace $0x90000046  }
0xb4: {  	s29 =	simm.s32 $0x9;
	_ =	strace $0x80000048  }
0xb5: {  	_ =	swait.ge [sflag:s29], $0x1  }
0xb6: {  	[sflag:s29] =	ssyncadd.s32 $0xFFFFFFFF  }
0xb7: {  	_ =	strace $0x90000048  }
0xb8: {  	_ =	sfence  }
0xb9: {  	s30 =	sld [smem:$0x0];
	_ =	sdelay $0x2  }
0xba: {  	s31 =	sshll.u32 s1, $0xD;
	s1 =	sshrl.u32 s1, $0x2  }
0xbb: {  	s3 =	sand.u32 $0x4000, s31;
	s1 =	sadd.s32 s1, s30  }
0xbc: {  	s0 =	sor.u32 s3, s0;
	s1 =	sshll.u32 s1, $0x11  }
0xbd: {  	s0 =	sor.u32 s1, s0  }
0xbe: {  	s0 =	sadd.s32 $0x8F2B, s0  }
0xbf: {  	[sflag:s0] =	ssyncadd.remote.s32 $0x1  }
0xc0: {  	_ =	sfence.sel $0xFFFF  }
0xc1: {  	[dreg:$0x0] =	wrdreg $0xFFFFFFFF;
	(pc) =	sbr.abs _section_cstart, $3  }
0xc2: {  	[dreg:$0x1] =	wrdreg $0xFFFFFFFF  }
0xc3: {  	_ =	task.clear_ibuf [dreg:s8], $0x2FFFF;
	_ =	strace $0x9FFFFFFF  }
0xc4: {  	(tm) =	ssettm $0x7FFFFFFF  }
0xc5: {  	_ =	shalt  }
tec
execute0_lowered:
.L_overlay_start_1:
0x0: {  	(tag) =	ssettag $0x1  }
0x1: {  	s4 =	rddreg [dreg:$0x0]  }
0x2: {  	s1 =	srdreg.scid;
	s2 =	rddreg [dreg:$0x1]  }
0x3: {  	s0 =	stileid.u32;
	s6 =	rddreg [dreg:$0x2];
	s3 =	simm.s32 $0x0  }
0x4: {  	s11 =	simm.s32 $0x68;
	s12 =	simm.s32 $0x9A00;
	s13 =	simm.s32 $0xD0  }
0x5: {  	s14 =	simm.s32 $0xCC00;
	s5 =	sand.u32 $0x1, s1;
	s31 =	sshll.u32 s0, $0x1  }
0x6: {  	s15 =	simm.s32 $0x138;
	s16 =	simm.s32 $0xFE00;
	s7 =	sor.u32 s5, s31  }
0x7: {  	s17 =	simm.s32 $0x1;
	s18 =	simm.s32 $0x2;
	s8 =	smul.u32 $0xD00, s7  }
0x8: {  	s19 =	simm.s32 $0x13000;
	s20 =	simm.s32 $0x0;
	s9 =	smul.u32 $0xC000, s7  }
0x9: {  	s1 =	rddreg [dreg:$0x3];
	s5 =	ssub.s32 $0x2, s5;
	s7 =	smul.u32 $0x1800, s7  }
.Ltmp0:
0xa: {  	[smem:$0x7FF] =	sst s3;
	s10 =	sshrl.u32 s5, $0x1;
	(pc) =	sbr.rel .LBB2_1-.Ltmp0, $4  }
0xb: {  	s6 =	sadd.s32 $0x400, s6;
	_ =	strace $0x80000047;
	s10 =	ssub.s32 s5, s10  }
0xc: {  	s9 =	sshrl.u32 s9, $0x3;
	s4 =	sadd.s32 s4, s8;
	s5 =	sadd.s32 s6, s7  }
0xd: {  	s7 =	smax.u32 s10, $0x1;
	s8 =	simm.s32 $0x3;
	s6 =	sadd.s32 s6, s9  }
0xe: {  	v0 =	vimm.bf16 $0.0e+00;
	s10 =	simm.s32 $0x6800;
	s9 =	simm.s32 $0x64;
	s6 =	sadd.s32 $0xC00, s6  }
.LBB2_12:
0xf: {  	s20 =	sadd.s32 $0x1, s20  }
0x10: {  	p0 =	sne.s32 s20, s7  }
.Ltmp1:
0x11: {  	_ = 	snop;
	(pc) =	sbr.rel @!p0 .LBB2_13-.Ltmp1, $4  }
0x12: {  	[hbm4b:s6+s3] =	stream.linear.scatter [tilespmem:s19], [sflag:$0x3], $0x6000, $0x38;
	[tilespmem:$0x19000] =	vst v63  }
0x13: {  	_ =	swait.ge [sflag:s8], $0x6000  }
0x14: {  	[sflag:s8] =	ssyncset.done $0x0  }
0x15: {  	[sflag:s8] =	ssyncadd.s32 $0xFFFFA000  }
.LBB2_1:
0x16: {  	[tilespmem:s3], [sflag:$0x3] =	stream.linear.gather [hbm4b:s4+s3], $0x6800, $0x38;
	[tilespmem:$0x19000] =	vst v63  }
0x17: {  	_ =	swait.ge [sflag:s8], $0x6800  }
0x18: {  	[sflag:s8] =	ssyncset.done $0x0  }
0x19: {  	[sflag:s8] =	ssyncadd.s32 $0xFFFF9800  }
0x1a: {  	[tilespmem:s10], [sflag:$0x1] =	stream.indirect.gather [hbm4b:s2+s9], $0x80, s3, s9, $0xb8;
	[tilespmem:$0x19000] =	vst v63  }
0x1b: {  	_ = 	snop  }
0x1c: {  	[tilespmem:s12], [sflag:$0x1] =	stream.indirect.gather [hbm4b:s2+s9], $0x80, s11, s9, $0xb8;
	[tilespmem:$0x19000] =	vst v63  }
0x1d: {  	_ = 	snop  }
0x1e: {  	[tilespmem:s14], [sflag:$0x2] =	stream.indirect.gather [hbm4b:s2+s9], $0x80, s13, s9, $0xb8;
	[tilespmem:$0x19000] =	vst v63  }
0x1f: {  	s21 =	simm.s32 $0x0  }
0x20: {  	[tilespmem:s16], [sflag:$0x2] =	stream.indirect.gather [hbm4b:s2+s9], $0x80, s15, s9, $0xb8;
	[tilespmem:$0x19000] =	vst v63  }
.LBB2_2:
0x21: {  	_ =	swait.ge [sflag:s17], $0x6400  }
0x22: {  	[sflag:s17] =	ssyncset.done $0x0  }
0x23: {  	s23 =	simm.s32 $0x0;
	[sflag:s17] =	ssyncadd.s32 $0xFFFF9C00  }
0x24: {  	v2 =	vld [tilespmem:s23+$0x6B90]  }
0x25: {  	v4 =	vld [tilespmem:s23+$0x6B80]  }
0x26: {  	v3 =	vld [tilespmem:s23+$0x6B30]  }
0x27: {  	v5 =	vld [tilespmem:s23+$0x6B20]  }
0x28: {  	v6 =	vld [tilespmem:s23+$0x6930]  }
0x29: {  	v7 =	vld [tilespmem:s23+$0x69B0]  }
0x2a: {  	v8 =	vld [tilespmem:s23+$0x6A20]  }
0x2b: {  	v9 =	vld [tilespmem:s23+$0x6A30]  }
0x2c: {  	v10 =	vld [tilespmem:s23+$0x6920]  }
0x2d: {  	v12 =	vld [tilespmem:s23+$0x6830]  }
0x2e: {  	v13 =	vld [tilespmem:s23+$0x69A0]  }
0x2f: {  	v14 =	vld [tilespmem:s23+$0x6990]  }
0x30: {  	v16 =	vld [tilespmem:s23+$0x6810]  }
0x31: {  	v17 =	vld [tilespmem:s23+$0x6980]  }
0x32: {  	v18 =	vld [tilespmem:s23+$0x68B0]  }
0x33: {  	v19 =	vld [tilespmem:s23+$0x6820]  }
0x34: {  	v20 =	vld [tilespmem:s23+$0x6800]  }
0x35: {  	v21 =	vld [tilespmem:s23+$0x68A0]  }
0x36: {  	v33 =	vld [tilespmem:s23+$0x6B10]  }
0x37: {  	v36 =	vld [tilespmem:s23+$0x6B00]  }
0x38: {  	v11 =	vld [tilespmem:s23+$0x6AB0]  }
0x39: {  	v1 =	vimm.f32 $0.0e+00;
	v23 =	vimm.bf16 $0.0e+00;
	v22 =	vld [tilespmem:s23+$0x6910]  }
0x3a: {  	v24 =	vld [tilespmem:s23+$0x6890];
	v8 =	vpack.i.f32.bf16 v9, v8;
	v9 =	vpack.i.f32.bf16 v3, v5;
	v3 =	vpack.i.f32.bf16 v12, v19  }
0x3b: {  	v27 =	vld [tilespmem:s23+$0x6BA0];
	v6 =	vpack.i.f32.bf16 v6, v10;
	v10 =	vpack.i.f32.bf16 v14, v17;
	v7 =	vpack.i.f32.bf16 v7, v13  }
0x3c: {  	v5 =	vld [tilespmem:s23+$0x6880];
	v13 =	vpack.i.f32.bf16 v16, v20;
	v18 =	vpack.i.f32.bf16 v18, v21;
	v41 =	vpack.i.f32.bf16 v33, v36  }
0x3d: {  	v14 =	vld [tilespmem:s23+$0x6900];
	v45 =	vpack.i.f32.bf16 v2, v4;
	v12 =	vmul.bf16 v3, v23;
	v19 =	vmul.bf16 v8, v7  }
0x3e: {  	v16 =	vld [tilespmem:s23+$0x6AA0];
	v17 =	vadd.bf16 v0, v3;
	v20 =	vmul.bf16 v13, v23;
	v23 =	vmul.bf16 v7, v6  }
0x3f: {  	v21 =	vld [tilespmem:s23+$0x6BB0];
	v25 =	vmul.bf16 v6, v18;
	v26 =	vadd.bf16 v0, v13;
	v3 =	vmul.bf16 v18, v3  }
0x40: {  	v17 =	vadd.bf16 v18, v17;
	v30 =	vadd.bf16 v0, v12;
	v12 =	vmul.bf16 v18, v12  }
0x41: {  	v28 =	vadd.bf16 v0, v20;
	v31 =	vmul.bf16 v8, v23;
	v35 =	vmul.bf16 v7, v25  }
0x42: {  	v5 =	vpack.i.f32.bf16 v24, v5;
	v24 =	vmul.bf16 v6, v3;
	v14 =	vpack.i.f32.bf16 v22, v14  }
0x43: {  	v12 =	vadd.bf16 v12, v30;
	v11 =	vpack.i.f32.bf16 v11, v16;
	v6 =	vadd.bf16 v6, v17  }
0x44: {  	v15 =	vld [tilespmem:s23+$0x6A00];
	v17 =	vpack.i.f32.bf16 v21, v27;
	v13 =	vmul.bf16 v5, v13;
	v32 =	vmul.bf16 v14, v5  }
0x45: {  	s22 =	simm.s32 $0x400;
	v29 =	vld [tilespmem:s23+$0x6A90];
	v21 =	vadd.bf16 v3, v30;
	v16 =	vmul.bf16 v10, v14;
	v62 =	vmul.bf16 v9, v11  }
0x46: {  	v38 =	vld [tilespmem:s22+$0x6B30];
	v20 =	vmul.bf16 v5, v20;
	v26 =	vadd.bf16 v5, v26;
	v12 =	vadd.bf16 v24, v12  }
0x47: {  	v63 =	vld [tilespmem:s22+$0x69B0];
	v30 =	vmul.bf16 v11, v8;
	v6 =	vadd.bf16 v7, v6;
	v7 =	vadd.bf16 v25, v21  }
0x48: {  	v2 =	vld [tilespmem:s22+$0x6990];
	v34 =	vmul.bf16 v14, v13;
	v13 =	vadd.bf16 v13, v28;
	v20 =	vadd.bf16 v20, v28  }
0x49: {  	v22 =	vld [tilespmem:s23+$0x6A10];
	v39 =	vmul.bf16 v11, v19;
	v12 =	vadd.bf16 v35, v12;
	v6 =	vadd.bf16 v8, v6  }
0x4a: {  	v18 =	vld [tilespmem:s23+$0x6A80];
	v25 =	vmul.bf16 v17, v9;
	v7 =	vadd.bf16 v23, v7;
	v13 =	vadd.bf16 v32, v13  }
0x4b: {  	v21 =	vld [tilespmem:s22+$0x6A20];
	v37 =	vmul.bf16 v10, v32;
	v20 =	vadd.bf16 v34, v20;
	v12 =	vadd.bf16 v31, v12  }
0x4c: {  	v3 =	vmul.bf16 v17, v62;
	v23 =	vld [tilespmem:s22+$0x69A0];
	v6 =	vadd.bf16 v11, v6;
	v7 =	vadd.bf16 v19, v7  }
0x4d: {  	v5 =	vmul.bf16 v9, v30;
	v31 =	vld [tilespmem:s22+$0x6A30];
	v28 =	vadd.bf16 v16, v13;
	v13 =	vadd.bf16 v14, v26  }
0x4e: {  	v27 =	vld [tilespmem:s22+$0x6930];
	v15 =	vpack.i.f32.bf16 v22, v15;
	v9 =	vadd.bf16 v9, v6;
	v7 =	vadd.bf16 v30, v7  }
0x4f: {  	v8 =	vld [tilespmem:s22+$0x6920];
	v16 =	vmul.bf16 v15, v16;
	v4 =	vadd.bf16 v10, v13;
	v13 =	vadd.bf16 v37, v20  }
0x50: {  	v24 =	vld [tilespmem:s22+$0x6B20];
	v10 =	vmul.bf16 v15, v10;
	v37 =	vadd.bf16 v39, v12;
	v36 =	vadd.bf16 v17, v9  }
0x51: {  	v19 =	vld [tilespmem:s22+$0x6980];
	v44 =	vpack.i.f32.bf16 v63, v23;
	v7 =	vadd.bf16 v62, v7;
	v4 =	vadd.bf16 v15, v4  }
0x52: {  	v14 =	vld [tilespmem:s22+$0x6830];
	v6 =	vadd.bf16 v16, v13;
	v16 =	vpack.i.f32.bf16 v29, v18;
	v13 =	vpack.i.f32.bf16 v31, v21  }
0x53: {  	v18 =	vld [tilespmem:s22+$0x6820];
	v26 =	vmul.bf16 v16, v10;
	v10 =	vadd.bf16 v10, v28;
	v15 =	vmul.bf16 v16, v15  }
0x54: {  	v11 =	vld [tilespmem:s22+$0x6810];
	v28 =	vpack.i.f32.bf16 v27, v8;
	v34 =	vadd.bf16 v25, v7;
	v22 =	vadd.bf16 v16, v4  }
0x55: {  	v29 =	vld [tilespmem:s22+$0x6800];
	v4 =	vpack.i.f32.bf16 v38, v24;
	v16 =	vmul.bf16 v41, v16;
	v21 =	vadd.bf16 v26, v6  }
0x56: {  	v20 =	vld [tilespmem:s22+$0x68B0];
	v6 =	vpack.i.f32.bf16 v2, v19;
	v10 =	vadd.bf16 v15, v10;
	v2 =	vmul.bf16 v41, v15  }
0x57: {  	v24 =	vld [tilespmem:s22+$0x68A0];
	v8 =	vadd.bf16 v41, v22;
	v22 =	vmul.bf16 v45, v41;
	v49 =	vmul.bf16 v45, v16  }
0x58: {  	v14 =	vpack.i.f32.bf16 v14, v18;
	v42 =	vadd.bf16 v2, v21;
	v2 =	vand.u32 $0xFFFF0000, v36  }
0x59: {  	v12 =	vld [tilespmem:s22+$0x6880];
	v10 =	vadd.bf16 v16, v10;
	v16 =	vimm.f32 $0.0e+00;
	v26 =	vadd.bf16 v45, v8  }
0x5a: {  	v23 =	vld [tilespmem:s22+$0x6AB0];
	v9 =	vmul.bf16 v14, v17;
	v15 =	vadd.bf16 v0, v14;
	v17 =	vpack.i.f32.bf16 v11, v29  }
0x5b: {  	v18 =	vld [tilespmem:s22+$0x6890];
	v11 =	vmul.bf16 v13, v44;
	v2 =	vadd.f32 v2, v1;
	v21 =	vmul.bf16 v14, v25  }
0x5c: {  	v8 =	vld [tilespmem:s22+$0x6910];
	v19 =	vpack.i.f32.bf16 v20, v24;
	v30 =	vmul.bf16 v17, v45;
	v24 =	vmul.bf16 v44, v28  }
0x5d: {  	v29 =	vld [tilespmem:s22+$0x6AA0];
	v33 =	vadd.bf16 v0, v17;
	v50 =	vmul.bf16 v17, v22;
	v46 =	vadd.bf16 v22, v10  }
0x5e: {  	v20 =	vld [tilespmem:s22+$0x6900];
	v22 =	vimm.f32 $0.0e+00;
	v10 =	vimm.f32 $0.0e+00;
	v38 =	vmul.bf16 v28, v19  }
0x5f: {  	v48 =	vmul.bf16 v19, v14;
	v14 =	vadd.bf16 v19, v15;
	v21 =	vadd.bf16 v0, v21  }
0x60: {  	v19 =	vmul.bf16 v19, v9;
	v53 =	vadd.bf16 v0, v9;
	v15 =	vadd.bf16 v0, v30  }
0x61: {  	v52 =	vld [tilespmem:s22+$0x6B10];
	v47 =	vmul.bf16 v13, v24;
	v40 =	vpack.i.f32.bf16 v18, v12;
	v12 =	vmul.bf16 v28, v48  }
0x62: {  	v19 =	vadd.bf16 v19, v21;
	v21 =	vld [tilespmem:s22+$0x6BA0];
	v54 =	vmul.bf16 v44, v38;
	v41 =	vadd.bf16 v28, v14  }
0x63: {  	v14 =	vimm.f32 $0.0e+00;
	v39 =	vpack.i.f32.bf16 v23, v29;
	v35 =	vpack.i.f32.bf16 v8, v20;
	v20 =	vld [tilespmem:s22+$0x6BB0]  }
0x64: {  	v32 =	vld [tilespmem:s22+$0x6A80];
	v18 =	vmul.bf16 v40, v17;
	v17 =	vimm.f32 $0.0e+00;
	v25 =	vmul.bf16 v39, v13  }
0x65: {  	v7 =	vld [tilespmem:s22+$0x6B90];
	v55 =	vadd.bf16 v12, v19;
	v19 =	vimm.f32 $0.0e+00;
	v12 =	vimm.f32 $0.0e+00  }
0x66: {  	v45 =	vld [tilespmem:s22+$0x6A10];
	v8 =	vmul.bf16 v35, v40;
	v31 =	vmul.bf16 v35, v18;
	v9 =	vadd.bf16 v18, v15  }
0x67: {  	v28 =	vld [tilespmem:s22+$0x6A90];
	v29 =	vmul.bf16 v6, v35;
	v15 =	vmul.bf16 v4, v39;
	v18 =	vimm.f32 $0.0e+00  }
0x68: {  	v27 =	vmul.bf16 v6, v8;
	v51 =	vadd.bf16 v8, v9;
	v8 =	vld [tilespmem:s22+$0x6B80];
	v23 =	vpack.i.f32.bf16 v20, v21  }
0x69: {  	s23 =	simm.s32 $0x2000;
	v9 =	vld [tilespmem:s22+$0x6A00];
	v21 =	vimm.f32 $0.0e+00;
	v20 =	vimm.f32 $0.0e+00;
	v43 =	vmul.bf16 v23, v15  }
.LBB2_3:
0x6a: {  	p0 =	sne.s32 s23, $0x18000;
	v56 =	vld [tilespmem:s22+$0x6B00];
	s22 =	sshra.s32 s23, $0x2;
	s23 =	sadd.s32 $0x1000, s23;
	v44 =	vadd.bf16 v44, v41;
	v41 =	vmul.bf16 v23, v4;
	v36 =	vshll.u32 v36, $0x10  }
0x6b: {  	v58 =	vmul.bf16 v39, v11;
	v57 =	vld [tilespmem:s22+$0x6B90];
	v42 =	vadd.bf16 v49, v42;
	v1 =	vadd.f32 v36, v1  }
0x6c: {  	v37 =	vadd.bf16 v5, v37;
	v5 =	vmul.bf16 v4, v25;
	v49 =	vadd.bf16 v54, v55;
	v36 =	vld [tilespmem:s22+$0x6B80]  }
0x6d: {  	v48 =	vadd.bf16 v48, v53;
	v54 =	vld [tilespmem:s22+$0x6B30];
	v53 =	vshll.u32 v42, $0x10;
	v42 =	vand.u32 $0xFFFF0000, v42  }
0x6e: {  	v59 =	vand.u32 $0xFFFF0000, v26;
	v37 =	vadd.bf16 v3, v37;
	v3 =	vmovc v43;
	v55 =	vld [tilespmem:s22+$0x6B20];
	v22 =	vadd.f32 v53, v22  }
0x6f: {  	v26 =	vshll.u32 v26, $0x10;
	v38 =	vadd.bf16 v38, v48;
	v21 =	vadd.f32 v42, v21;
	v43 =	vld [tilespmem:s22+$0x6930]  }
0x70: {  	v30 =	vmul.bf16 v40, v30;
	v20 =	vadd.f32 v26, v20;
	v47 =	vadd.bf16 v47, v49;
	v42 =	vld [tilespmem:s22+$0x69B0]  }
0x71: {  	v33 =	vadd.bf16 v40, v33;
	v40 =	vshll.u32 v37, $0x10;
	v37 =	vand.u32 $0xFFFF0000, v37;
	v26 =	vld [tilespmem:s22+$0x6A20]  }
0x72: {  	v19 =	vadd.f32 v59, v19;
	v13 =	vadd.bf16 v13, v44;
	v44 =	vshll.u32 v34, $0x10;
	v48 =	vld [tilespmem:s22+$0x6A30]  }
0x73: {  	v34 =	vand.u32 $0xFFFF0000, v34;
	v49 =	vadd.bf16 v0, v50;
	v50 =	vadd.bf16 v29, v51;
	v53 =	vld [tilespmem:s22+$0x6920]  }
0x74: {  	v33 =	vadd.bf16 v35, v33;
	v35 =	vand.u32 $0xFFFF0000, v46;
	v18 =	vadd.f32 v37, v18;
	v51 =	vld [tilespmem:s22+$0x6AB0]  }
0x75: {  	v24 =	vadd.bf16 v24, v38;
	v30 =	vadd.bf16 v30, v49;
	v52 =	vpack.i.f32.bf16 v52, v56;
	v37 =	vld [tilespmem:s22+$0x6830]  }
0x76: {  	v17 =	vadd.f32 v44, v17;
	v13 =	vadd.bf16 v39, v13;
	v49 =	vpack.i.f32.bf16 v7, v8;
	v7 =	vmovc v57;
	v38 =	vld [tilespmem:s22+$0x69A0]  }
0x77: {  	v16 =	vadd.f32 v35, v16;
	v30 =	vadd.bf16 v31, v30;
	v31 =	vshll.u32 v46, $0x10;
	v8 =	vmovc v36;
	v39 =	vld [tilespmem:s22+$0x6990]  }
0x78: {  	v35 =	vpack.i.f32.bf16 v45, v9;
	v33 =	vadd.bf16 v6, v33;
	v36 =	vadd.bf16 v4, v13;
	v9 =	vld [tilespmem:s22+$0x6A00]  }
0x79: {  	v11 =	vadd.bf16 v11, v24;
	v13 =	vmul.bf16 v35, v29;
	v4 =	vadd.bf16 v27, v30;
	v45 =	vld [tilespmem:s22+$0x6810]  }
0x7a: {  	v6 =	vmul.bf16 v35, v6;
	v14 =	vadd.f32 v31, v14;
	v27 =	vadd.bf16 v35, v33;
	v24 =	vld [tilespmem:s22+$0x6980]  }
0x7b: {  	v28 =	vpack.i.f32.bf16 v28, v32;
	v12 =	vadd.f32 v40, v12;
	v30 =	vadd.bf16 v13, v4;
	v29 =	vld [tilespmem:s22+$0x68B0]  }
0x7c: {  	v32 =	vmul.bf16 v28, v6;
	v25 =	vadd.bf16 v25, v11;
	v27 =	vadd.bf16 v28, v27;
	v31 =	vld [tilespmem:s22+$0x6820]  }
0x7d: {  	v10 =	vadd.f32 v34, v10;
	v4 =	vpack.i.f32.bf16 v54, v55;
	v13 =	vpack.i.f32.bf16 v48, v26;
	v11 =	vld [tilespmem:s22+$0x6800]  }
0x7e: {  	v33 =	vmul.bf16 v28, v35;
	v26 =	vadd.bf16 v6, v50;
	v30 =	vadd.bf16 v32, v30  }
0x7f: {  	v46 =	vmul.bf16 v49, v52;
	v27 =	vadd.bf16 v52, v27;
	v43 =	vpack.i.f32.bf16 v43, v53;
	v32 =	vld [tilespmem:s22+$0x68A0]  }
0x80: {  	v55 =	vadd.bf16 v33, v26;
	v6 =	vpack.i.f32.bf16 v39, v24;
	v24 =	vmul.bf16 v52, v33  }
0x81: {  	v36 =	vadd.bf16 v23, v36;
	v26 =	vadd.bf16 v49, v27;
	v31 =	vpack.i.f32.bf16 v37, v31  }
0x82: {  	v44 =	vpack.i.f32.bf16 v42, v38;
	v27 =	vld [tilespmem:s22+$0x6910];
	v23 =	vmul.bf16 v31, v23;
	v34 =	vadd.bf16 v0, v31  }
0x83: {  	v42 =	vadd.bf16 v24, v30;
	v37 =	vadd.bf16 v58, v47;
	v45 =	vpack.i.f32.bf16 v45, v11;
	v35 =	vld [tilespmem:s22+$0x6890]  }
0x84: {  	v11 =	vmul.bf16 v13, v44;
	v39 =	vld [tilespmem:s22+$0x6880];
	v29 =	vpack.i.f32.bf16 v29, v32;
	v32 =	vand.u32 $0xFFFF0000, v36  }
0x85: {  	v24 =	vmul.bf16 v44, v43;
	v30 =	vmul.bf16 v45, v49;
	v47 =	vld [tilespmem:s22+$0x6900];
	v2 =	vadd.f32 v32, v2  }
0x86: {  	v15 =	vadd.bf16 v15, v25;
	v32 =	vmul.bf16 v31, v41;
	v38 =	vmul.bf16 v43, v29  }
0x87: {  	v33 =	vadd.bf16 v0, v45;
	v48 =	vmul.bf16 v29, v31;
	v56 =	vadd.bf16 v29, v34  }
0x88: {  	v25 =	vadd.bf16 v0, v30;
	v29 =	vmul.bf16 v29, v23;
	v31 =	vadd.bf16 v0, v32;
	v32 =	vld [tilespmem:s22+$0x6AA0]  }
0x89: {  	v34 =	vadd.bf16 v41, v15;
	v57 =	vmul.bf16 v43, v48;
	v40 =	vpack.i.f32.bf16 v35, v39  }
0x8a: {  	v15 =	vmul.bf16 v40, v45;
	v35 =	vpack.i.f32.bf16 v27, v47;
	v47 =	vmul.bf16 v13, v24;
	v58 =	vld [tilespmem:s22+$0x6BB0]  }
0x8b: {  	v61 =	vmul.bf16 v52, v28;
	v59 =	vadd.bf16 v29, v31;
	v41 =	vmul.bf16 v35, v40;
	v60 =	vld [tilespmem:s22+$0x6BA0]  }
0x8c: {  	v53 =	vadd.bf16 v0, v23;
	v54 =	vmul.bf16 v44, v38;
	v31 =	vmul.bf16 v35, v15  }
.Ltmp2:
0x8d: {  	v15 =	vadd.bf16 v15, v25;
	v27 =	vmul.bf16 v6, v41;
	v39 =	vpack.i.f32.bf16 v51, v32;
	(pc) =	sbr.rel @p0 .LBB2_3-.Ltmp2, $4  }
0x8e: {  	v52 =	vadd.bf16 v61, v55;
	v50 =	vmul.bf16 v45, v46;
	v29 =	vmul.bf16 v6, v35;
	v28 =	vld [tilespmem:s22+$0x6A90]  }
0x8f: {  	v51 =	vadd.bf16 v41, v15;
	v25 =	vmul.bf16 v39, v13;
	v15 =	vmul.bf16 v4, v39;
	v32 =	vld [tilespmem:s22+$0x6A80]  }
0x90: {  	v46 =	vadd.bf16 v46, v52;
	v41 =	vadd.bf16 v43, v56;
	v45 =	vld [tilespmem:s22+$0x6A10];
	v23 =	vpack.i.f32.bf16 v58, v60  }
0x91: {  	v49 =	vmul.bf16 v49, v61;
	v55 =	vadd.bf16 v57, v59;
	v52 =	vld [tilespmem:s22+$0x6B10];
	v43 =	vmul.bf16 v23, v15  }
0x92: {  	v41 =	vadd.bf16 v44, v41;
	v36 =	vshll.u32 v36, $0x10  }
0x93: {  	v57 =	vmul.bf16 v23, v4;
	v5 =	vadd.bf16 v5, v37;
	v60 =	vadd.bf16 v48, v53  }
0x94: {  	v58 =	vmul.bf16 v39, v11;
	v33 =	vadd.bf16 v40, v33;
	v48 =	vadd.bf16 v0, v50  }
0x95: {  	v62 =	vand.u32 $0xFFFF0000, v26;
	v50 =	vadd.bf16 v29, v51;
	v42 =	vadd.bf16 v49, v42  }
0x96: {  	v26 =	vshll.u32 v26, $0x10;
	v1 =	vadd.f32 v36, v1;
	v59 =	vadd.bf16 v54, v55  }
0x97: {  	v51 =	vand.u32 $0xFFFF0000, v34;
	v20 =	vadd.f32 v26, v20;
	v19 =	vadd.f32 v62, v19  }
0x98: {  	v30 =	vmul.bf16 v40, v30;
	v10 =	vadd.f32 v51, v10;
	v3 =	vadd.bf16 v3, v5  }
0x99: {  	v49 =	vshll.u32 v34, $0x10;
	v5 =	vadd.bf16 v38, v60;
	v13 =	vadd.bf16 v13, v41  }
0x9a: {  	v7 =	vpack.i.f32.bf16 v7, v8;
	v33 =	vadd.bf16 v35, v33;
	v17 =	vadd.f32 v49, v17  }
0x9b: {  	v26 =	vld [tilespmem:s22+$0x6B00];
	v61 =	vshll.u32 v42, $0x10;
	v42 =	vand.u32 $0xFFFF0000, v42;
	v63 =	vadd.bf16 v47, v59  }
0x9c: {  	v22 =	vadd.f32 v61, v22;
	v21 =	vadd.f32 v42, v21;
	v47 =	vshll.u32 v3, $0x10  }
0x9d: {  	v3 =	vand.u32 $0xFFFF0000, v3;
	v5 =	vadd.bf16 v24, v5;
	v13 =	vadd.bf16 v39, v13  }
0x9e: {  	v3 =	vadd.f32 v3, v18;
	v18 =	vadd.bf16 v30, v48;
	v30 =	vand.u32 $0xFFFF0000, v46  }
0x9f: {  	v9 =	vpack.i.f32.bf16 v45, v9;
	v12 =	vadd.f32 v47, v12;
	v16 =	vadd.f32 v30, v16  }
0xa0: {  	v24 =	vpack.i.f32.bf16 v52, v26;
	v30 =	vadd.bf16 v6, v33;
	v13 =	vadd.bf16 v4, v13  }
0xa1: {  	v26 =	vshll.u32 v46, $0x10;
	v5 =	vadd.bf16 v11, v5;
	v18 =	vadd.bf16 v31, v18  }
0xa2: {  	v6 =	vmul.bf16 v9, v6;
	v14 =	vadd.f32 v26, v14;
	v11 =	vadd.bf16 v9, v30  }
0xa3: {  	v26 =	vpack.i.f32.bf16 v28, v32;
	v18 =	vadd.bf16 v27, v18;
	v27 =	vmul.bf16 v9, v29  }
0xa4: {  	v5 =	vadd.bf16 v25, v5;
	v9 =	vmul.bf16 v26, v9;
	v11 =	vadd.bf16 v26, v11  }
0xa5: {  	v8 =	vadd.bf16 v27, v18;
	v18 =	vadd.bf16 v6, v50;
	v6 =	vmul.bf16 v26, v6  }
0xa6: {  	v13 =	vadd.bf16 v23, v13;
	v26 =	vmul.bf16 v24, v26;
	v11 =	vadd.bf16 v24, v11  }
0xa7: {  	v18 =	vadd.bf16 v9, v18;
	v6 =	vadd.bf16 v6, v8;
	v8 =	vmul.bf16 v24, v9  }
0xa8: {  	v5 =	vadd.bf16 v15, v5;
	v9 =	vadd.bf16 v7, v11;
	v11 =	vmul.bf16 v7, v24  }
0xa9: {  	v7 =	vmul.bf16 v7, v26;
	v18 =	vadd.bf16 v26, v18;
	v6 =	vadd.bf16 v8, v6  }
0xaa: {  	s31 =	sshll.u32 s21, $0x1;
	v4 =	vmul.bf16 v4, v25;
	v5 =	vadd.bf16 v57, v5;
	v8 =	vadd.bf16 v58, v63  }
0xab: {  	s22 =	sand.u32 $0x3E, s31;
	v11 =	vadd.bf16 v11, v18;
	v6 =	vadd.bf16 v7, v6;
	v7 =	vand.u32 $0xFFFF0000, v9  }
0xac: {  	s22 =	smul.u32 $0x600, s22;
	v9 =	vshll.u32 v9, $0x10;
	v4 =	vadd.bf16 v4, v8;
	v8 =	vand.u32 $0xFFFF0000, v13  }
0xad: {  	v9 =	vadd.f32 v9, v20;
	v7 =	vadd.f32 v7, v19;
	v15 =	vshll.u32 v11, $0x10  }
0xae: {  	s22 =	sshrl.u32 s22, $0x2;
	v2 =	vadd.f32 v8, v2;
	v11 =	vand.u32 $0xFFFF0000, v11;
	v14 =	vadd.f32 v15, v14  }
0xaf: {  	v15 =	vshll.u32 v6, $0x10;
	v11 =	vadd.f32 v11, v16;
	v6 =	vand.u32 $0xFFFF0000, v6;
	[tilespmem:s22+$0x13000] =	vst v9  }
0xb0: {  	v4 =	vadd.bf16 v43, v4;
	[tilespmem:s22+$0x13010] =	vst v7;
	v6 =	vadd.f32 v6, v21;
	v9 =	vmul.f32 $5.656854150e+00, v14  }
0xb1: {  	[tilespmem:s22+$0x13030] =	vst v2;
	v15 =	vadd.f32 v15, v22;
	v7 =	vmul.f32 $5.656854150e+00, v11;
	v11 =	vshll.u32 v13, $0x10  }
0xb2: {  	v13 =	vshll.u32 v5, $0x10;
	v5 =	vand.u32 $0xFFFF0000, v5;
	v6 =	vmul.f32 $4.266666790e+01, v6;
	[tilespmem:s22+$0x13080] =	vst v9  }
0xb3: {  	v8 =	vshll.u32 v4, $0x10;
	v1 =	vadd.f32 v11, v1;
	v5 =	vadd.f32 v5, v10;
	[tilespmem:s22+$0x13090] =	vst v7  }
0xb4: {  	v4 =	vand.u32 $0xFFFF0000, v4;
	v9 =	vmul.f32 $4.266666790e+01, v15;
	v7 =	vadd.f32 v13, v17;
	[tilespmem:s22+$0x13110] =	vst v6  }
0xb5: {  	v3 =	vadd.f32 v4, v3;
	[tilespmem:s22+$0x13020] =	vst v1;
	v2 =	vmul.f32 $5.656854150e+00, v5  }
0xb6: {  	v6 =	vadd.f32 v8, v12;
	[tilespmem:s22+$0x13100] =	vst v9;
	v1 =	vmul.f32 $5.656854150e+00, v7  }
0xb7: {  	[tilespmem:s22+$0x130B0] =	vst v2;
	v2 =	vmul.f32 $4.266666790e+01, v3  }
0xb8: {  	[tilespmem:s22+$0x130A0] =	vst v1;
	v1 =	vmul.f32 $4.266666790e+01, v6  }
0xb9: {  	[tilespmem:s22+$0x13130] =	vst v2  }
0xba: {  	s24 =	simm.s32 $0x0;
	[tilespmem:s22+$0x13120] =	vst v1  }
0xbb: {  	v2 =	vld [tilespmem:s24+$0x6BD0]  }
0xbc: {  	v4 =	vld [tilespmem:s24+$0x6BC0]  }
0xbd: {  	v3 =	vld [tilespmem:s24+$0x6B70]  }
0xbe: {  	v5 =	vld [tilespmem:s24+$0x6B60]  }
0xbf: {  	v6 =	vld [tilespmem:s24+$0x6970]  }
0xc0: {  	v7 =	vld [tilespmem:s24+$0x69F0]  }
0xc1: {  	v8 =	vld [tilespmem:s24+$0x6A60]  }
0xc2: {  	v9 =	vld [tilespmem:s24+$0x6A70]  }
0xc3: {  	v10 =	vld [tilespmem:s24+$0x6960]  }
0xc4: {  	v12 =	vld [tilespmem:s24+$0x6870]  }
0xc5: {  	v13 =	vld [tilespmem:s24+$0x69E0]  }
0xc6: {  	v14 =	vld [tilespmem:s24+$0x69D0]  }
0xc7: {  	v16 =	vld [tilespmem:s24+$0x6850]  }
0xc8: {  	v17 =	vld [tilespmem:s24+$0x69C0]  }
0xc9: {  	v18 =	vld [tilespmem:s24+$0x68F0]  }
0xca: {  	v19 =	vld [tilespmem:s24+$0x6860]  }
0xcb: {  	v20 =	vld [tilespmem:s24+$0x6840]  }
0xcc: {  	v21 =	vld [tilespmem:s24+$0x68E0]  }
0xcd: {  	v53 =	vld [tilespmem:s24+$0x6B50]  }
0xce: {  	v56 =	vld [tilespmem:s24+$0x6B40]  }
0xcf: {  	v11 =	vld [tilespmem:s24+$0x6AF0]  }
0xd0: {  	v23 =	vimm.bf16 $0.0e+00;
	v1 =	vimm.f32 $0.0e+00;
	v22 =	vld [tilespmem:s24+$0x6950]  }
0xd1: {  	v24 =	vld [tilespmem:s24+$0x68D0];
	v8 =	vpack.i.f32.bf16 v9, v8;
	v9 =	vpack.i.f32.bf16 v3, v5;
	v3 =	vpack.i.f32.bf16 v12, v19  }
0xd2: {  	v27 =	vld [tilespmem:s24+$0x6BE0];
	v6 =	vpack.i.f32.bf16 v6, v10;
	v10 =	vpack.i.f32.bf16 v14, v17;
	v7 =	vpack.i.f32.bf16 v7, v13  }
0xd3: {  	v5 =	vld [tilespmem:s24+$0x68C0];
	v13 =	vpack.i.f32.bf16 v16, v20;
	v18 =	vpack.i.f32.bf16 v18, v21;
	v62 =	vpack.i.f32.bf16 v53, v56  }
0xd4: {  	v14 =	vld [tilespmem:s24+$0x6940];
	v63 =	vpack.i.f32.bf16 v2, v4;
	v12 =	vmul.bf16 v3, v23;
	v19 =	vmul.bf16 v8, v7  }
0xd5: {  	v16 =	vld [tilespmem:s24+$0x6AE0];
	v17 =	vadd.bf16 v0, v3;
	v20 =	vmul.bf16 v13, v23;
	v23 =	vmul.bf16 v7, v6  }
0xd6: {  	v21 =	vld [tilespmem:s24+$0x6BF0];
	v25 =	vmul.bf16 v6, v18;
	v26 =	vadd.bf16 v0, v13;
	v3 =	vmul.bf16 v18, v3  }
0xd7: {  	v17 =	vadd.bf16 v18, v17;
	v30 =	vadd.bf16 v0, v12;
	v12 =	vmul.bf16 v18, v12  }
0xd8: {  	v28 =	vadd.bf16 v0, v20;
	v31 =	vmul.bf16 v8, v23;
	v55 =	vmul.bf16 v7, v25  }
0xd9: {  	v5 =	vpack.i.f32.bf16 v24, v5;
	v24 =	vmul.bf16 v6, v3;
	v14 =	vpack.i.f32.bf16 v22, v14  }
0xda: {  	v12 =	vadd.bf16 v12, v30;
	v11 =	vpack.i.f32.bf16 v11, v16;
	v6 =	vadd.bf16 v6, v17  }
0xdb: {  	v15 =	vld [tilespmem:s24+$0x6A40];
	v17 =	vpack.i.f32.bf16 v21, v27;
	v13 =	vmul.bf16 v5, v13;
	v52 =	vmul.bf16 v14, v5  }
0xdc: {  	s23 =	simm.s32 $0x400;
	v29 =	vld [tilespmem:s24+$0x6AD0];
	v21 =	vadd.bf16 v3, v30;
	v16 =	vmul.bf16 v10, v14;
	v59 =	vmul.bf16 v9, v11  }
0xdd: {  	v58 =	vld [tilespmem:s23+$0x6B70];
	v20 =	vmul.bf16 v5, v20;
	v26 =	vadd.bf16 v5, v26;
	v12 =	vadd.bf16 v24, v12  }
0xde: {  	v60 =	vld [tilespmem:s23+$0x69F0];
	v30 =	vmul.bf16 v11, v8;
	v6 =	vadd.bf16 v7, v6;
	v7 =	vadd.bf16 v25, v21  }
0xdf: {  	v2 =	vld [tilespmem:s23+$0x69D0];
	v54 =	vmul.bf16 v14, v13;
	v13 =	vadd.bf16 v13, v28;
	v20 =	vadd.bf16 v20, v28  }
0xe0: {  	v22 =	vld [tilespmem:s24+$0x6A50];
	v61 =	vmul.bf16 v11, v19;
	v12 =	vadd.bf16 v55, v12;
	v6 =	vadd.bf16 v8, v6  }
0xe1: {  	v18 =	vld [tilespmem:s24+$0x6AC0];
	v25 =	vmul.bf16 v17, v9;
	v7 =	vadd.bf16 v23, v7;
	v13 =	vadd.bf16 v52, v13  }
0xe2: {  	v21 =	vld [tilespmem:s23+$0x6A60];
	v57 =	vmul.bf16 v10, v52;
	v20 =	vadd.bf16 v54, v20;
	v12 =	vadd.bf16 v31, v12  }
0xe3: {  	v3 =	vmul.bf16 v17, v59;
	v23 =	vld [tilespmem:s23+$0x69E0];
	v6 =	vadd.bf16 v11, v6;
	v7 =	vadd.bf16 v19, v7  }
0xe4: {  	v5 =	vmul.bf16 v9, v30;
	v31 =	vld [tilespmem:s23+$0x6A70];
	v28 =	vadd.bf16 v16, v13;
	v13 =	vadd.bf16 v14, v26  }
0xe5: {  	v27 =	vld [tilespmem:s23+$0x6970];
	v15 =	vpack.i.f32.bf16 v22, v15;
	v9 =	vadd.bf16 v9, v6;
	v7 =	vadd.bf16 v30, v7  }
0xe6: {  	v8 =	vld [tilespmem:s23+$0x6960];
	v16 =	vmul.bf16 v15, v16;
	v37 =	vadd.bf16 v61, v12;
	v4 =	vadd.bf16 v10, v13  }
0xe7: {  	v24 =	vld [tilespmem:s23+$0x6B60];
	v13 =	vadd.bf16 v57, v20;
	v10 =	vmul.bf16 v15, v10;
	v36 =	vadd.bf16 v17, v9  }
0xe8: {  	v19 =	vld [tilespmem:s23+$0x69C0];
	v43 =	vpack.i.f32.bf16 v60, v23;
	v7 =	vadd.bf16 v59, v7;
	v4 =	vadd.bf16 v15, v4  }
0xe9: {  	v14 =	vld [tilespmem:s23+$0x6870];
	v6 =	vadd.bf16 v16, v13;
	v16 =	vpack.i.f32.bf16 v29, v18;
	v13 =	vpack.i.f32.bf16 v31, v21  }
0xea: {  	v18 =	vld [tilespmem:s23+$0x6860];
	v26 =	vmul.bf16 v16, v10;
	v10 =	vadd.bf16 v10, v28;
	v15 =	vmul.bf16 v16, v15  }
0xeb: {  	v11 =	vld [tilespmem:s23+$0x6850];
	v28 =	vpack.i.f32.bf16 v27, v8;
	v34 =	vadd.bf16 v25, v7;
	v22 =	vadd.bf16 v16, v4  }
0xec: {  	v29 =	vld [tilespmem:s23+$0x6840];
	v4 =	vpack.i.f32.bf16 v58, v24;
	v16 =	vmul.bf16 v62, v16;
	v21 =	vadd.bf16 v26, v6  }
0xed: {  	v20 =	vld [tilespmem:s23+$0x68F0];
	v6 =	vpack.i.f32.bf16 v2, v19;
	v10 =	vadd.bf16 v15, v10;
	v2 =	vmul.bf16 v62, v15  }
0xee: {  	v24 =	vld [tilespmem:s23+$0x68E0];
	v8 =	vadd.bf16 v62, v22;
	v22 =	vmul.bf16 v63, v62;
	v49 =	vmul.bf16 v63, v16  }
0xef: {  	v14 =	vpack.i.f32.bf16 v14, v18;
	v42 =	vadd.bf16 v2, v21;
	v2 =	vand.u32 $0xFFFF0000, v36  }
0xf0: {  	v12 =	vld [tilespmem:s23+$0x68C0];
	v10 =	vadd.bf16 v16, v10;
	v16 =	vimm.f32 $0.0e+00;
	v26 =	vadd.bf16 v63, v8  }
0xf1: {  	v23 =	vld [tilespmem:s23+$0x6AF0];
	v9 =	vmul.bf16 v14, v17;
	v15 =	vadd.bf16 v0, v14;
	v17 =	vpack.i.f32.bf16 v11, v29  }
0xf2: {  	v18 =	vld [tilespmem:s23+$0x68D0];
	v11 =	vmul.bf16 v13, v43;
	v2 =	vadd.f32 v2, v1;
	v21 =	vmul.bf16 v14, v25  }
0xf3: {  	v8 =	vld [tilespmem:s23+$0x6950];
	v19 =	vpack.i.f32.bf16 v20, v24;
	v30 =	vmul.bf16 v17, v63;
	v24 =	vmul.bf16 v43, v28  }
0xf4: {  	v29 =	vld [tilespmem:s23+$0x6AE0];
	v33 =	vadd.bf16 v0, v17;
	v50 =	vmul.bf16 v17, v22;
	v46 =	vadd.bf16 v22, v10  }
0xf5: {  	v20 =	vld [tilespmem:s23+$0x6940];
	v22 =	vimm.f32 $0.0e+00;
	v10 =	vimm.f32 $0.0e+00;
	v38 =	vmul.bf16 v28, v19  }
0xf6: {  	v48 =	vmul.bf16 v19, v14;
	v14 =	vadd.bf16 v19, v15;
	v21 =	vadd.bf16 v0, v21  }
0xf7: {  	v19 =	vmul.bf16 v19, v9;
	v53 =	vadd.bf16 v0, v9;
	v15 =	vadd.bf16 v0, v30  }
0xf8: {  	v32 =	vld [tilespmem:s23+$0x6AC0];
	v47 =	vmul.bf16 v13, v24;
	v40 =	vpack.i.f32.bf16 v18, v12;
	v12 =	vmul.bf16 v28, v48  }
0xf9: {  	v19 =	vadd.bf16 v19, v21;
	v21 =	vld [tilespmem:s23+$0x6BE0];
	v54 =	vmul.bf16 v43, v38;
	v41 =	vadd.bf16 v28, v14  }
0xfa: {  	v14 =	vimm.f32 $0.0e+00;
	v39 =	vpack.i.f32.bf16 v23, v29;
	v35 =	vpack.i.f32.bf16 v8, v20;
	v20 =	vld [tilespmem:s23+$0x6BF0]  }
0xfb: {  	v45 =	vld [tilespmem:s23+$0x6A50];
	v18 =	vmul.bf16 v40, v17;
	v17 =	vimm.f32 $0.0e+00;
	v25 =	vmul.bf16 v39, v13  }
0xfc: {  	v52 =	vld [tilespmem:s23+$0x6B50];
	v55 =	vadd.bf16 v12, v19;
	v19 =	vimm.f32 $0.0e+00;
	v12 =	vimm.f32 $0.0e+00  }
0xfd: {  	v7 =	vld [tilespmem:s23+$0x6BD0];
	v8 =	vmul.bf16 v35, v40;
	v31 =	vmul.bf16 v35, v18;
	v9 =	vadd.bf16 v18, v15  }
0xfe: {  	v28 =	vld [tilespmem:s23+$0x6AD0];
	v29 =	vmul.bf16 v6, v35;
	v15 =	vmul.bf16 v4, v39;
	v18 =	vimm.f32 $0.0e+00  }
0xff: {  	v27 =	vmul.bf16 v6, v8;
	v51 =	vadd.bf16 v8, v9;
	v8 =	vld [tilespmem:s23+$0x6BC0];
	v23 =	vpack.i.f32.bf16 v20, v21  }
0x100: {  	s24 =	simm.s32 $0x2000;
	v9 =	vld [tilespmem:s23+$0x6A40];
	v21 =	vimm.f32 $0.0e+00;
	v20 =	vimm.f32 $0.0e+00;
	v44 =	vmul.bf16 v23, v15  }
.LBB2_5:
0x101: {  	p0 =	sne.s32 s24, $0x18000;
	v56 =	vld [tilespmem:s23+$0x6B40];
	s23 =	sshra.s32 s24, $0x2;
	s24 =	sadd.s32 $0x1000, s24;
	v43 =	vadd.bf16 v43, v41;
	v41 =	vmul.bf16 v23, v4;
	v36 =	vshll.u32 v36, $0x10  }
0x102: {  	v58 =	vmul.bf16 v39, v11;
	v57 =	vld [tilespmem:s23+$0x6BD0];
	v42 =	vadd.bf16 v49, v42;
	v1 =	vadd.f32 v36, v1  }
0x103: {  	v37 =	vadd.bf16 v5, v37;
	v5 =	vmul.bf16 v4, v25;
	v49 =	vadd.bf16 v54, v55;
	v36 =	vld [tilespmem:s23+$0x6BC0]  }
0x104: {  	v48 =	vadd.bf16 v48, v53;
	v54 =	vld [tilespmem:s23+$0x6B70];
	v53 =	vshll.u32 v42, $0x10;
	v42 =	vand.u32 $0xFFFF0000, v42  }
0x105: {  	v59 =	vand.u32 $0xFFFF0000, v26;
	v37 =	vadd.bf16 v3, v37;
	v3 =	vmovc v44;
	v55 =	vld [tilespmem:s23+$0x6B60];
	v22 =	vadd.f32 v53, v22  }
0x106: {  	v26 =	vshll.u32 v26, $0x10;
	v38 =	vadd.bf16 v38, v48;
	v21 =	vadd.f32 v42, v21;
	v44 =	vld [tilespmem:s23+$0x6970]  }
0x107: {  	v30 =	vmul.bf16 v40, v30;
	v20 =	vadd.f32 v26, v20;
	v47 =	vadd.bf16 v47, v49;
	v42 =	vld [tilespmem:s23+$0x69F0]  }
0x108: {  	v33 =	vadd.bf16 v40, v33;
	v40 =	vshll.u32 v37, $0x10;
	v37 =	vand.u32 $0xFFFF0000, v37;
	v26 =	vld [tilespmem:s23+$0x6A60]  }
0x109: {  	v19 =	vadd.f32 v59, v19;
	v13 =	vadd.bf16 v13, v43;
	v43 =	vshll.u32 v34, $0x10;
	v48 =	vld [tilespmem:s23+$0x6A70]  }
0x10a: {  	v34 =	vand.u32 $0xFFFF0000, v34;
	v49 =	vadd.bf16 v0, v50;
	v50 =	vadd.bf16 v29, v51;
	v53 =	vld [tilespmem:s23+$0x6960]  }
0x10b: {  	v33 =	vadd.bf16 v35, v33;
	v35 =	vand.u32 $0xFFFF0000, v46;
	v18 =	vadd.f32 v37, v18;
	v51 =	vld [tilespmem:s23+$0x6AF0]  }
0x10c: {  	v24 =	vadd.bf16 v24, v38;
	v30 =	vadd.bf16 v30, v49;
	v52 =	vpack.i.f32.bf16 v52, v56;
	v37 =	vld [tilespmem:s23+$0x6870]  }
0x10d: {  	v17 =	vadd.f32 v43, v17;
	v13 =	vadd.bf16 v39, v13;
	v49 =	vpack.i.f32.bf16 v7, v8;
	v7 =	vmovc v57;
	v38 =	vld [tilespmem:s23+$0x69E0]  }
0x10e: {  	v16 =	vadd.f32 v35, v16;
	v30 =	vadd.bf16 v31, v30;
	v31 =	vshll.u32 v46, $0x10;
	v8 =	vmovc v36;
	v39 =	vld [tilespmem:s23+$0x69D0]  }
0x10f: {  	v35 =	vpack.i.f32.bf16 v45, v9;
	v33 =	vadd.bf16 v6, v33;
	v36 =	vadd.bf16 v4, v13;
	v9 =	vld [tilespmem:s23+$0x6A40]  }
0x110: {  	v11 =	vadd.bf16 v11, v24;
	v13 =	vmul.bf16 v35, v29;
	v4 =	vadd.bf16 v27, v30;
	v45 =	vld [tilespmem:s23+$0x6850]  }
0x111: {  	v6 =	vmul.bf16 v35, v6;
	v14 =	vadd.f32 v31, v14;
	v27 =	vadd.bf16 v35, v33;
	v24 =	vld [tilespmem:s23+$0x69C0]  }
0x112: {  	v28 =	vpack.i.f32.bf16 v28, v32;
	v12 =	vadd.f32 v40, v12;
	v30 =	vadd.bf16 v13, v4;
	v29 =	vld [tilespmem:s23+$0x68F0]  }
0x113: {  	v32 =	vmul.bf16 v28, v6;
	v25 =	vadd.bf16 v25, v11;
	v27 =	vadd.bf16 v28, v27;
	v31 =	vld [tilespmem:s23+$0x6860]  }
0x114: {  	v10 =	vadd.f32 v34, v10;
	v4 =	vpack.i.f32.bf16 v54, v55;
	v13 =	vpack.i.f32.bf16 v48, v26;
	v11 =	vld [tilespmem:s23+$0x6840]  }
0x115: {  	v33 =	vmul.bf16 v28, v35;
	v26 =	vadd.bf16 v6, v50;
	v30 =	vadd.bf16 v32, v30  }
0x116: {  	v46 =	vmul.bf16 v49, v52;
	v27 =	vadd.bf16 v52, v27;
	v44 =	vpack.i.f32.bf16 v44, v53;
	v32 =	vld [tilespmem:s23+$0x68E0]  }
0x117: {  	v55 =	vadd.bf16 v33, v26;
	v6 =	vpack.i.f32.bf16 v39, v24;
	v24 =	vmul.bf16 v52, v33  }
0x118: {  	v36 =	vadd.bf16 v23, v36;
	v26 =	vadd.bf16 v49, v27;
	v31 =	vpack.i.f32.bf16 v37, v31  }
0x119: {  	v43 =	vpack.i.f32.bf16 v42, v38;
	v27 =	vld [tilespmem:s23+$0x6950];
	v23 =	vmul.bf16 v31, v23;
	v34 =	vadd.bf16 v0, v31  }
0x11a: {  	v42 =	vadd.bf16 v24, v30;
	v37 =	vadd.bf16 v58, v47;
	v45 =	vpack.i.f32.bf16 v45, v11;
	v35 =	vld [tilespmem:s23+$0x68D0]  }
0x11b: {  	v11 =	vmul.bf16 v13, v43;
	v39 =	vld [tilespmem:s23+$0x68C0];
	v29 =	vpack.i.f32.bf16 v29, v32;
	v32 =	vand.u32 $0xFFFF0000, v36  }
0x11c: {  	v24 =	vmul.bf16 v43, v44;
	v30 =	vmul.bf16 v45, v49;
	v47 =	vld [tilespmem:s23+$0x6940];
	v2 =	vadd.f32 v32, v2  }
0x11d: {  	v15 =	vadd.bf16 v15, v25;
	v32 =	vmul.bf16 v31, v41;
	v38 =	vmul.bf16 v44, v29  }
0x11e: {  	v33 =	vadd.bf16 v0, v45;
	v48 =	vmul.bf16 v29, v31;
	v56 =	vadd.bf16 v29, v34  }
0x11f: {  	v25 =	vadd.bf16 v0, v30;
	v29 =	vmul.bf16 v29, v23;
	v31 =	vadd.bf16 v0, v32;
	v32 =	vld [tilespmem:s23+$0x6AE0]  }
0x120: {  	v34 =	vadd.bf16 v41, v15;
	v57 =	vmul.bf16 v44, v48;
	v40 =	vpack.i.f32.bf16 v35, v39  }
0x121: {  	v15 =	vmul.bf16 v40, v45;
	v35 =	vpack.i.f32.bf16 v27, v47;
	v47 =	vmul.bf16 v13, v24;
	v58 =	vld [tilespmem:s23+$0x6BF0]  }
0x122: {  	v61 =	vmul.bf16 v52, v28;
	v59 =	vadd.bf16 v29, v31;
	v41 =	vmul.bf16 v35, v40;
	v60 =	vld [tilespmem:s23+$0x6BE0]  }
0x123: {  	v53 =	vadd.bf16 v0, v23;
	v54 =	vmul.bf16 v43, v38;
	v31 =	vmul.bf16 v35, v15  }
.Ltmp3:
0x124: {  	v15 =	vadd.bf16 v15, v25;
	v27 =	vmul.bf16 v6, v41;
	v39 =	vpack.i.f32.bf16 v51, v32;
	(pc) =	sbr.rel @p0 .LBB2_5-.Ltmp3, $4  }
0x125: {  	v52 =	vadd.bf16 v61, v55;
	v50 =	vmul.bf16 v45, v46;
	v29 =	vmul.bf16 v6, v35;
	v28 =	vld [tilespmem:s23+$0x6AD0]  }
0x126: {  	v51 =	vadd.bf16 v41, v15;
	v25 =	vmul.bf16 v39, v13;
	v15 =	vmul.bf16 v4, v39;
	v32 =	vld [tilespmem:s23+$0x6AC0]  }
0x127: {  	v46 =	vadd.bf16 v46, v52;
	v41 =	vadd.bf16 v44, v56;
	v45 =	vld [tilespmem:s23+$0x6A50];
	v23 =	vpack.i.f32.bf16 v58, v60  }
0x128: {  	v49 =	vmul.bf16 v49, v61;
	v55 =	vadd.bf16 v57, v59;
	v52 =	vld [tilespmem:s23+$0x6B50];
	v44 =	vmul.bf16 v23, v15  }
0x129: {  	v41 =	vadd.bf16 v43, v41;
	v36 =	vshll.u32 v36, $0x10  }
0x12a: {  	v57 =	vmul.bf16 v23, v4;
	v5 =	vadd.bf16 v5, v37;
	v60 =	vadd.bf16 v48, v53  }
0x12b: {  	v58 =	vmul.bf16 v39, v11;
	v33 =	vadd.bf16 v40, v33;
	v48 =	vadd.bf16 v0, v50  }
0x12c: {  	v62 =	vand.u32 $0xFFFF0000, v26;
	v50 =	vadd.bf16 v29, v51;
	v42 =	vadd.bf16 v49, v42  }
0x12d: {  	v26 =	vshll.u32 v26, $0x10;
	v1 =	vadd.f32 v36, v1;
	v59 =	vadd.bf16 v54, v55  }
0x12e: {  	v51 =	vand.u32 $0xFFFF0000, v34;
	v20 =	vadd.f32 v26, v20;
	v19 =	vadd.f32 v62, v19  }
0x12f: {  	v30 =	vmul.bf16 v40, v30;
	v10 =	vadd.f32 v51, v10;
	v3 =	vadd.bf16 v3, v5  }
0x130: {  	v49 =	vshll.u32 v34, $0x10;
	v5 =	vadd.bf16 v38, v60;
	v13 =	vadd.bf16 v13, v41  }
0x131: {  	v7 =	vpack.i.f32.bf16 v7, v8;
	v33 =	vadd.bf16 v35, v33;
	v17 =	vadd.f32 v49, v17  }
0x132: {  	v26 =	vld [tilespmem:s23+$0x6B40];
	v61 =	vshll.u32 v42, $0x10;
	v42 =	vand.u32 $0xFFFF0000, v42;
	v63 =	vadd.bf16 v47, v59  }
0x133: {  	v22 =	vadd.f32 v61, v22;
	v21 =	vadd.f32 v42, v21;
	v47 =	vshll.u32 v3, $0x10  }
0x134: {  	v3 =	vand.u32 $0xFFFF0000, v3;
	v5 =	vadd.bf16 v24, v5;
	v13 =	vadd.bf16 v39, v13  }
0x135: {  	v3 =	vadd.f32 v3, v18;
	v18 =	vadd.bf16 v30, v48;
	v30 =	vand.u32 $0xFFFF0000, v46  }
0x136: {  	v9 =	vpack.i.f32.bf16 v45, v9;
	v12 =	vadd.f32 v47, v12;
	v16 =	vadd.f32 v30, v16  }
0x137: {  	v24 =	vpack.i.f32.bf16 v52, v26;
	v30 =	vadd.bf16 v6, v33;
	v13 =	vadd.bf16 v4, v13  }
0x138: {  	v26 =	vshll.u32 v46, $0x10;
	v5 =	vadd.bf16 v11, v5;
	v18 =	vadd.bf16 v31, v18  }
0x139: {  	v6 =	vmul.bf16 v9, v6;
	v14 =	vadd.f32 v26, v14;
	v11 =	vadd.bf16 v9, v30  }
0x13a: {  	v26 =	vpack.i.f32.bf16 v28, v32;
	v18 =	vadd.bf16 v27, v18;
	v27 =	vmul.bf16 v9, v29  }
0x13b: {  	v5 =	vadd.bf16 v25, v5;
	v9 =	vmul.bf16 v26, v9;
	v11 =	vadd.bf16 v26, v11  }
0x13c: {  	v8 =	vadd.bf16 v27, v18;
	v18 =	vadd.bf16 v6, v50;
	v6 =	vmul.bf16 v26, v6  }
0x13d: {  	v13 =	vadd.bf16 v23, v13;
	v26 =	vmul.bf16 v24, v26;
	v11 =	vadd.bf16 v24, v11  }
0x13e: {  	v18 =	vadd.bf16 v9, v18;
	v6 =	vadd.bf16 v6, v8;
	v8 =	vmul.bf16 v24, v9  }
0x13f: {  	v5 =	vadd.bf16 v15, v5;
	v9 =	vadd.bf16 v7, v11;
	v11 =	vmul.bf16 v7, v24  }
0x140: {  	v7 =	vmul.bf16 v7, v26;
	v18 =	vadd.bf16 v26, v18;
	v6 =	vadd.bf16 v8, v6  }
0x141: {  	v4 =	vmul.bf16 v4, v25;
	v5 =	vadd.bf16 v57, v5;
	v8 =	vadd.bf16 v58, v63  }
0x142: {  	v11 =	vadd.bf16 v11, v18;
	v6 =	vadd.bf16 v7, v6;
	v7 =	vand.u32 $0xFFFF0000, v9  }
0x143: {  	v9 =	vshll.u32 v9, $0x10;
	v4 =	vadd.bf16 v4, v8;
	v8 =	vand.u32 $0xFFFF0000, v13  }
0x144: {  	v9 =	vadd.f32 v9, v20;
	v7 =	vadd.f32 v7, v19;
	v15 =	vshll.u32 v11, $0x10  }
0x145: {  	v2 =	vadd.f32 v8, v2;
	v11 =	vand.u32 $0xFFFF0000, v11;
	v14 =	vadd.f32 v15, v14  }
0x146: {  	v15 =	vshll.u32 v6, $0x10;
	v11 =	vadd.f32 v11, v16;
	v6 =	vand.u32 $0xFFFF0000, v6;
	[tilespmem:s22+$0x13040] =	vst v9  }
0x147: {  	v4 =	vadd.bf16 v44, v4;
	[tilespmem:s22+$0x13050] =	vst v7;
	v6 =	vadd.f32 v6, v21;
	v9 =	vmul.f32 $5.656854150e+00, v14  }
0x148: {  	[tilespmem:s22+$0x13070] =	vst v2;
	v15 =	vadd.f32 v15, v22;
	v7 =	vmul.f32 $5.656854150e+00, v11;
	v11 =	vshll.u32 v13, $0x10  }
0x149: {  	v13 =	vshll.u32 v5, $0x10;
	v5 =	vand.u32 $0xFFFF0000, v5;
	v6 =	vmul.f32 $4.266666790e+01, v6;
	[tilespmem:s22+$0x130C0] =	vst v9  }
0x14a: {  	v8 =	vshll.u32 v4, $0x10;
	v1 =	vadd.f32 v11, v1;
	v5 =	vadd.f32 v5, v10;
	[tilespmem:s22+$0x130D0] =	vst v7  }
0x14b: {  	v4 =	vand.u32 $0xFFFF0000, v4;
	v9 =	vmul.f32 $4.266666790e+01, v15;
	v7 =	vadd.f32 v13, v17;
	[tilespmem:s22+$0x13150] =	vst v6  }
0x14c: {  	v3 =	vadd.f32 v4, v3;
	[tilespmem:s22+$0x13060] =	vst v1;
	v2 =	vmul.f32 $5.656854150e+00, v5  }
0x14d: {  	p0 =	seq.s32 s21, $0x3F;
	v6 =	vadd.f32 v8, v12;
	[tilespmem:s22+$0x13140] =	vst v9;
	v1 =	vmul.f32 $5.656854150e+00, v7  }
0x14e: {  	s23 =	smul.u32 @!p0 $0x680, s21;
	[tilespmem:s22+$0x130F0] =	vst v2;
	v2 =	vmul.f32 $4.266666790e+01, v3  }
0x14f: {  	[tilespmem:s22+$0x130E0] =	vst v1;
	v1 =	vmul.f32 $4.266666790e+01, v6  }
0x150: {  	s23 =	sshra.s32 @!p0 s23, $0x2;
	[tilespmem:s22+$0x13170] =	vst v2  }
0x151: {  	s25 =	simm.s32 @!p0 $0x64;
	s26 =	simm.s32 @!p0 $0x6800;
	s24 =	sadd.s32 @!p0 $0x1A0, s23;
	[tilespmem:s22+$0x13160] =	vst v1  }
0x152: {  	[tilespmem:s26], [sflag:$0x1] =	stream.indirect.gather @!p0 [hbm4b:s2+s25], $0x80, s24, s25, $0xb8;
	[tilespmem:$0x19000] =	vst v63  }
0x153: {  	s23 =	sadd.s32 @!p0 $0x208, s23;
	s24 =	simm.s32 @!p0 $0x9A00  }
0x154: {  	[tilespmem:s24], [sflag:$0x1] =	stream.indirect.gather @!p0 [hbm4b:s2+s25], $0x80, s23, s25, $0xb8;
	[tilespmem:$0x19000] =	vst v63  }
0x155: {  	_ =	swait.ge [sflag:s18], $0x6400  }
0x156: {  	[sflag:s18] =	ssyncset.done $0x0  }
0x157: {  	s31 =	simm.s32 $0x0;
	[sflag:s18] =	ssyncadd.s32 $0xFFFF9C00  }
0x158: {  	v2 =	vld [tilespmem:s31+$0xCF90]  }
0x159: {  	v4 =	vld [tilespmem:s31+$0xCF80]  }
0x15a: {  	v3 =	vld [tilespmem:s31+$0xCF30]  }
0x15b: {  	v5 =	vld [tilespmem:s31+$0xCF20]  }
0x15c: {  	v6 =	vld [tilespmem:s31+$0xCD30]  }
0x15d: {  	v7 =	vld [tilespmem:s31+$0xCDB0]  }
0x15e: {  	v8 =	vld [tilespmem:s31+$0xCE20]  }
0x15f: {  	v9 =	vld [tilespmem:s31+$0xCE30]  }
0x160: {  	v10 =	vld [tilespmem:s31+$0xCD20]  }
0x161: {  	v12 =	vld [tilespmem:s31+$0xCC30]  }
0x162: {  	v13 =	vld [tilespmem:s31+$0xCDA0]  }
0x163: {  	v14 =	vld [tilespmem:s31+$0xCD90]  }
0x164: {  	v16 =	vld [tilespmem:s31+$0xCC10]  }
0x165: {  	v17 =	vld [tilespmem:s31+$0xCD80]  }
0x166: {  	v18 =	vld [tilespmem:s31+$0xCCB0]  }
0x167: {  	v19 =	vld [tilespmem:s31+$0xCC20]  }
0x168: {  	v20 =	vld [tilespmem:s31+$0xCC00]  }
0x169: {  	v21 =	vld [tilespmem:s31+$0xCCA0]  }
0x16a: {  	v53 =	vld [tilespmem:s31+$0xCF10]  }
0x16b: {  	v56 =	vld [tilespmem:s31+$0xCF00]  }
0x16c: {  	v11 =	vld [tilespmem:s31+$0xCEB0]  }
0x16d: {  	v23 =	vimm.bf16 $0.0e+00;
	v1 =	vimm.f32 $0.0e+00;
	v22 =	vld [tilespmem:s31+$0xCD10]  }
0x16e: {  	v24 =	vld [tilespmem:s31+$0xCC90];
	v8 =	vpack.i.f32.bf16 v9, v8;
	v9 =	vpack.i.f32.bf16 v3, v5;
	v3 =	vpack.i.f32.bf16 v12, v19  }
0x16f: {  	v27 =	vld [tilespmem:s31+$0xCFA0];
	v6 =	vpack.i.f32.bf16 v6, v10;
	v10 =	vpack.i.f32.bf16 v14, v17;
	v7 =	vpack.i.f32.bf16 v7, v13  }
0x170: {  	v5 =	vld [tilespmem:s31+$0xCC80];
	v13 =	vpack.i.f32.bf16 v16, v20;
	v18 =	vpack.i.f32.bf16 v18, v21;
	v62 =	vpack.i.f32.bf16 v53, v56  }
0x171: {  	v14 =	vld [tilespmem:s31+$0xCD00];
	v63 =	vpack.i.f32.bf16 v2, v4;
	v12 =	vmul.bf16 v3, v23;
	v19 =	vmul.bf16 v8, v7  }
0x172: {  	v16 =	vld [tilespmem:s31+$0xCEA0];
	v17 =	vadd.bf16 v0, v3;
	v20 =	vmul.bf16 v13, v23;
	v23 =	vmul.bf16 v7, v6  }
0x173: {  	v21 =	vld [tilespmem:s31+$0xCFB0];
	v25 =	vmul.bf16 v6, v18;
	v26 =	vadd.bf16 v0, v13;
	v3 =	vmul.bf16 v18, v3  }
0x174: {  	v17 =	vadd.bf16 v18, v17;
	v30 =	vadd.bf16 v0, v12;
	v12 =	vmul.bf16 v18, v12  }
0x175: {  	v28 =	vadd.bf16 v0, v20;
	v31 =	vmul.bf16 v8, v23;
	v55 =	vmul.bf16 v7, v25  }
0x176: {  	v5 =	vpack.i.f32.bf16 v24, v5;
	v24 =	vmul.bf16 v6, v3;
	v14 =	vpack.i.f32.bf16 v22, v14  }
0x177: {  	v12 =	vadd.bf16 v12, v30;
	v11 =	vpack.i.f32.bf16 v11, v16;
	v6 =	vadd.bf16 v6, v17  }
0x178: {  	v15 =	vld [tilespmem:s31+$0xCE00];
	v17 =	vpack.i.f32.bf16 v21, v27;
	v13 =	vmul.bf16 v5, v13;
	v52 =	vmul.bf16 v14, v5  }
0x179: {  	s23 =	simm.s32 $0x400;
	v29 =	vld [tilespmem:s31+$0xCE90];
	v21 =	vadd.bf16 v3, v30;
	v16 =	vmul.bf16 v10, v14;
	v59 =	vmul.bf16 v9, v11  }
0x17a: {  	v58 =	vld [tilespmem:s23+$0xCF30];
	v20 =	vmul.bf16 v5, v20;
	v26 =	vadd.bf16 v5, v26;
	v12 =	vadd.bf16 v24, v12  }
0x17b: {  	v60 =	vld [tilespmem:s23+$0xCDB0];
	v30 =	vmul.bf16 v11, v8;
	v6 =	vadd.bf16 v7, v6;
	v7 =	vadd.bf16 v25, v21  }
0x17c: {  	v2 =	vld [tilespmem:s23+$0xCD90];
	v54 =	vmul.bf16 v14, v13;
	v13 =	vadd.bf16 v13, v28;
	v20 =	vadd.bf16 v20, v28  }
0x17d: {  	v22 =	vld [tilespmem:s31+$0xCE10];
	v61 =	vmul.bf16 v11, v19;
	v12 =	vadd.bf16 v55, v12;
	v6 =	vadd.bf16 v8, v6  }
0x17e: {  	v18 =	vld [tilespmem:s31+$0xCE80];
	v25 =	vmul.bf16 v17, v9;
	v7 =	vadd.bf16 v23, v7;
	v13 =	vadd.bf16 v52, v13  }
0x17f: {  	v21 =	vld [tilespmem:s23+$0xCE20];
	v57 =	vmul.bf16 v10, v52;
	v20 =	vadd.bf16 v54, v20;
	v12 =	vadd.bf16 v31, v12  }
0x180: {  	v3 =	vmul.bf16 v17, v59;
	v23 =	vld [tilespmem:s23+$0xCDA0];
	v6 =	vadd.bf16 v11, v6;
	v7 =	vadd.bf16 v19, v7  }
0x181: {  	v5 =	vmul.bf16 v9, v30;
	v31 =	vld [tilespmem:s23+$0xCE30];
	v28 =	vadd.bf16 v16, v13;
	v13 =	vadd.bf16 v14, v26  }
0x182: {  	v27 =	vld [tilespmem:s23+$0xCD30];
	v15 =	vpack.i.f32.bf16 v22, v15;
	v9 =	vadd.bf16 v9, v6;
	v7 =	vadd.bf16 v30, v7  }
0x183: {  	v8 =	vld [tilespmem:s23+$0xCD20];
	v16 =	vmul.bf16 v15, v16;
	v37 =	vadd.bf16 v61, v12;
	v4 =	vadd.bf16 v10, v13  }
0x184: {  	v24 =	vld [tilespmem:s23+$0xCF20];
	v13 =	vadd.bf16 v57, v20;
	v10 =	vmul.bf16 v15, v10;
	v36 =	vadd.bf16 v17, v9  }
0x185: {  	v19 =	vld [tilespmem:s23+$0xCD80];
	v43 =	vpack.i.f32.bf16 v60, v23;
	v7 =	vadd.bf16 v59, v7;
	v4 =	vadd.bf16 v15, v4  }
0x186: {  	v14 =	vld [tilespmem:s23+$0xCC30];
	v6 =	vadd.bf16 v16, v13;
	v16 =	vpack.i.f32.bf16 v29, v18;
	v13 =	vpack.i.f32.bf16 v31, v21  }
0x187: {  	v18 =	vld [tilespmem:s23+$0xCC20];
	v26 =	vmul.bf16 v16, v10;
	v10 =	vadd.bf16 v10, v28;
	v15 =	vmul.bf16 v16, v15  }
0x188: {  	v11 =	vld [tilespmem:s23+$0xCC10];
	v28 =	vpack.i.f32.bf16 v27, v8;
	v34 =	vadd.bf16 v25, v7;
	v22 =	vadd.bf16 v16, v4  }
0x189: {  	v29 =	vld [tilespmem:s23+$0xCC00];
	v4 =	vpack.i.f32.bf16 v58, v24;
	v16 =	vmul.bf16 v62, v16;
	v21 =	vadd.bf16 v26, v6  }
0x18a: {  	v20 =	vld [tilespmem:s23+$0xCCB0];
	v6 =	vpack.i.f32.bf16 v2, v19;
	v10 =	vadd.bf16 v15, v10;
	v2 =	vmul.bf16 v62, v15  }
0x18b: {  	v24 =	vld [tilespmem:s23+$0xCCA0];
	v8 =	vadd.bf16 v62, v22;
	v22 =	vmul.bf16 v63, v62;
	v49 =	vmul.bf16 v63, v16  }
0x18c: {  	v14 =	vpack.i.f32.bf16 v14, v18;
	v42 =	vadd.bf16 v2, v21;
	v2 =	vand.u32 $0xFFFF0000, v36  }
0x18d: {  	v12 =	vld [tilespmem:s23+$0xCC80];
	v10 =	vadd.bf16 v16, v10;
	v16 =	vimm.f32 $0.0e+00;
	v26 =	vadd.bf16 v63, v8  }
0x18e: {  	v23 =	vld [tilespmem:s23+$0xCEB0];
	v9 =	vmul.bf16 v14, v17;
	v15 =	vadd.bf16 v0, v14;
	v17 =	vpack.i.f32.bf16 v11, v29  }
0x18f: {  	v18 =	vld [tilespmem:s23+$0xCC90];
	v11 =	vmul.bf16 v13, v43;
	v2 =	vadd.f32 v2, v1;
	v21 =	vmul.bf16 v14, v25  }
0x190: {  	v8 =	vld [tilespmem:s23+$0xCD10];
	v19 =	vpack.i.f32.bf16 v20, v24;
	v30 =	vmul.bf16 v17, v63;
	v24 =	vmul.bf16 v43, v28  }
0x191: {  	v29 =	vld [tilespmem:s23+$0xCEA0];
	v33 =	vadd.bf16 v0, v17;
	v50 =	vmul.bf16 v17, v22;
	v46 =	vadd.bf16 v22, v10  }
0x192: {  	v20 =	vld [tilespmem:s23+$0xCD00];
	v22 =	vimm.f32 $0.0e+00;
	v10 =	vimm.f32 $0.0e+00;
	v38 =	vmul.bf16 v28, v19  }
0x193: {  	v48 =	vmul.bf16 v19, v14;
	v14 =	vadd.bf16 v19, v15;
	v21 =	vadd.bf16 v0, v21  }
0x194: {  	v19 =	vmul.bf16 v19, v9;
	v53 =	vadd.bf16 v0, v9;
	v15 =	vadd.bf16 v0, v30  }
0x195: {  	v32 =	vld [tilespmem:s23+$0xCE80];
	v47 =	vmul.bf16 v13, v24;
	v40 =	vpack.i.f32.bf16 v18, v12;
	v12 =	vmul.bf16 v28, v48  }
0x196: {  	v19 =	vadd.bf16 v19, v21;
	v21 =	vld [tilespmem:s23+$0xCFA0];
	v54 =	vmul.bf16 v43, v38;
	v41 =	vadd.bf16 v28, v14  }
0x197: {  	v14 =	vimm.f32 $0.0e+00;
	v39 =	vpack.i.f32.bf16 v23, v29;
	v35 =	vpack.i.f32.bf16 v8, v20;
	v20 =	vld [tilespmem:s23+$0xCFB0]  }
0x198: {  	v45 =	vld [tilespmem:s23+$0xCE10];
	v18 =	vmul.bf16 v40, v17;
	v17 =	vimm.f32 $0.0e+00;
	v25 =	vmul.bf16 v39, v13  }
0x199: {  	v52 =	vld [tilespmem:s23+$0xCF10];
	v55 =	vadd.bf16 v12, v19;
	v19 =	vimm.f32 $0.0e+00;
	v12 =	vimm.f32 $0.0e+00  }
0x19a: {  	v7 =	vld [tilespmem:s23+$0xCF90];
	v8 =	vmul.bf16 v35, v40;
	v31 =	vmul.bf16 v35, v18;
	v9 =	vadd.bf16 v18, v15  }
0x19b: {  	v28 =	vld [tilespmem:s23+$0xCE90];
	v29 =	vmul.bf16 v6, v35;
	v15 =	vmul.bf16 v4, v39;
	v18 =	vimm.f32 $0.0e+00  }
0x19c: {  	v27 =	vmul.bf16 v6, v8;
	v51 =	vadd.bf16 v8, v9;
	v8 =	vld [tilespmem:s23+$0xCF80];
	v23 =	vpack.i.f32.bf16 v20, v21  }
0x19d: {  	s24 =	simm.s32 $0x2000;
	v9 =	vld [tilespmem:s23+$0xCE00];
	v21 =	vimm.f32 $0.0e+00;
	v20 =	vimm.f32 $0.0e+00;
	v44 =	vmul.bf16 v23, v15  }
.LBB2_7:
0x19e: {  	p1 =	sne.s32 s24, $0x18000;
	v56 =	vld [tilespmem:s23+$0xCF00];
	s23 =	sshra.s32 s24, $0x2;
	s24 =	sadd.s32 $0x1000, s24;
	v43 =	vadd.bf16 v43, v41;
	v41 =	vmul.bf16 v23, v4;
	v36 =	vshll.u32 v36, $0x10  }
0x19f: {  	v58 =	vmul.bf16 v39, v11;
	v57 =	vld [tilespmem:s23+$0xCF90];
	v42 =	vadd.bf16 v49, v42;
	v1 =	vadd.f32 v36, v1  }
0x1a0: {  	v37 =	vadd.bf16 v5, v37;
	v5 =	vmul.bf16 v4, v25;
	v49 =	vadd.bf16 v54, v55;
	v36 =	vld [tilespmem:s23+$0xCF80]  }
0x1a1: {  	v48 =	vadd.bf16 v48, v53;
	v54 =	vld [tilespmem:s23+$0xCF30];
	v53 =	vshll.u32 v42, $0x10;
	v42 =	vand.u32 $0xFFFF0000, v42  }
0x1a2: {  	v59 =	vand.u32 $0xFFFF0000, v26;
	v37 =	vadd.bf16 v3, v37;
	v3 =	vmovc v44;
	v55 =	vld [tilespmem:s23+$0xCF20];
	v22 =	vadd.f32 v53, v22  }
0x1a3: {  	v26 =	vshll.u32 v26, $0x10;
	v38 =	vadd.bf16 v38, v48;
	v21 =	vadd.f32 v42, v21;
	v44 =	vld [tilespmem:s23+$0xCD30]  }
0x1a4: {  	v30 =	vmul.bf16 v40, v30;
	v20 =	vadd.f32 v26, v20;
	v47 =	vadd.bf16 v47, v49;
	v42 =	vld [tilespmem:s23+$0xCDB0]  }
0x1a5: {  	v33 =	vadd.bf16 v40, v33;
	v40 =	vshll.u32 v37, $0x10;
	v37 =	vand.u32 $0xFFFF0000, v37;
	v26 =	vld [tilespmem:s23+$0xCE20]  }
0x1a6: {  	v19 =	vadd.f32 v59, v19;
	v13 =	vadd.bf16 v13, v43;
	v43 =	vshll.u32 v34, $0x10;
	v48 =	vld [tilespmem:s23+$0xCE30]  }
0x1a7: {  	v34 =	vand.u32 $0xFFFF0000, v34;
	v49 =	vadd.bf16 v0, v50;
	v50 =	vadd.bf16 v29, v51;
	v53 =	vld [tilespmem:s23+$0xCD20]  }
0x1a8: {  	v33 =	vadd.bf16 v35, v33;
	v35 =	vand.u32 $0xFFFF0000, v46;
	v18 =	vadd.f32 v37, v18;
	v51 =	vld [tilespmem:s23+$0xCEB0]  }
0x1a9: {  	v24 =	vadd.bf16 v24, v38;
	v30 =	vadd.bf16 v30, v49;
	v52 =	vpack.i.f32.bf16 v52, v56;
	v37 =	vld [tilespmem:s23+$0xCC30]  }
0x1aa: {  	v17 =	vadd.f32 v43, v17;
	v13 =	vadd.bf16 v39, v13;
	v49 =	vpack.i.f32.bf16 v7, v8;
	v7 =	vmovc v57;
	v38 =	vld [tilespmem:s23+$0xCDA0]  }
0x1ab: {  	v16 =	vadd.f32 v35, v16;
	v30 =	vadd.bf16 v31, v30;
	v31 =	vshll.u32 v46, $0x10;
	v8 =	vmovc v36;
	v39 =	vld [tilespmem:s23+$0xCD90]  }
0x1ac: {  	v35 =	vpack.i.f32.bf16 v45, v9;
	v33 =	vadd.bf16 v6, v33;
	v36 =	vadd.bf16 v4, v13;
	v9 =	vld [tilespmem:s23+$0xCE00]  }
0x1ad: {  	v11 =	vadd.bf16 v11, v24;
	v13 =	vmul.bf16 v35, v29;
	v4 =	vadd.bf16 v27, v30;
	v45 =	vld [tilespmem:s23+$0xCC10]  }
0x1ae: {  	v6 =	vmul.bf16 v35, v6;
	v14 =	vadd.f32 v31, v14;
	v27 =	vadd.bf16 v35, v33;
	v24 =	vld [tilespmem:s23+$0xCD80]  }
0x1af: {  	v28 =	vpack.i.f32.bf16 v28, v32;
	v12 =	vadd.f32 v40, v12;
	v30 =	vadd.bf16 v13, v4;
	v29 =	vld [tilespmem:s23+$0xCCB0]  }
0x1b0: {  	v32 =	vmul.bf16 v28, v6;
	v25 =	vadd.bf16 v25, v11;
	v27 =	vadd.bf16 v28, v27;
	v31 =	vld [tilespmem:s23+$0xCC20]  }
0x1b1: {  	v10 =	vadd.f32 v34, v10;
	v4 =	vpack.i.f32.bf16 v54, v55;
	v13 =	vpack.i.f32.bf16 v48, v26;
	v11 =	vld [tilespmem:s23+$0xCC00]  }
0x1b2: {  	v33 =	vmul.bf16 v28, v35;
	v26 =	vadd.bf16 v6, v50;
	v30 =	vadd.bf16 v32, v30  }
0x1b3: {  	v46 =	vmul.bf16 v49, v52;
	v27 =	vadd.bf16 v52, v27;
	v44 =	vpack.i.f32.bf16 v44, v53;
	v32 =	vld [tilespmem:s23+$0xCCA0]  }
0x1b4: {  	v55 =	vadd.bf16 v33, v26;
	v6 =	vpack.i.f32.bf16 v39, v24;
	v24 =	vmul.bf16 v52, v33  }
0x1b5: {  	v36 =	vadd.bf16 v23, v36;
	v26 =	vadd.bf16 v49, v27;
	v31 =	vpack.i.f32.bf16 v37, v31  }
0x1b6: {  	v43 =	vpack.i.f32.bf16 v42, v38;
	v27 =	vld [tilespmem:s23+$0xCD10];
	v23 =	vmul.bf16 v31, v23;
	v34 =	vadd.bf16 v0, v31  }
0x1b7: {  	v42 =	vadd.bf16 v24, v30;
	v37 =	vadd.bf16 v58, v47;
	v45 =	vpack.i.f32.bf16 v45, v11;
	v35 =	vld [tilespmem:s23+$0xCC90]  }
0x1b8: {  	v11 =	vmul.bf16 v13, v43;
	v39 =	vld [tilespmem:s23+$0xCC80];
	v29 =	vpack.i.f32.bf16 v29, v32;
	v32 =	vand.u32 $0xFFFF0000, v36  }
0x1b9: {  	v24 =	vmul.bf16 v43, v44;
	v30 =	vmul.bf16 v45, v49;
	v47 =	vld [tilespmem:s23+$0xCD00];
	v2 =	vadd.f32 v32, v2  }
0x1ba: {  	v15 =	vadd.bf16 v15, v25;
	v32 =	vmul.bf16 v31, v41;
	v38 =	vmul.bf16 v44, v29  }
0x1bb: {  	v33 =	vadd.bf16 v0, v45;
	v48 =	vmul.bf16 v29, v31;
	v56 =	vadd.bf16 v29, v34  }
0x1bc: {  	v25 =	vadd.bf16 v0, v30;
	v29 =	vmul.bf16 v29, v23;
	v31 =	vadd.bf16 v0, v32;
	v32 =	vld [tilespmem:s23+$0xCEA0]  }
0x1bd: {  	v34 =	vadd.bf16 v41, v15;
	v57 =	vmul.bf16 v44, v48;
	v40 =	vpack.i.f32.bf16 v35, v39  }
0x1be: {  	v15 =	vmul.bf16 v40, v45;
	v35 =	vpack.i.f32.bf16 v27, v47;
	v47 =	vmul.bf16 v13, v24;
	v58 =	vld [tilespmem:s23+$0xCFB0]  }
0x1bf: {  	v61 =	vmul.bf16 v52, v28;
	v59 =	vadd.bf16 v29, v31;
	v41 =	vmul.bf16 v35, v40;
	v60 =	vld [tilespmem:s23+$0xCFA0]  }
0x1c0: {  	v53 =	vadd.bf16 v0, v23;
	v54 =	vmul.bf16 v43, v38;
	v31 =	vmul.bf16 v35, v15  }
.Ltmp4:
0x1c1: {  	v15 =	vadd.bf16 v15, v25;
	v27 =	vmul.bf16 v6, v41;
	v39 =	vpack.i.f32.bf16 v51, v32;
	(pc) =	sbr.rel @p1 .LBB2_7-.Ltmp4, $4  }
0x1c2: {  	v52 =	vadd.bf16 v61, v55;
	v50 =	vmul.bf16 v45, v46;
	v29 =	vmul.bf16 v6, v35;
	v28 =	vld [tilespmem:s23+$0xCE90]  }
0x1c3: {  	v51 =	vadd.bf16 v41, v15;
	v25 =	vmul.bf16 v39, v13;
	v15 =	vmul.bf16 v4, v39;
	v32 =	vld [tilespmem:s23+$0xCE80]  }
0x1c4: {  	v46 =	vadd.bf16 v46, v52;
	v41 =	vadd.bf16 v44, v56;
	v45 =	vld [tilespmem:s23+$0xCE10];
	v23 =	vpack.i.f32.bf16 v58, v60  }
0x1c5: {  	v49 =	vmul.bf16 v49, v61;
	v55 =	vadd.bf16 v57, v59;
	v52 =	vld [tilespmem:s23+$0xCF10];
	v44 =	vmul.bf16 v23, v15  }
0x1c6: {  	v41 =	vadd.bf16 v43, v41;
	v36 =	vshll.u32 v36, $0x10  }
0x1c7: {  	v57 =	vmul.bf16 v23, v4;
	v5 =	vadd.bf16 v5, v37;
	v60 =	vadd.bf16 v48, v53  }
0x1c8: {  	v58 =	vmul.bf16 v39, v11;
	v33 =	vadd.bf16 v40, v33;
	v48 =	vadd.bf16 v0, v50  }
0x1c9: {  	v62 =	vand.u32 $0xFFFF0000, v26;
	v50 =	vadd.bf16 v29, v51;
	v42 =	vadd.bf16 v49, v42  }
0x1ca: {  	v26 =	vshll.u32 v26, $0x10;
	v1 =	vadd.f32 v36, v1;
	v59 =	vadd.bf16 v54, v55  }
0x1cb: {  	v51 =	vand.u32 $0xFFFF0000, v34;
	v20 =	vadd.f32 v26, v20;
	v19 =	vadd.f32 v62, v19  }
0x1cc: {  	v30 =	vmul.bf16 v40, v30;
	v10 =	vadd.f32 v51, v10;
	v3 =	vadd.bf16 v3, v5  }
0x1cd: {  	v49 =	vshll.u32 v34, $0x10;
	v5 =	vadd.bf16 v38, v60;
	v13 =	vadd.bf16 v13, v41  }
0x1ce: {  	v7 =	vpack.i.f32.bf16 v7, v8;
	v33 =	vadd.bf16 v35, v33;
	v17 =	vadd.f32 v49, v17  }
0x1cf: {  	v26 =	vld [tilespmem:s23+$0xCF00];
	v61 =	vshll.u32 v42, $0x10;
	v42 =	vand.u32 $0xFFFF0000, v42;
	v63 =	vadd.bf16 v47, v59  }
0x1d0: {  	v22 =	vadd.f32 v61, v22;
	v21 =	vadd.f32 v42, v21;
	v47 =	vshll.u32 v3, $0x10  }
0x1d1: {  	v3 =	vand.u32 $0xFFFF0000, v3;
	v5 =	vadd.bf16 v24, v5;
	v13 =	vadd.bf16 v39, v13  }
0x1d2: {  	v3 =	vadd.f32 v3, v18;
	v18 =	vadd.bf16 v30, v48;
	v30 =	vand.u32 $0xFFFF0000, v46  }
0x1d3: {  	v9 =	vpack.i.f32.bf16 v45, v9;
	v12 =	vadd.f32 v47, v12;
	v16 =	vadd.f32 v30, v16  }
0x1d4: {  	v24 =	vpack.i.f32.bf16 v52, v26;
	v30 =	vadd.bf16 v6, v33;
	v13 =	vadd.bf16 v4, v13  }
0x1d5: {  	v26 =	vshll.u32 v46, $0x10;
	v5 =	vadd.bf16 v11, v5;
	v18 =	vadd.bf16 v31, v18  }
0x1d6: {  	v6 =	vmul.bf16 v9, v6;
	v14 =	vadd.f32 v26, v14;
	v11 =	vadd.bf16 v9, v30  }
0x1d7: {  	v26 =	vpack.i.f32.bf16 v28, v32;
	v18 =	vadd.bf16 v27, v18;
	v27 =	vmul.bf16 v9, v29  }
0x1d8: {  	v5 =	vadd.bf16 v25, v5;
	v9 =	vmul.bf16 v26, v9;
	v11 =	vadd.bf16 v26, v11  }
0x1d9: {  	v8 =	vadd.bf16 v27, v18;
	v18 =	vadd.bf16 v6, v50;
	v6 =	vmul.bf16 v26, v6  }
0x1da: {  	v13 =	vadd.bf16 v23, v13;
	v26 =	vmul.bf16 v24, v26;
	v11 =	vadd.bf16 v24, v11  }
0x1db: {  	v18 =	vadd.bf16 v9, v18;
	v6 =	vadd.bf16 v6, v8;
	v8 =	vmul.bf16 v24, v9  }
0x1dc: {  	v5 =	vadd.bf16 v15, v5;
	v9 =	vadd.bf16 v7, v11;
	v11 =	vmul.bf16 v7, v24  }
0x1dd: {  	v7 =	vmul.bf16 v7, v26;
	v18 =	vadd.bf16 v26, v18;
	v6 =	vadd.bf16 v8, v6  }
0x1de: {  	v4 =	vmul.bf16 v4, v25;
	v5 =	vadd.bf16 v57, v5;
	v8 =	vadd.bf16 v58, v63  }
0x1df: {  	v11 =	vadd.bf16 v11, v18;
	v6 =	vadd.bf16 v7, v6;
	v7 =	vand.u32 $0xFFFF0000, v9  }
0x1e0: {  	v9 =	vshll.u32 v9, $0x10;
	v4 =	vadd.bf16 v4, v8;
	v8 =	vand.u32 $0xFFFF0000, v13  }
0x1e1: {  	v9 =	vadd.f32 v9, v20;
	v7 =	vadd.f32 v7, v19;
	v15 =	vshll.u32 v11, $0x10  }
0x1e2: {  	v2 =	vadd.f32 v8, v2;
	v11 =	vand.u32 $0xFFFF0000, v11;
	v14 =	vadd.f32 v15, v14  }
0x1e3: {  	v15 =	vshll.u32 v6, $0x10;
	v11 =	vadd.f32 v11, v16;
	v6 =	vand.u32 $0xFFFF0000, v6;
	[tilespmem:s22+$0x13180] =	vst v9  }
0x1e4: {  	v4 =	vadd.bf16 v44, v4;
	[tilespmem:s22+$0x13190] =	vst v7;
	v6 =	vadd.f32 v6, v21;
	v9 =	vmul.f32 $5.656854150e+00, v14  }
0x1e5: {  	[tilespmem:s22+$0x131B0] =	vst v2;
	v15 =	vadd.f32 v15, v22;
	v7 =	vmul.f32 $5.656854150e+00, v11;
	v11 =	vshll.u32 v13, $0x10  }
0x1e6: {  	v13 =	vshll.u32 v5, $0x10;
	v5 =	vand.u32 $0xFFFF0000, v5;
	v6 =	vmul.f32 $4.266666790e+01, v6;
	[tilespmem:s22+$0x13200] =	vst v9  }
0x1e7: {  	v8 =	vshll.u32 v4, $0x10;
	v1 =	vadd.f32 v11, v1;
	v5 =	vadd.f32 v5, v10;
	[tilespmem:s22+$0x13210] =	vst v7  }
0x1e8: {  	v4 =	vand.u32 $0xFFFF0000, v4;
	v9 =	vmul.f32 $4.266666790e+01, v15;
	v7 =	vadd.f32 v13, v17;
	[tilespmem:s22+$0x13290] =	vst v6  }
0x1e9: {  	v3 =	vadd.f32 v4, v3;
	[tilespmem:s22+$0x131A0] =	vst v1;
	v2 =	vmul.f32 $5.656854150e+00, v5  }
0x1ea: {  	v6 =	vadd.f32 v8, v12;
	[tilespmem:s22+$0x13280] =	vst v9;
	v1 =	vmul.f32 $5.656854150e+00, v7  }
0x1eb: {  	[tilespmem:s22+$0x13230] =	vst v2;
	v2 =	vmul.f32 $4.266666790e+01, v3  }
0x1ec: {  	[tilespmem:s22+$0x13220] =	vst v1;
	v1 =	vmul.f32 $4.266666790e+01, v6  }
0x1ed: {  	[tilespmem:s22+$0x132B0] =	vst v2  }
0x1ee: {  	s24 =	simm.s32 $0x0;
	[tilespmem:s22+$0x132A0] =	vst v1  }
0x1ef: {  	v2 =	vld [tilespmem:s24+$0xCFD0]  }
0x1f0: {  	v4 =	vld [tilespmem:s24+$0xCFC0]  }
0x1f1: {  	v3 =	vld [tilespmem:s24+$0xCF70]  }
0x1f2: {  	v5 =	vld [tilespmem:s24+$0xCF60]  }
0x1f3: {  	v6 =	vld [tilespmem:s24+$0xCD70]  }
0x1f4: {  	v7 =	vld [tilespmem:s24+$0xCDF0]  }
0x1f5: {  	v8 =	vld [tilespmem:s24+$0xCE60]  }
0x1f6: {  	v9 =	vld [tilespmem:s24+$0xCE70]  }
0x1f7: {  	v10 =	vld [tilespmem:s24+$0xCD60]  }
0x1f8: {  	v12 =	vld [tilespmem:s24+$0xCC70]  }
0x1f9: {  	v13 =	vld [tilespmem:s24+$0xCDE0]  }
0x1fa: {  	v14 =	vld [tilespmem:s24+$0xCDD0]  }
0x1fb: {  	v16 =	vld [tilespmem:s24+$0xCC50]  }
0x1fc: {  	v17 =	vld [tilespmem:s24+$0xCDC0]  }
0x1fd: {  	v18 =	vld [tilespmem:s24+$0xCCF0]  }
0x1fe: {  	v19 =	vld [tilespmem:s24+$0xCC60]  }
0x1ff: {  	v20 =	vld [tilespmem:s24+$0xCC40]  }
0x200: {  	v21 =	vld [tilespmem:s24+$0xCCE0]  }
0x201: {  	v53 =	vld [tilespmem:s24+$0xCF50]  }
0x202: {  	v56 =	vld [tilespmem:s24+$0xCF40]  }
0x203: {  	v11 =	vld [tilespmem:s24+$0xCEF0]  }
0x204: {  	v23 =	vimm.bf16 $0.0e+00;
	v1 =	vimm.f32 $0.0e+00;
	v22 =	vld [tilespmem:s24+$0xCD50]  }
0x205: {  	v24 =	vld [tilespmem:s24+$0xCCD0];
	v8 =	vpack.i.f32.bf16 v9, v8;
	v9 =	vpack.i.f32.bf16 v3, v5;
	v3 =	vpack.i.f32.bf16 v12, v19  }
0x206: {  	v27 =	vld [tilespmem:s24+$0xCFE0];
	v6 =	vpack.i.f32.bf16 v6, v10;
	v10 =	vpack.i.f32.bf16 v14, v17;
	v7 =	vpack.i.f32.bf16 v7, v13  }
0x207: {  	v5 =	vld [tilespmem:s24+$0xCCC0];
	v13 =	vpack.i.f32.bf16 v16, v20;
	v18 =	vpack.i.f32.bf16 v18, v21;
	v62 =	vpack.i.f32.bf16 v53, v56  }
0x208: {  	v14 =	vld [tilespmem:s24+$0xCD40];
	v63 =	vpack.i.f32.bf16 v2, v4;
	v12 =	vmul.bf16 v3, v23;
	v19 =	vmul.bf16 v8, v7  }
0x209: {  	v16 =	vld [tilespmem:s24+$0xCEE0];
	v17 =	vadd.bf16 v0, v3;
	v20 =	vmul.bf16 v13, v23;
	v23 =	vmul.bf16 v7, v6  }
0x20a: {  	v21 =	vld [tilespmem:s24+$0xCFF0];
	v25 =	vmul.bf16 v6, v18;
	v26 =	vadd.bf16 v0, v13;
	v3 =	vmul.bf16 v18, v3  }
0x20b: {  	v17 =	vadd.bf16 v18, v17;
	v30 =	vadd.bf16 v0, v12;
	v12 =	vmul.bf16 v18, v12  }
0x20c: {  	v28 =	vadd.bf16 v0, v20;
	v31 =	vmul.bf16 v8, v23;
	v55 =	vmul.bf16 v7, v25  }
0x20d: {  	v5 =	vpack.i.f32.bf16 v24, v5;
	v24 =	vmul.bf16 v6, v3;
	v14 =	vpack.i.f32.bf16 v22, v14  }
0x20e: {  	v12 =	vadd.bf16 v12, v30;
	v11 =	vpack.i.f32.bf16 v11, v16;
	v6 =	vadd.bf16 v6, v17  }
0x20f: {  	v15 =	vld [tilespmem:s24+$0xCE40];
	v17 =	vpack.i.f32.bf16 v21, v27;
	v13 =	vmul.bf16 v5, v13;
	v52 =	vmul.bf16 v14, v5  }
0x210: {  	s23 =	simm.s32 $0x400;
	v29 =	vld [tilespmem:s24+$0xCED0];
	v21 =	vadd.bf16 v3, v30;
	v16 =	vmul.bf16 v10, v14;
	v59 =	vmul.bf16 v9, v11  }
0x211: {  	v58 =	vld [tilespmem:s23+$0xCF70];
	v20 =	vmul.bf16 v5, v20;
	v26 =	vadd.bf16 v5, v26;
	v12 =	vadd.bf16 v24, v12  }
0x212: {  	v60 =	vld [tilespmem:s23+$0xCDF0];
	v30 =	vmul.bf16 v11, v8;
	v6 =	vadd.bf16 v7, v6;
	v7 =	vadd.bf16 v25, v21  }
0x213: {  	v2 =	vld [tilespmem:s23+$0xCDD0];
	v54 =	vmul.bf16 v14, v13;
	v13 =	vadd.bf16 v13, v28;
	v20 =	vadd.bf16 v20, v28  }
0x214: {  	v22 =	vld [tilespmem:s24+$0xCE50];
	v61 =	vmul.bf16 v11, v19;
	v12 =	vadd.bf16 v55, v12;
	v6 =	vadd.bf16 v8, v6  }
0x215: {  	v18 =	vld [tilespmem:s24+$0xCEC0];
	v25 =	vmul.bf16 v17, v9;
	v7 =	vadd.bf16 v23, v7;
	v13 =	vadd.bf16 v52, v13  }
0x216: {  	v21 =	vld [tilespmem:s23+$0xCE60];
	v57 =	vmul.bf16 v10, v52;
	v20 =	vadd.bf16 v54, v20;
	v12 =	vadd.bf16 v31, v12  }
0x217: {  	v3 =	vmul.bf16 v17, v59;
	v23 =	vld [tilespmem:s23+$0xCDE0];
	v6 =	vadd.bf16 v11, v6;
	v7 =	vadd.bf16 v19, v7  }
0x218: {  	v5 =	vmul.bf16 v9, v30;
	v31 =	vld [tilespmem:s23+$0xCE70];
	v28 =	vadd.bf16 v16, v13;
	v13 =	vadd.bf16 v14, v26  }
0x219: {  	v27 =	vld [tilespmem:s23+$0xCD70];
	v15 =	vpack.i.f32.bf16 v22, v15;
	v9 =	vadd.bf16 v9, v6;
	v7 =	vadd.bf16 v30, v7  }
0x21a: {  	v8 =	vld [tilespmem:s23+$0xCD60];
	v16 =	vmul.bf16 v15, v16;
	v37 =	vadd.bf16 v61, v12;
	v4 =	vadd.bf16 v10, v13  }
0x21b: {  	v24 =	vld [tilespmem:s23+$0xCF60];
	v13 =	vadd.bf16 v57, v20;
	v10 =	vmul.bf16 v15, v10;
	v36 =	vadd.bf16 v17, v9  }
0x21c: {  	v19 =	vld [tilespmem:s23+$0xCDC0];
	v43 =	vpack.i.f32.bf16 v60, v23;
	v7 =	vadd.bf16 v59, v7;
	v4 =	vadd.bf16 v15, v4  }
0x21d: {  	v14 =	vld [tilespmem:s23+$0xCC70];
	v6 =	vadd.bf16 v16, v13;
	v16 =	vpack.i.f32.bf16 v29, v18;
	v13 =	vpack.i.f32.bf16 v31, v21  }
0x21e: {  	v18 =	vld [tilespmem:s23+$0xCC60];
	v26 =	vmul.bf16 v16, v10;
	v10 =	vadd.bf16 v10, v28;
	v15 =	vmul.bf16 v16, v15  }
0x21f: {  	v11 =	vld [tilespmem:s23+$0xCC50];
	v28 =	vpack.i.f32.bf16 v27, v8;
	v34 =	vadd.bf16 v25, v7;
	v22 =	vadd.bf16 v16, v4  }
0x220: {  	v29 =	vld [tilespmem:s23+$0xCC40];
	v4 =	vpack.i.f32.bf16 v58, v24;
	v16 =	vmul.bf16 v62, v16;
	v21 =	vadd.bf16 v26, v6  }
0x221: {  	v20 =	vld [tilespmem:s23+$0xCCF0];
	v6 =	vpack.i.f32.bf16 v2, v19;
	v10 =	vadd.bf16 v15, v10;
	v2 =	vmul.bf16 v62, v15  }
0x222: {  	v24 =	vld [tilespmem:s23+$0xCCE0];
	v8 =	vadd.bf16 v62, v22;
	v22 =	vmul.bf16 v63, v62;
	v49 =	vmul.bf16 v63, v16  }
0x223: {  	v14 =	vpack.i.f32.bf16 v14, v18;
	v42 =	vadd.bf16 v2, v21;
	v2 =	vand.u32 $0xFFFF0000, v36  }
0x224: {  	v12 =	vld [tilespmem:s23+$0xCCC0];
	v10 =	vadd.bf16 v16, v10;
	v16 =	vimm.f32 $0.0e+00;
	v26 =	vadd.bf16 v63, v8  }
0x225: {  	v23 =	vld [tilespmem:s23+$0xCEF0];
	v9 =	vmul.bf16 v14, v17;
	v15 =	vadd.bf16 v0, v14;
	v17 =	vpack.i.f32.bf16 v11, v29  }
0x226: {  	v18 =	vld [tilespmem:s23+$0xCCD0];
	v11 =	vmul.bf16 v13, v43;
	v2 =	vadd.f32 v2, v1;
	v21 =	vmul.bf16 v14, v25  }
0x227: {  	v8 =	vld [tilespmem:s23+$0xCD50];
	v19 =	vpack.i.f32.bf16 v20, v24;
	v30 =	vmul.bf16 v17, v63;
	v24 =	vmul.bf16 v43, v28  }
0x228: {  	v29 =	vld [tilespmem:s23+$0xCEE0];
	v33 =	vadd.bf16 v0, v17;
	v50 =	vmul.bf16 v17, v22;
	v46 =	vadd.bf16 v22, v10  }
0x229: {  	v20 =	vld [tilespmem:s23+$0xCD40];
	v22 =	vimm.f32 $0.0e+00;
	v10 =	vimm.f32 $0.0e+00;
	v38 =	vmul.bf16 v28, v19  }
0x22a: {  	v48 =	vmul.bf16 v19, v14;
	v14 =	vadd.bf16 v19, v15;
	v21 =	vadd.bf16 v0, v21  }
0x22b: {  	v19 =	vmul.bf16 v19, v9;
	v53 =	vadd.bf16 v0, v9;
	v15 =	vadd.bf16 v0, v30  }
0x22c: {  	v32 =	vld [tilespmem:s23+$0xCEC0];
	v47 =	vmul.bf16 v13, v24;
	v40 =	vpack.i.f32.bf16 v18, v12;
	v12 =	vmul.bf16 v28, v48  }
0x22d: {  	v19 =	vadd.bf16 v19, v21;
	v21 =	vld [tilespmem:s23+$0xCFE0];
	v54 =	vmul.bf16 v43, v38;
	v41 =	vadd.bf16 v28, v14  }
0x22e: {  	v14 =	vimm.f32 $0.0e+00;
	v39 =	vpack.i.f32.bf16 v23, v29;
	v35 =	vpack.i.f32.bf16 v8, v20;
	v20 =	vld [tilespmem:s23+$0xCFF0]  }
0x22f: {  	v45 =	vld [tilespmem:s23+$0xCE50];
	v18 =	vmul.bf16 v40, v17;
	v17 =	vimm.f32 $0.0e+00;
	v25 =	vmul.bf16 v39, v13  }
0x230: {  	v52 =	vld [tilespmem:s23+$0xCF50];
	v55 =	vadd.bf16 v12, v19;
	v19 =	vimm.f32 $0.0e+00;
	v12 =	vimm.f32 $0.0e+00  }
0x231: {  	v7 =	vld [tilespmem:s23+$0xCFD0];
	v8 =	vmul.bf16 v35, v40;
	v31 =	vmul.bf16 v35, v18;
	v9 =	vadd.bf16 v18, v15  }
0x232: {  	v28 =	vld [tilespmem:s23+$0xCED0];
	v29 =	vmul.bf16 v6, v35;
	v15 =	vmul.bf16 v4, v39;
	v18 =	vimm.f32 $0.0e+00  }
0x233: {  	v27 =	vmul.bf16 v6, v8;
	v51 =	vadd.bf16 v8, v9;
	v8 =	vld [tilespmem:s23+$0xCFC0];
	v23 =	vpack.i.f32.bf16 v20, v21  }
0x234: {  	s24 =	simm.s32 $0x2000;
	v9 =	vld [tilespmem:s23+$0xCE40];
	v21 =	vimm.f32 $0.0e+00;
	v20 =	vimm.f32 $0.0e+00;
	v44 =	vmul.bf16 v23, v15  }
.LBB2_9:
0x235: {  	p1 =	sne.s32 s24, $0x18000;
	v56 =	vld [tilespmem:s23+$0xCF40];
	s23 =	sshra.s32 s24, $0x2;
	s24 =	sadd.s32 $0x1000, s24;
	v43 =	vadd.bf16 v43, v41;
	v41 =	vmul.bf16 v23, v4;
	v36 =	vshll.u32 v36, $0x10  }
0x236: {  	v58 =	vmul.bf16 v39, v11;
	v57 =	vld [tilespmem:s23+$0xCFD0];
	v42 =	vadd.bf16 v49, v42;
	v1 =	vadd.f32 v36, v1  }
0x237: {  	v37 =	vadd.bf16 v5, v37;
	v5 =	vmul.bf16 v4, v25;
	v49 =	vadd.bf16 v54, v55;
	v36 =	vld [tilespmem:s23+$0xCFC0]  }
0x238: {  	v48 =	vadd.bf16 v48, v53;
	v54 =	vld [tilespmem:s23+$0xCF70];
	v53 =	vshll.u32 v42, $0x10;
	v42 =	vand.u32 $0xFFFF0000, v42  }
0x239: {  	v59 =	vand.u32 $0xFFFF0000, v26;
	v37 =	vadd.bf16 v3, v37;
	v3 =	vmovc v44;
	v55 =	vld [tilespmem:s23+$0xCF60];
	v22 =	vadd.f32 v53, v22  }
0x23a: {  	v26 =	vshll.u32 v26, $0x10;
	v38 =	vadd.bf16 v38, v48;
	v21 =	vadd.f32 v42, v21;
	v44 =	vld [tilespmem:s23+$0xCD70]  }
0x23b: {  	v30 =	vmul.bf16 v40, v30;
	v20 =	vadd.f32 v26, v20;
	v47 =	vadd.bf16 v47, v49;
	v42 =	vld [tilespmem:s23+$0xCDF0]  }
0x23c: {  	v33 =	vadd.bf16 v40, v33;
	v40 =	vshll.u32 v37, $0x10;
	v37 =	vand.u32 $0xFFFF0000, v37;
	v26 =	vld [tilespmem:s23+$0xCE60]  }
0x23d: {  	v19 =	vadd.f32 v59, v19;
	v13 =	vadd.bf16 v13, v43;
	v43 =	vshll.u32 v34, $0x10;
	v48 =	vld [tilespmem:s23+$0xCE70]  }
0x23e: {  	v34 =	vand.u32 $0xFFFF0000, v34;
	v49 =	vadd.bf16 v0, v50;
	v50 =	vadd.bf16 v29, v51;
	v53 =	vld [tilespmem:s23+$0xCD60]  }
0x23f: {  	v33 =	vadd.bf16 v35, v33;
	v35 =	vand.u32 $0xFFFF0000, v46;
	v18 =	vadd.f32 v37, v18;
	v51 =	vld [tilespmem:s23+$0xCEF0]  }
0x240: {  	v24 =	vadd.bf16 v24, v38;
	v30 =	vadd.bf16 v30, v49;
	v52 =	vpack.i.f32.bf16 v52, v56;
	v37 =	vld [tilespmem:s23+$0xCC70]  }
0x241: {  	v17 =	vadd.f32 v43, v17;
	v13 =	vadd.bf16 v39, v13;
	v49 =	vpack.i.f32.bf16 v7, v8;
	v7 =	vmovc v57;
	v38 =	vld [tilespmem:s23+$0xCDE0]  }
0x242: {  	v16 =	vadd.f32 v35, v16;
	v30 =	vadd.bf16 v31, v30;
	v31 =	vshll.u32 v46, $0x10;
	v8 =	vmovc v36;
	v39 =	vld [tilespmem:s23+$0xCDD0]  }
0x243: {  	v35 =	vpack.i.f32.bf16 v45, v9;
	v33 =	vadd.bf16 v6, v33;
	v36 =	vadd.bf16 v4, v13;
	v9 =	vld [tilespmem:s23+$0xCE40]  }
0x244: {  	v11 =	vadd.bf16 v11, v24;
	v13 =	vmul.bf16 v35, v29;
	v4 =	vadd.bf16 v27, v30;
	v45 =	vld [tilespmem:s23+$0xCC50]  }
0x245: {  	v6 =	vmul.bf16 v35, v6;
	v14 =	vadd.f32 v31, v14;
	v27 =	vadd.bf16 v35, v33;
	v24 =	vld [tilespmem:s23+$0xCDC0]  }
0x246: {  	v28 =	vpack.i.f32.bf16 v28, v32;
	v12 =	vadd.f32 v40, v12;
	v30 =	vadd.bf16 v13, v4;
	v29 =	vld [tilespmem:s23+$0xCCF0]  }
0x247: {  	v32 =	vmul.bf16 v28, v6;
	v25 =	vadd.bf16 v25, v11;
	v27 =	vadd.bf16 v28, v27;
	v31 =	vld [tilespmem:s23+$0xCC60]  }
0x248: {  	v10 =	vadd.f32 v34, v10;
	v4 =	vpack.i.f32.bf16 v54, v55;
	v13 =	vpack.i.f32.bf16 v48, v26;
	v11 =	vld [tilespmem:s23+$0xCC40]  }
0x249: {  	v33 =	vmul.bf16 v28, v35;
	v26 =	vadd.bf16 v6, v50;
	v30 =	vadd.bf16 v32, v30  }
0x24a: {  	v46 =	vmul.bf16 v49, v52;
	v27 =	vadd.bf16 v52, v27;
	v44 =	vpack.i.f32.bf16 v44, v53;
	v32 =	vld [tilespmem:s23+$0xCCE0]  }
0x24b: {  	v55 =	vadd.bf16 v33, v26;
	v6 =	vpack.i.f32.bf16 v39, v24;
	v24 =	vmul.bf16 v52, v33  }
0x24c: {  	v36 =	vadd.bf16 v23, v36;
	v26 =	vadd.bf16 v49, v27;
	v31 =	vpack.i.f32.bf16 v37, v31  }
0x24d: {  	v43 =	vpack.i.f32.bf16 v42, v38;
	v27 =	vld [tilespmem:s23+$0xCD50];
	v23 =	vmul.bf16 v31, v23;
	v34 =	vadd.bf16 v0, v31  }
0x24e: {  	v42 =	vadd.bf16 v24, v30;
	v37 =	vadd.bf16 v58, v47;
	v45 =	vpack.i.f32.bf16 v45, v11;
	v35 =	vld [tilespmem:s23+$0xCCD0]  }
0x24f: {  	v11 =	vmul.bf16 v13, v43;
	v39 =	vld [tilespmem:s23+$0xCCC0];
	v29 =	vpack.i.f32.bf16 v29, v32;
	v32 =	vand.u32 $0xFFFF0000, v36  }
0x250: {  	v24 =	vmul.bf16 v43, v44;
	v30 =	vmul.bf16 v45, v49;
	v47 =	vld [tilespmem:s23+$0xCD40];
	v2 =	vadd.f32 v32, v2  }
0x251: {  	v15 =	vadd.bf16 v15, v25;
	v32 =	vmul.bf16 v31, v41;
	v38 =	vmul.bf16 v44, v29  }
0x252: {  	v33 =	vadd.bf16 v0, v45;
	v48 =	vmul.bf16 v29, v31;
	v56 =	vadd.bf16 v29, v34  }
0x253: {  	v25 =	vadd.bf16 v0, v30;
	v29 =	vmul.bf16 v29, v23;
	v31 =	vadd.bf16 v0, v32;
	v32 =	vld [tilespmem:s23+$0xCEE0]  }
0x254: {  	v34 =	vadd.bf16 v41, v15;
	v57 =	vmul.bf16 v44, v48;
	v40 =	vpack.i.f32.bf16 v35, v39  }
0x255: {  	v15 =	vmul.bf16 v40, v45;
	v35 =	vpack.i.f32.bf16 v27, v47;
	v47 =	vmul.bf16 v13, v24;
	v58 =	vld [tilespmem:s23+$0xCFF0]  }
0x256: {  	v61 =	vmul.bf16 v52, v28;
	v59 =	vadd.bf16 v29, v31;
	v41 =	vmul.bf16 v35, v40;
	v60 =	vld [tilespmem:s23+$0xCFE0]  }
0x257: {  	v53 =	vadd.bf16 v0, v23;
	v54 =	vmul.bf16 v43, v38;
	v31 =	vmul.bf16 v35, v15  }
.Ltmp5:
0x258: {  	v15 =	vadd.bf16 v15, v25;
	v27 =	vmul.bf16 v6, v41;
	v39 =	vpack.i.f32.bf16 v51, v32;
	(pc) =	sbr.rel @p1 .LBB2_9-.Ltmp5, $4  }
0x259: {  	v52 =	vadd.bf16 v61, v55;
	v50 =	vmul.bf16 v45, v46;
	v29 =	vmul.bf16 v6, v35;
	v28 =	vld [tilespmem:s23+$0xCED0]  }
0x25a: {  	v51 =	vadd.bf16 v41, v15;
	v25 =	vmul.bf16 v39, v13;
	v15 =	vmul.bf16 v4, v39;
	v32 =	vld [tilespmem:s23+$0xCEC0]  }
0x25b: {  	v46 =	vadd.bf16 v46, v52;
	v41 =	vadd.bf16 v44, v56;
	v45 =	vld [tilespmem:s23+$0xCE50];
	v23 =	vpack.i.f32.bf16 v58, v60  }
0x25c: {  	v49 =	vmul.bf16 v49, v61;
	v55 =	vadd.bf16 v57, v59;
	v52 =	vld [tilespmem:s23+$0xCF50];
	v44 =	vmul.bf16 v23, v15  }
0x25d: {  	v41 =	vadd.bf16 v43, v41  }
0x25e: {  	v36 =	vshll.u32 v36, $0x10;
	v43 =	vmul.bf16 v23, v4;
	v5 =	vadd.bf16 v5, v37  }
0x25f: {  	v60 =	vadd.bf16 v48, v53;
	v62 =	vand.u32 $0xFFFF0000, v26;
	v33 =	vadd.bf16 v40, v33  }
0x260: {  	v48 =	vshll.u32 v26, $0x10;
	v56 =	vadd.bf16 v0, v50;
	v58 =	vadd.bf16 v29, v51  }
0x261: {  	v30 =	vmul.bf16 v40, v30;
	v42 =	vadd.bf16 v49, v42;
	v1 =	vadd.f32 v36, v1  }
0x262: {  	v57 =	vshll.u32 v34, $0x10;
	v59 =	vadd.bf16 v54, v55;
	v20 =	vadd.f32 v48, v20  }
0x263: {  	v7 =	vpack.i.f32.bf16 v7, v8;
	v19 =	vadd.f32 v62, v19;
	v17 =	vadd.f32 v57, v17  }
0x264: {  	v51 =	vmul.bf16 v4, v25;
	v3 =	vadd.bf16 v3, v5;
	v63 =	vadd.bf16 v38, v60  }
0x265: {  	v36 =	vmul.bf16 v39, v11;
	v13 =	vadd.bf16 v13, v41;
	v33 =	vadd.bf16 v35, v33  }
0x266: {  	v60 =	vadd.bf16 v30, v56;
	v41 =	vpack.i.f32.bf16 v28, v32;
	v61 =	vshll.u32 v42, $0x10  }
0x267: {  	v42 =	vand.u32 $0xFFFF0000, v42;
	v37 =	vadd.bf16 v47, v59;
	v59 =	vand.u32 $0xFFFF0000, v34  }
0x268: {  	v22 =	vadd.f32 v61, v22;
	v21 =	vadd.f32 v42, v21;
	v55 =	vshll.u32 v3, $0x10  }
0x269: {  	v3 =	vand.u32 $0xFFFF0000, v3;
	v5 =	vadd.bf16 v24, v63;
	v13 =	vadd.bf16 v39, v13  }
0x26a: {  	v54 =	vld [tilespmem:s23+$0xCF40];
	v61 =	vand.u32 $0xFFFF0000, v46;
	v33 =	vadd.bf16 v6, v33;
	v10 =	vadd.f32 v59, v10  }
0x26b: {  	v63 =	vshll.u32 v46, $0x10;
	v3 =	vadd.f32 v3, v18;
	v18 =	vadd.bf16 v31, v60  }
0x26c: {  	v9 =	vpack.i.f32.bf16 v45, v9;
	v16 =	vadd.f32 v61, v16;
	v14 =	vadd.f32 v63, v14  }
0x26d: {  	v40 =	vmul.bf16 v9, v6;
	v12 =	vadd.f32 v55, v12;
	v50 =	vadd.bf16 v36, v37  }
0x26e: {  	v35 =	vmul.bf16 v9, v29;
	v13 =	vadd.bf16 v4, v13;
	v5 =	vadd.bf16 v11, v5  }
0x26f: {  	v62 =	vpack.i.f32.bf16 v52, v54;
	v39 =	vadd.bf16 v9, v33;
	v46 =	vadd.bf16 v40, v58  }
0x270: {  	v9 =	vmul.bf16 v41, v9;
	v18 =	vadd.bf16 v27, v18;
	v4 =	vadd.bf16 v51, v50  }
0x271: {  	v6 =	vmul.bf16 v41, v40;
	v11 =	vadd.bf16 v41, v39;
	v5 =	vadd.bf16 v25, v5  }
0x272: {  	v26 =	vmul.bf16 v62, v41;
	v13 =	vadd.bf16 v23, v13;
	v45 =	vadd.bf16 v35, v18  }
0x273: {  	v49 =	vmul.bf16 v7, v62;
	v18 =	vadd.bf16 v9, v46;
	v4 =	vadd.bf16 v44, v4  }
0x274: {  	v47 =	vmul.bf16 v62, v9;
	v11 =	vadd.bf16 v62, v11;
	v5 =	vadd.bf16 v15, v5  }
0x275: {  	v58 =	vshll.u32 v13, $0x10;
	v6 =	vadd.bf16 v6, v45;
	v18 =	vadd.bf16 v26, v18  }
0x276: {  	v57 =	vand.u32 $0xFFFF0000, v13;
	v1 =	vadd.f32 v58, v1;
	v48 =	vadd.bf16 v7, v11  }
0x277: {  	v7 =	vmul.bf16 v7, v26;
	v5 =	vadd.bf16 v43, v5;
	v6 =	vadd.bf16 v47, v6  }
0x278: {  	v2 =	vadd.f32 v57, v2;
	v11 =	vadd.bf16 v49, v18;
	v52 =	vand.u32 $0xFFFF0000, v48  }
0x279: {  	v9 =	vshll.u32 v48, $0x10;
	v60 =	vshll.u32 v5, $0x10;
	v6 =	vadd.bf16 v7, v6  }
0x27a: {  	[tilespmem:s22+$0x131E0] =	vst v1;
	v5 =	vand.u32 $0xFFFF0000, v5;
	v9 =	vadd.f32 v9, v20;
	v61 =	vadd.f32 v60, v17  }
0x27b: {  	[tilespmem:s22+$0x131F0] =	vst v2;
	v53 =	vshll.u32 v11, $0x10;
	v7 =	vadd.f32 v52, v19;
	v5 =	vadd.f32 v5, v10  }
0x27c: {  	v11 =	vand.u32 $0xFFFF0000, v11;
	v14 =	vadd.f32 v53, v14;
	[tilespmem:s22+$0x131C0] =	vst v9;
	v1 =	vmul.f32 $5.656854150e+00, v61  }
0x27d: {  	v62 =	vshll.u32 v4, $0x10;
	v11 =	vadd.f32 v11, v16;
	[tilespmem:s22+$0x131D0] =	vst v7;
	v2 =	vmul.f32 $5.656854150e+00, v5  }
0x27e: {  	v4 =	vand.u32 $0xFFFF0000, v4;
	v63 =	vadd.f32 v62, v12;
	v55 =	vmul.f32 $5.656854150e+00, v14;
	[tilespmem:s22+$0x13260] =	vst v1  }
0x27f: {  	v3 =	vadd.f32 v4, v3;
	v54 =	vshll.u32 v6, $0x10;
	v56 =	vmul.f32 $5.656854150e+00, v11;
	[tilespmem:s22+$0x13270] =	vst v2  }
0x280: {  	v6 =	vand.u32 $0xFFFF0000, v6;
	v15 =	vadd.f32 v54, v22;
	v1 =	vmul.f32 $4.266666790e+01, v63;
	[tilespmem:s22+$0x13240] =	vst v55  }
.Ltmp6:
0x281: {  	v6 =	vadd.f32 v6, v21;
	v2 =	vmul.f32 $4.266666790e+01, v3;
	[tilespmem:s22+$0x13250] =	vst v56;
	(pc) =	sbr.rel @p0 .LBB2_12-.Ltmp6, $4  }
0x282: {  	v59 =	vmul.f32 $4.266666790e+01, v15;
	[tilespmem:s22+$0x132E0] =	vst v1  }
0x283: {  	v6 =	vmul.f32 $4.266666790e+01, v6;
	[tilespmem:s22+$0x132F0] =	vst v2  }
0x284: {  	[tilespmem:s22+$0x132C0] =	vst v59  }
0x285: {  	[tilespmem:s22+$0x132D0] =	vst v6  }
0x286: {  	s22 =	smul.u32 $0x680, s21;
	_ =	sdelay $0x1  }
0x287: {  	s22 =	sshra.s32 s22, $0x2  }
0x288: {  	s23 =	sadd.s32 $0x270, s22  }
0x289: {  	[tilespmem:s14], [sflag:$0x2] =	stream.indirect.gather [hbm4b:s2+s9], $0x80, s23, s9, $0xb8;
	[tilespmem:$0x19000] =	vst v63  }
0x28a: {  	p0 =	sne.s32 s21, $0x1F;
	s22 =	sadd.s32 $0x2D8, s22  }
0x28b: {  	[tilespmem:s16], [sflag:$0x2] =	stream.indirect.gather [hbm4b:s2+s9], $0x80, s22, s9, $0xb8;
	[tilespmem:$0x19000] =	vst v63  }
0x28c: {  	s23 =	simm.s32 @!p0 $0x13000;
	s22 =	simm.s32 @!p0 $0x0  }
0x28d: {  	[hbm4b:s5+s22] =	stream.linear.scatter @!p0 [tilespmem:s23], [sflag:$0x3], $0x6000, $0x38;
	[tilespmem:$0x19000] =	vst v63  }
.Ltmp7:
0x28e: {  	_ = 	snop;
	(pc) =	sbr.rel .LBB2_2-.Ltmp7, $4  }
0x28f: {  	s22 =	simm.s32 @!p0 $0x3  }
0x290: {  	_ =	swait.ge @!p0 [sflag:s22], $0x6000  }
0x291: {  	[sflag:s22] =	ssyncset.done @!p0 $0x0  }
0x292: {  	s21 =	sadd.s32 $0x1, s21;
	[sflag:s22] =	ssyncadd.s32 @!p0 $0xFFFFA000  }
.LBB2_13:
0x293: {  	_ =	sfence.sel $0x180000  }
0x294: {  	[bflag:$0x0] =	sbarrier.arrive $0xFFFF  }
0x295: {  	p0 =	sne.s32 s0, $0x0;
	_ =	strace $0x90000047  }
0x296: {  	s0 =	sadd.s32 @!p0 $0x100000, s1;
	[bflag:$0x2] =	sbarrier.arrive $0xFFFF  }
0x297: {  	[sflag:s0] =	ssyncadd.tile.s32 @!p0 $0x1;
	_ =	shalt  }
.Lfunc_end2:
_tile_overlayer_lowered:
.L_overlay_start_2:
0x298: {  	(tag) =	ssettag $0x2  }
0x299: {  	s0 =	rddreg [dreg:$0x0];
	s2 =	stileid.u32  }
0x29a: {  	s1 =	rddreg [dreg:$0x1];
	p0 =	sne.s32 s2, $0x0  }
0x29b: {  	s3 =	rddreg [dreg:$0x2];
	[bflag:$0x3] =	sbarrier.arrive $0xFFFF;
	s2 =	simm.s32 @!p0 $0x1C03  }
0x29c: {  	[timem:s3], [sflag:s2] =	dma.local @!p0 [hbm:s0], s1  }
0x29d: {  	s0 =	simm.s32 @!p0 $0x3  }
0x29e: {  	_ =	swait.ge @!p0 [sflag:s0], s1  }
0x29f: {  	s1 =	ssub.s32 @!p0 $0x0, s1;
	[sflag:s0] =	ssyncset.done @!p0 $0x0  }
0x2a0: {  	[sflag:s0] =	ssyncadd.s32 @!p0 s1  }
0x2a1: {  	[bflag:$0x3] =	sbarrier.arrive $0xFFFF  }
0x2a2: {  	_ =	shalt  }

</sc_bundles>
